<compile_context>
chip_gen: v7x
topology: tpu7x:2x2x1
jax: 0.10.2.dev20260603
libtpu: 0.0.44.dev20260713+nightly
codegen_flags: <defaults>
</compile_context>

<pallas_src>
import math

import jax
import jax.numpy as jnp
from jax import lax
from jax.experimental import pallas as pl
from jax.experimental.pallas import tpu as pltpu
from jax.experimental.pallas import tpu_sc as plsc

D_MODEL = 64
SCALE = math.sqrt(D_MODEL)
NC, NS, L = 2, 16, 16
B_TOTAL = 4096
S_TOTAL = 200
NBUF = 4


def _tec_body(x4_hbm, tab_hbm, out_hbm, idx_v,
              i0, i1, i2, i3, g0, g1, g2, g3, t0, t1, t2, t3,
              gsem, osem):
    c = lax.axis_index("c")
    t = lax.axis_index("s")
    b0c = c * NS + t
    boff = b0c * 128

    idx2 = [i0, i1, i2, i3]
    gbufs = [g0, g1, g2, g3]
    tbufs = [t0, t1, t2, t3]

    pltpu.sync_copy(x4_hbm.at[pl.ds(b0c * S_TOTAL, S_TOTAL)], idx_v)

    rows_c = [jax.lax.iota(jnp.int32, L) + blg * L for blg in range(8)]

    def prep(g, b):
        for k in range(8):
            sl = pl.ds(k * L, L)
            idx2[b][sl] = jax.lax.shift_right_logical(idx_v[g, sl], 1)

    def gather(b):
        return pltpu.make_async_copy(tab_hbm.at[idx2[b]], gbufs[b],
                                     gsem.at[b])

    def put(g, b):
        return pltpu.make_async_copy(
            tbufs[b], out_hbm.at[g, :, pl.ds(boff, 128)], osem.at[b])

    for b in range(NBUF):
        prep(b, b)
        gather(b).start()

    niter = S_TOTAL // NBUF

    @pl.loop(0, niter)
    def chunk_loop(g0_):
        for b in range(NBUF):
            g = g0_ * NBUF + b
            gather(b).wait()

            @pl.when(g0_ > 0)
            def _wait_prev_put():
                put(g - NBUF, b).wait()

            base16 = [
                jax.lax.shift_left(idx_v[g, pl.ds(k * L, L)] & 1, 6)
                for k in range(8)
            ]
            gb = gbufs[b]
            tb = tbufs[b]

            @plsc.parallel_loop(0, D_MODEL, unroll=2)
            def _transpose(d):
                for blg in range(8):
                    cols = base16[blg] + d
                    v16 = plsc.load_gather(gb, [rows_c[blg], cols])
                    tb[d, pl.ds(blg * L, L)] = v16 * SCALE

            put(g, b).start()

            @pl.when(g0_ < niter - 1)
            def _next_gather():
                prep(g + NBUF, b)
                gather(b).start()

    for b in range(NBUF):
        put((niter - 1) * NBUF + b, b).wait()


def kernel(x, table):
    x4 = (x.T.astype(jnp.int32)
          .reshape(S_TOTAL, B_TOTAL // 128, 128)
          .transpose(1, 0, 2)
          .reshape(-1, 128))
    tab2 = table.reshape(-1, 2 * D_MODEL)

    mesh = plsc.VectorSubcoreMesh(
        core_axis_name="c", subcore_axis_name="s",
        num_cores=NC, num_subcores=NS)

    sc_call = pl.kernel(
        _tec_body,
        out_type=jax.ShapeDtypeStruct((S_TOTAL, D_MODEL, B_TOTAL),
                                      jnp.float32),
        mesh=mesh,
        scratch_types=(
            [pltpu.VMEM((S_TOTAL, 128), jnp.int32)]
            + [pltpu.VMEM((128,), jnp.int32) for _ in range(NBUF)]
            + [pltpu.VMEM((128, 128), jnp.float32) for _ in range(NBUF)]
            + [pltpu.VMEM((D_MODEL, 128), jnp.float32) for _ in range(NBUF)]
            + [pltpu.SemaphoreType.DMA((NBUF,)),
               pltpu.SemaphoreType.DMA((NBUF,))]
        ),
        compiler_params=pltpu.CompilerParams(
            use_tc_tiling_on_sc=True, needs_layout_passes=False),
    )
    out3 = sc_call(x4, tab2)
    return out3.transpose(2, 0, 1)

# --- scband reference (transcript-rebuilt; emitter-appended) ---
"""Pipeline reference for scband-token-embedding-2259152798507 (READ-ONLY COPY).

The authoritative reference and input builder live on the scoring server;
editing this copy changes nothing except your own understanding.
"""

import math
import jax, jax.numpy as jnp
import numpy as np

VOCAB_SIZE = 1000000
D_MODEL = 64
BATCH = 4096
SEQ_LEN = 200


def setup_inputs(seed: int = 0) -> dict:
    key = jax.random.key(seed)
    k1, k2 = jax.random.split(key)
    x = jax.random.randint(k1, (BATCH, SEQ_LEN), 0, VOCAB_SIZE, dtype=jnp.int64 if jax.config.read('jax_enable_x64') else jnp.int32)
    table = jax.random.normal(k2, (VOCAB_SIZE, D_MODEL), dtype=jnp.float32)
    return {"x": x, "table": table}


def reference(x, table):
    # TokenEmbedding.forward: embedding lookup then scale by sqrt(d_model)
    scale = math.sqrt(D_MODEL)
    embeddings = jnp.take(table, x, axis=0)  # (B, S, d_model)
    return embeddings * scale

if __name__ == "__main__":
    import jax
    _d = setup_inputs()
    print(jax.jit(kernel)(*tuple(_d.values())))

</pallas_src>

<mosaic_0001>
#map = affine_map<(d0, d1) -> (0, 0)>
#map1 = affine_map<(d0, d1) -> (0, 0, 0)>
module attributes {stable_mosaic.version = 14 : i64} {
  func.func @_tec_body(%arg0: i32, %arg1: i32, %arg2: memref<6400x128xi32, #tpu.memory_space<hbm>>, %arg3: memref<500000x128xf32, #tpu.memory_space<hbm>>, %arg4: memref<200x64x4096xf32, #tpu.memory_space<hbm>>, %arg5: memref<200x128xi32, #tpu.memory_space<vmem>>, %arg6: memref<128xi32, #tpu.memory_space<vmem>>, %arg7: memref<128xi32, #tpu.memory_space<vmem>>, %arg8: memref<128xi32, #tpu.memory_space<vmem>>, %arg9: memref<128xi32, #tpu.memory_space<vmem>>, %arg10: memref<128x128xf32, #tpu.memory_space<vmem>>, %arg11: memref<128x128xf32, #tpu.memory_space<vmem>>, %arg12: memref<128x128xf32, #tpu.memory_space<vmem>>, %arg13: memref<128x128xf32, #tpu.memory_space<vmem>>, %arg14: memref<64x128xf32, #tpu.memory_space<vmem>>, %arg15: memref<64x128xf32, #tpu.memory_space<vmem>>, %arg16: memref<64x128xf32, #tpu.memory_space<vmem>>, %arg17: memref<64x128xf32, #tpu.memory_space<vmem>>, %arg18: memref<4x!tpu.dma_semaphore, #tpu.memory_space<semaphore_mem>>, %arg19: memref<4x!tpu.dma_semaphore, #tpu.memory_space<semaphore_mem>>) attributes {dimension_semantics = [#tpu.dimension_semantics<core_parallel>, #tpu.dimension_semantics<subcore_parallel>], iteration_bounds = array<i64: 2, 16>, scalar_prefetch = 0 : i64, scratch_operands = 15 : i64, tpu.core_type = #tpu.core_type<sc_vector_subcore>, window_params = [{transform_indices = #map}, {transform_indices = #map}, {transform_indices = #map1}]} {
    %mul3A = arith.constant 16 : i32
    %mul3A_0 = arith.muli %arg0, %mul3A : i32
    %add3A = arith.addi %mul3A_0, %arg1 : i32
    %mul3A_1 = arith.constant 128 : i32
    %mul3A_2 = arith.muli %add3A, %mul3A_1 : i32
    %mul3A_3 = arith.constant 200 : i32
    %mul3A_4 = arith.muli %add3A, %mul3A_3 : i32
    "tpu.region"() ({
      %run_scoped3A = tpu.sem_alloc : memref<!tpu.dma_semaphore, #tpu.memory_space<semaphore_mem>>
      %dma_start3A_387 = arith.constant 0 : i32
      %dma_start3A_388 = tpu.memref_slice %arg2[%mul3A_4, %dma_start3A_387] : memref<6400x128xi32, #tpu.memory_space<hbm>> -> memref<200x128xi32, #tpu.memory_space<hbm>>
      %dma_start3A_389 = arith.constant 0 : i32
      %dma_start3A_390 = tpu.memref_slice %arg2[%mul3A_4, %dma_start3A_389] : memref<6400x128xi32, #tpu.memory_space<hbm>> -> memref<200x128xi32, #tpu.memory_space<hbm>>
      tpu.enqueue_dma source(%dma_start3A_390 : memref<200x128xi32, #tpu.memory_space<hbm>>) target(%arg5 : memref<200x128xi32, #tpu.memory_space<vmem>>) target_semaphore(%run_scoped3A : memref<!tpu.dma_semaphore, #tpu.memory_space<semaphore_mem>>)
      %dma_wait3A_391 = arith.constant 0 : i32
      %dma_wait3A_392 = tpu.memref_slice %arg2[%mul3A_4, %dma_wait3A_391] : memref<6400x128xi32, #tpu.memory_space<hbm>> -> memref<200x128xi32, #tpu.memory_space<hbm>>
      %dma_wait3A_393 = arith.constant 0 : i32
      %dma_wait3A_394 = tpu.memref_slice %arg2[%mul3A_4, %dma_wait3A_393] : memref<6400x128xi32, #tpu.memory_space<hbm>> -> memref<200x128xi32, #tpu.memory_space<hbm>>
      tpu.wait_dma2 semaphore(%run_scoped3A : memref<!tpu.dma_semaphore, #tpu.memory_space<semaphore_mem>>) src(%dma_wait3A_394 : memref<200x128xi32, #tpu.memory_space<hbm>>) dst(%arg5 : memref<200x128xi32, #tpu.memory_space<vmem>>)
      tpu.yield
    }) : () -> ()
    %iota3A = tpu.iota {dimensions = array<i32: 0>} : vector<16xi32>
    %add3A_5 = arith.constant 0 : i32
    %add3A_6 = vector.broadcast %add3A_5 : i32 to vector<16xi32>
    %add3A_7 = arith.addi %iota3A, %add3A_6 : vector<16xi32>
    %iota3A_8 = tpu.iota {dimensions = array<i32: 0>} : vector<16xi32>
    %add3A_9 = arith.constant 16 : i32
    %add3A_10 = vector.broadcast %add3A_9 : i32 to vector<16xi32>
    %add3A_11 = arith.addi %iota3A_8, %add3A_10 : vector<16xi32>
    %iota3A_12 = tpu.iota {dimensions = array<i32: 0>} : vector<16xi32>
    %add3A_13 = arith.constant 32 : i32
    %add3A_14 = vector.broadcast %add3A_13 : i32 to vector<16xi32>
    %add3A_15 = arith.addi %iota3A_12, %add3A_14 : vector<16xi32>
    %iota3A_16 = tpu.iota {dimensions = array<i32: 0>} : vector<16xi32>
    %add3A_17 = arith.constant 48 : i32
    %add3A_18 = vector.broadcast %add3A_17 : i32 to vector<16xi32>
    %add3A_19 = arith.addi %iota3A_16, %add3A_18 : vector<16xi32>
    %iota3A_20 = tpu.iota {dimensions = array<i32: 0>} : vector<16xi32>
    %add3A_21 = arith.constant 64 : i32
    %add3A_22 = vector.broadcast %add3A_21 : i32 to vector<16xi32>
    %add3A_23 = arith.addi %iota3A_20, %add3A_22 : vector<16xi32>
    %iota3A_24 = tpu.iota {dimensions = array<i32: 0>} : vector<16xi32>
    %add3A_25 = arith.constant 80 : i32
    %add3A_26 = vector.broadcast %add3A_25 : i32 to vector<16xi32>
    %add3A_27 = arith.addi %iota3A_24, %add3A_26 : vector<16xi32>
    %iota3A_28 = tpu.iota {dimensions = array<i32: 0>} : vector<16xi32>
    %add3A_29 = arith.constant 96 : i32
    %add3A_30 = vector.broadcast %add3A_29 : i32 to vector<16xi32>
    %add3A_31 = arith.addi %iota3A_28, %add3A_30 : vector<16xi32>
    %iota3A_32 = tpu.iota {dimensions = array<i32: 0>} : vector<16xi32>
    %add3A_33 = arith.constant 112 : i32
    %add3A_34 = vector.broadcast %add3A_33 : i32 to vector<16xi32>
    %add3A_35 = arith.addi %iota3A_32, %add3A_34 : vector<16xi32>
    %get3A = arith.constant 0 : i32
    %get3A_36 = arith.index_cast %get3A : i32 to index
    %get3A_37 = arith.constant 0 : index
    %get3A_38 = tpu.vector_load %arg5[%get3A_36, %get3A_37] {strides = array<i32>} : memref<200x128xi32, #tpu.memory_space<vmem>>, vector<16xi32>,
    %shift_right_logical3A = arith.constant 1 : i32
    %shift_right_logical3A_39 = vector.broadcast %shift_right_logical3A : i32 to vector<16xi32>
    %shift_right_logical3A_40 = arith.shrui %get3A_38, %shift_right_logical3A_39 : vector<16xi32>
    %swap3A = arith.constant 0 : index
    %swap3A_41 = tpu.vector_load %arg6[%swap3A] {strides = array<i32>} : memref<128xi32, #tpu.memory_space<vmem>>, vector<16xi32>,
    tpu.vector_store %arg6[%swap3A], %shift_right_logical3A_40 {strides = array<i32>} : memref<128xi32, #tpu.memory_space<vmem>>, vector<16xi32>,
    %get3A_42 = arith.constant 0 : i32
    %get3A_43 = arith.index_cast %get3A_42 : i32 to index
    %get3A_44 = arith.constant 16 : index
    %get3A_45 = tpu.vector_load %arg5[%get3A_43, %get3A_44] {strides = array<i32>} : memref<200x128xi32, #tpu.memory_space<vmem>>, vector<16xi32>,
    %shift_right_logical3A_46 = arith.constant 1 : i32
    %shift_right_logical3A_47 = vector.broadcast %shift_right_logical3A_46 : i32 to vector<16xi32>
    %shift_right_logical3A_48 = arith.shrui %get3A_45, %shift_right_logical3A_47 : vector<16xi32>
    %swap3A_49 = arith.constant 16 : index
    %swap3A_50 = tpu.vector_load %arg6[%swap3A_49] {strides = array<i32>} : memref<128xi32, #tpu.memory_space<vmem>>, vector<16xi32>,
    tpu.vector_store %arg6[%swap3A_49], %shift_right_logical3A_48 {strides = array<i32>} : memref<128xi32, #tpu.memory_space<vmem>>, vector<16xi32>,
    %get3A_51 = arith.constant 0 : i32
    %get3A_52 = arith.index_cast %get3A_51 : i32 to index
    %get3A_53 = arith.constant 32 : index
    %get3A_54 = tpu.vector_load %arg5[%get3A_52, %get3A_53] {strides = array<i32>} : memref<200x128xi32, #tpu.memory_space<vmem>>, vector<16xi32>,
    %shift_right_logical3A_55 = arith.constant 1 : i32
    %shift_right_logical3A_56 = vector.broadcast %shift_right_logical3A_55 : i32 to vector<16xi32>
    %shift_right_logical3A_57 = arith.shrui %get3A_54, %shift_right_logical3A_56 : vector<16xi32>
    %swap3A_58 = arith.constant 32 : index
    %swap3A_59 = tpu.vector_load %arg6[%swap3A_58] {strides = array<i32>} : memref<128xi32, #tpu.memory_space<vmem>>, vector<16xi32>,
    tpu.vector_store %arg6[%swap3A_58], %shift_right_logical3A_57 {strides = array<i32>} : memref<128xi32, #tpu.memory_space<vmem>>, vector<16xi32>,
    %get3A_60 = arith.constant 0 : i32
    %get3A_61 = arith.index_cast %get3A_60 : i32 to index
    %get3A_62 = arith.constant 48 : index
    %get3A_63 = tpu.vector_load %arg5[%get3A_61, %get3A_62] {strides = array<i32>} : memref<200x128xi32, #tpu.memory_space<vmem>>, vector<16xi32>,
    %shift_right_logical3A_64 = arith.constant 1 : i32
    %shift_right_logical3A_65 = vector.broadcast %shift_right_logical3A_64 : i32 to vector<16xi32>
    %shift_right_logical3A_66 = arith.shrui %get3A_63, %shift_right_logical3A_65 : vector<16xi32>
    %swap3A_67 = arith.constant 48 : index
    %swap3A_68 = tpu.vector_load %arg6[%swap3A_67] {strides = array<i32>} : memref<128xi32, #tpu.memory_space<vmem>>, vector<16xi32>,
    tpu.vector_store %arg6[%swap3A_67], %shift_right_logical3A_66 {strides = array<i32>} : memref<128xi32, #tpu.memory_space<vmem>>, vector<16xi32>,
    %get3A_69 = arith.constant 0 : i32
    %get3A_70 = arith.index_cast %get3A_69 : i32 to index
    %get3A_71 = arith.constant 64 : index
    %get3A_72 = tpu.vector_load %arg5[%get3A_70, %get3A_71] {strides = array<i32>} : memref<200x128xi32, #tpu.memory_space<vmem>>, vector<16xi32>,
    %shift_right_logical3A_73 = arith.constant 1 : i32
    %shift_right_logical3A_74 = vector.broadcast %shift_right_logical3A_73 : i32 to vector<16xi32>
    %shift_right_logical3A_75 = arith.shrui %get3A_72, %shift_right_logical3A_74 : vector<16xi32>
    %swap3A_76 = arith.constant 64 : index
    %swap3A_77 = tpu.vector_load %arg6[%swap3A_76] {strides = array<i32>} : memref<128xi32, #tpu.memory_space<vmem>>, vector<16xi32>,
    tpu.vector_store %arg6[%swap3A_76], %shift_right_logical3A_75 {strides = array<i32>} : memref<128xi32, #tpu.memory_space<vmem>>, vector<16xi32>,
    %get3A_78 = arith.constant 0 : i32
    %get3A_79 = arith.index_cast %get3A_78 : i32 to index
    %get3A_80 = arith.constant 80 : index
    %get3A_81 = tpu.vector_load %arg5[%get3A_79, %get3A_80] {strides = array<i32>} : memref<200x128xi32, #tpu.memory_space<vmem>>, vector<16xi32>,
    %shift_right_logical3A_82 = arith.constant 1 : i32
    %shift_right_logical3A_83 = vector.broadcast %shift_right_logical3A_82 : i32 to vector<16xi32>
    %shift_right_logical3A_84 = arith.shrui %get3A_81, %shift_right_logical3A_83 : vector<16xi32>
    %swap3A_85 = arith.constant 80 : index
    %swap3A_86 = tpu.vector_load %arg6[%swap3A_85] {strides = array<i32>} : memref<128xi32, #tpu.memory_space<vmem>>, vector<16xi32>,
    tpu.vector_store %arg6[%swap3A_85], %shift_right_logical3A_84 {strides = array<i32>} : memref<128xi32, #tpu.memory_space<vmem>>, vector<16xi32>,
    %get3A_87 = arith.constant 0 : i32
    %get3A_88 = arith.index_cast %get3A_87 : i32 to index
    %get3A_89 = arith.constant 96 : index
    %get3A_90 = tpu.vector_load %arg5[%get3A_88, %get3A_89] {strides = array<i32>} : memref<200x128xi32, #tpu.memory_space<vmem>>, vector<16xi32>,
    %shift_right_logical3A_91 = arith.constant 1 : i32
    %shift_right_logical3A_92 = vector.broadcast %shift_right_logical3A_91 : i32 to vector<16xi32>
    %shift_right_logical3A_93 = arith.shrui %get3A_90, %shift_right_logical3A_92 : vector<16xi32>
    %swap3A_94 = arith.constant 96 : index
    %swap3A_95 = tpu.vector_load %arg6[%swap3A_94] {strides = array<i32>} : memref<128xi32, #tpu.memory_space<vmem>>, vector<16xi32>,
    tpu.vector_store %arg6[%swap3A_94], %shift_right_logical3A_93 {strides = array<i32>} : memref<128xi32, #tpu.memory_space<vmem>>, vector<16xi32>,
    %get3A_96 = arith.constant 0 : i32
    %get3A_97 = arith.index_cast %get3A_96 : i32 to index
    %get3A_98 = arith.constant 112 : index
    %get3A_99 = tpu.vector_load %arg5[%get3A_97, %get3A_98] {strides = array<i32>} : memref<200x128xi32, #tpu.memory_space<vmem>>, vector<16xi32>,
    %shift_right_logical3A_100 = arith.constant 1 : i32
    %shift_right_logical3A_101 = vector.broadcast %shift_right_logical3A_100 : i32 to vector<16xi32>
    %shift_right_logical3A_102 = arith.shrui %get3A_99, %shift_right_logical3A_101 : vector<16xi32>
    %swap3A_103 = arith.constant 112 : index
    %swap3A_104 = tpu.vector_load %arg6[%swap3A_103] {strides = array<i32>} : memref<128xi32, #tpu.memory_space<vmem>>, vector<16xi32>,
    tpu.vector_store %arg6[%swap3A_103], %shift_right_logical3A_102 {strides = array<i32>} : memref<128xi32, #tpu.memory_space<vmem>>, vector<16xi32>,
    %dma_start3A = arith.constant 0 : i32
    %dma_start3A_105 = arith.constant 0 : i32
    %dma_start3A_106 = arith.constant 0 : i32
    %dma_start3A_107 = tpu.memref_slice %arg3[%dma_start3A_105, %dma_start3A_106] : memref<500000x128xf32, #tpu.memory_space<hbm>> -> memref<500000x128xf32, #tpu.memory_space<hbm>>
    %dma_start3A_108 = tpu.memref_slice %arg18[%dma_start3A] : memref<4x!tpu.dma_semaphore, #tpu.memory_space<semaphore_mem>> -> memref<1x!tpu.dma_semaphore, #tpu.memory_space<semaphore_mem>>
    %dma_start3A_109 = tpu.memref_squeeze %dma_start3A_108 : memref<1x!tpu.dma_semaphore, #tpu.memory_space<semaphore_mem>> -> memref<!tpu.dma_semaphore, #tpu.memory_space<semaphore_mem>>
    tpu.enqueue_indirect_dma source(%dma_start3A_107 : memref<500000x128xf32, #tpu.memory_space<hbm>>) target(%arg10 : memref<128x128xf32, #tpu.memory_space<vmem>>) offsets(%arg6 : memref<128xi32, #tpu.memory_space<vmem>>) semaphore(%dma_start3A_109 : memref<!tpu.dma_semaphore, #tpu.memory_space<semaphore_mem>>)
    %get3A_110 = arith.constant 1 : i32
    %get3A_111 = arith.index_cast %get3A_110 : i32 to index
    %get3A_112 = arith.constant 0 : index
    %get3A_113 = tpu.vector_load %arg5[%get3A_111, %get3A_112] {strides = array<i32>} : memref<200x128xi32, #tpu.memory_space<vmem>>, vector<16xi32>,
    %shift_right_logical3A_114 = arith.constant 1 : i32
    %shift_right_logical3A_115 = vector.broadcast %shift_right_logical3A_114 : i32 to vector<16xi32>
    %shift_right_logical3A_116 = arith.shrui %get3A_113, %shift_right_logical3A_115 : vector<16xi32>
    %swap3A_117 = arith.constant 0 : index
    %swap3A_118 = tpu.vector_load %arg7[%swap3A_117] {strides = array<i32>} : memref<128xi32, #tpu.memory_space<vmem>>, vector<16xi32>,
    tpu.vector_store %arg7[%swap3A_117], %shift_right_logical3A_116 {strides = array<i32>} : memref<128xi32, #tpu.memory_space<vmem>>, vector<16xi32>,
    %get3A_119 = arith.constant 1 : i32
    %get3A_120 = arith.index_cast %get3A_119 : i32 to index
    %get3A_121 = arith.constant 16 : index
    %get3A_122 = tpu.vector_load %arg5[%get3A_120, %get3A_121] {strides = array<i32>} : memref<200x128xi32, #tpu.memory_space<vmem>>, vector<16xi32>,
    %shift_right_logical3A_123 = arith.constant 1 : i32
    %shift_right_logical3A_124 = vector.broadcast %shift_right_logical3A_123 : i32 to vector<16xi32>
    %shift_right_logical3A_125 = arith.shrui %get3A_122, %shift_right_logical3A_124 : vector<16xi32>
    %swap3A_126 = arith.constant 16 : index
    %swap3A_127 = tpu.vector_load %arg7[%swap3A_126] {strides = array<i32>} : memref<128xi32, #tpu.memory_space<vmem>>, vector<16xi32>,
    tpu.vector_store %arg7[%swap3A_126], %shift_right_logical3A_125 {strides = array<i32>} : memref<128xi32, #tpu.memory_space<vmem>>, vector<16xi32>,
    %get3A_128 = arith.constant 1 : i32
    %get3A_129 = arith.index_cast %get3A_128 : i32 to index
    %get3A_130 = arith.constant 32 : index
    %get3A_131 = tpu.vector_load %arg5[%get3A_129, %get3A_130] {strides = array<i32>} : memref<200x128xi32, #tpu.memory_space<vmem>>, vector<16xi32>,
    %shift_right_logical3A_132 = arith.constant 1 : i32
    %shift_right_logical3A_133 = vector.broadcast %shift_right_logical3A_132 : i32 to vector<16xi32>
    %shift_right_logical3A_134 = arith.shrui %get3A_131, %shift_right_logical3A_133 : vector<16xi32>
    %swap3A_135 = arith.constant 32 : index
    %swap3A_136 = tpu.vector_load %arg7[%swap3A_135] {strides = array<i32>} : memref<128xi32, #tpu.memory_space<vmem>>, vector<16xi32>,
    tpu.vector_store %arg7[%swap3A_135], %shift_right_logical3A_134 {strides = array<i32>} : memref<128xi32, #tpu.memory_space<vmem>>, vector<16xi32>,
    %get3A_137 = arith.constant 1 : i32
    %get3A_138 = arith.index_cast %get3A_137 : i32 to index
    %get3A_139 = arith.constant 48 : index
    %get3A_140 = tpu.vector_load %arg5[%get3A_138, %get3A_139] {strides = array<i32>} : memref<200x128xi32, #tpu.memory_space<vmem>>, vector<16xi32>,
    %shift_right_logical3A_141 = arith.constant 1 : i32
    %shift_right_logical3A_142 = vector.broadcast %shift_right_logical3A_141 : i32 to vector<16xi32>
    %shift_right_logical3A_143 = arith.shrui %get3A_140, %shift_right_logical3A_142 : vector<16xi32>
    %swap3A_144 = arith.constant 48 : index
    %swap3A_145 = tpu.vector_load %arg7[%swap3A_144] {strides = array<i32>} : memref<128xi32, #tpu.memory_space<vmem>>, vector<16xi32>,
    tpu.vector_store %arg7[%swap3A_144], %shift_right_logical3A_143 {strides = array<i32>} : memref<128xi32, #tpu.memory_space<vmem>>, vector<16xi32>,
    %get3A_146 = arith.constant 1 : i32
    %get3A_147 = arith.index_cast %get3A_146 : i32 to index
    %get3A_148 = arith.constant 64 : index
    %get3A_149 = tpu.vector_load %arg5[%get3A_147, %get3A_148] {strides = array<i32>} : memref<200x128xi32, #tpu.memory_space<vmem>>, vector<16xi32>,
    %shift_right_logical3A_150 = arith.constant 1 : i32
    %shift_right_logical3A_151 = vector.broadcast %shift_right_logical3A_150 : i32 to vector<16xi32>
    %shift_right_logical3A_152 = arith.shrui %get3A_149, %shift_right_logical3A_151 : vector<16xi32>
    %swap3A_153 = arith.constant 64 : index
    %swap3A_154 = tpu.vector_load %arg7[%swap3A_153] {strides = array<i32>} : memref<128xi32, #tpu.memory_space<vmem>>, vector<16xi32>,
    tpu.vector_store %arg7[%swap3A_153], %shift_right_logical3A_152 {strides = array<i32>} : memref<128xi32, #tpu.memory_space<vmem>>, vector<16xi32>,
    %get3A_155 = arith.constant 1 : i32
    %get3A_156 = arith.index_cast %get3A_155 : i32 to index
    %get3A_157 = arith.constant 80 : index
    %get3A_158 = tpu.vector_load %arg5[%get3A_156, %get3A_157] {strides = array<i32>} : memref<200x128xi32, #tpu.memory_space<vmem>>, vector<16xi32>,
    %shift_right_logical3A_159 = arith.constant 1 : i32
    %shift_right_logical3A_160 = vector.broadcast %shift_right_logical3A_159 : i32 to vector<16xi32>
    %shift_right_logical3A_161 = arith.shrui %get3A_158, %shift_right_logical3A_160 : vector<16xi32>
    %swap3A_162 = arith.constant 80 : index
    %swap3A_163 = tpu.vector_load %arg7[%swap3A_162] {strides = array<i32>} : memref<128xi32, #tpu.memory_space<vmem>>, vector<16xi32>,
    tpu.vector_store %arg7[%swap3A_162], %shift_right_logical3A_161 {strides = array<i32>} : memref<128xi32, #tpu.memory_space<vmem>>, vector<16xi32>,
    %get3A_164 = arith.constant 1 : i32
    %get3A_165 = arith.index_cast %get3A_164 : i32 to index
    %get3A_166 = arith.constant 96 : index
    %get3A_167 = tpu.vector_load %arg5[%get3A_165, %get3A_166] {strides = array<i32>} : memref<200x128xi32, #tpu.memory_space<vmem>>, vector<16xi32>,
    %shift_right_logical3A_168 = arith.constant 1 : i32
    %shift_right_logical3A_169 = vector.broadcast %shift_right_logical3A_168 : i32 to vector<16xi32>
    %shift_right_logical3A_170 = arith.shrui %get3A_167, %shift_right_logical3A_169 : vector<16xi32>
    %swap3A_171 = arith.constant 96 : index
    %swap3A_172 = tpu.vector_load %arg7[%swap3A_171] {strides = array<i32>} : memref<128xi32, #tpu.memory_space<vmem>>, vector<16xi32>,
    tpu.vector_store %arg7[%swap3A_171], %shift_right_logical3A_170 {strides = array<i32>} : memref<128xi32, #tpu.memory_space<vmem>>, vector<16xi32>,
    %get3A_173 = arith.constant 1 : i32
    %get3A_174 = arith.index_cast %get3A_173 : i32 to index
    %get3A_175 = arith.constant 112 : index
    %get3A_176 = tpu.vector_load %arg5[%get3A_174, %get3A_175] {strides = array<i32>} : memref<200x128xi32, #tpu.memory_space<vmem>>, vector<16xi32>,
    %shift_right_logical3A_177 = arith.constant 1 : i32
    %shift_right_logical3A_178 = vector.broadcast %shift_right_logical3A_177 : i32 to vector<16xi32>
    %shift_right_logical3A_179 = arith.shrui %get3A_176, %shift_right_logical3A_178 : vector<16xi32>
    %swap3A_180 = arith.constant 112 : index
    %swap3A_181 = tpu.vector_load %arg7[%swap3A_180] {strides = array<i32>} : memref<128xi32, #tpu.memory_space<vmem>>, vector<16xi32>,
    tpu.vector_store %arg7[%swap3A_180], %shift_right_logical3A_179 {strides = array<i32>} : memref<128xi32, #tpu.memory_space<vmem>>, vector<16xi32>,
    %dma_start3A_182 = arith.constant 1 : i32
    %dma_start3A_183 = arith.constant 0 : i32
    %dma_start3A_184 = arith.constant 0 : i32
    %dma_start3A_185 = tpu.memref_slice %arg3[%dma_start3A_183, %dma_start3A_184] : memref<500000x128xf32, #tpu.memory_space<hbm>> -> memref<500000x128xf32, #tpu.memory_space<hbm>>
    %dma_start3A_186 = tpu.memref_slice %arg18[%dma_start3A_182] : memref<4x!tpu.dma_semaphore, #tpu.memory_space<semaphore_mem>> -> memref<1x!tpu.dma_semaphore, #tpu.memory_space<semaphore_mem>>
    %dma_start3A_187 = tpu.memref_squeeze %dma_start3A_186 : memref<1x!tpu.dma_semaphore, #tpu.memory_space<semaphore_mem>> -> memref<!tpu.dma_semaphore, #tpu.memory_space<semaphore_mem>>
    tpu.enqueue_indirect_dma source(%dma_start3A_185 : memref<500000x128xf32, #tpu.memory_space<hbm>>) target(%arg11 : memref<128x128xf32, #tpu.memory_space<vmem>>) offsets(%arg7 : memref<128xi32, #tpu.memory_space<vmem>>) semaphore(%dma_start3A_187 : memref<!tpu.dma_semaphore, #tpu.memory_space<semaphore_mem>>)
    %get3A_188 = arith.constant 2 : i32
    %get3A_189 = arith.index_cast %get3A_188 : i32 to index
    %get3A_190 = arith.constant 0 : index
    %get3A_191 = tpu.vector_load %arg5[%get3A_189, %get3A_190] {strides = array<i32>} : memref<200x128xi32, #tpu.memory_space<vmem>>, vector<16xi32>,
    %shift_right_logical3A_192 = arith.constant 1 : i32
    %shift_right_logical3A_193 = vector.broadcast %shift_right_logical3A_192 : i32 to vector<16xi32>
    %shift_right_logical3A_194 = arith.shrui %get3A_191, %shift_right_logical3A_193 : vector<16xi32>
    %swap3A_195 = arith.constant 0 : index
    %swap3A_196 = tpu.vector_load %arg8[%swap3A_195] {strides = array<i32>} : memref<128xi32, #tpu.memory_space<vmem>>, vector<16xi32>,
    tpu.vector_store %arg8[%swap3A_195], %shift_right_logical3A_194 {strides = array<i32>} : memref<128xi32, #tpu.memory_space<vmem>>, vector<16xi32>,
    %get3A_197 = arith.constant 2 : i32
    %get3A_198 = arith.index_cast %get3A_197 : i32 to index
    %get3A_199 = arith.constant 16 : index
    %get3A_200 = tpu.vector_load %arg5[%get3A_198, %get3A_199] {strides = array<i32>} : memref<200x128xi32, #tpu.memory_space<vmem>>, vector<16xi32>,
    %shift_right_logical3A_201 = arith.constant 1 : i32
    %shift_right_logical3A_202 = vector.broadcast %shift_right_logical3A_201 : i32 to vector<16xi32>
    %shift_right_logical3A_203 = arith.shrui %get3A_200, %shift_right_logical3A_202 : vector<16xi32>
    %swap3A_204 = arith.constant 16 : index
    %swap3A_205 = tpu.vector_load %arg8[%swap3A_204] {strides = array<i32>} : memref<128xi32, #tpu.memory_space<vmem>>, vector<16xi32>,
    tpu.vector_store %arg8[%swap3A_204], %shift_right_logical3A_203 {strides = array<i32>} : memref<128xi32, #tpu.memory_space<vmem>>, vector<16xi32>,
    %get3A_206 = arith.constant 2 : i32
    %get3A_207 = arith.index_cast %get3A_206 : i32 to index
    %get3A_208 = arith.constant 32 : index
    %get3A_209 = tpu.vector_load %arg5[%get3A_207, %get3A_208] {strides = array<i32>} : memref<200x128xi32, #tpu.memory_space<vmem>>, vector<16xi32>,
    %shift_right_logical3A_210 = arith.constant 1 : i32
    %shift_right_logical3A_211 = vector.broadcast %shift_right_logical3A_210 : i32 to vector<16xi32>
    %shift_right_logical3A_212 = arith.shrui %get3A_209, %shift_right_logical3A_211 : vector<16xi32>
    %swap3A_213 = arith.constant 32 : index
    %swap3A_214 = tpu.vector_load %arg8[%swap3A_213] {strides = array<i32>} : memref<128xi32, #tpu.memory_space<vmem>>, vector<16xi32>,
    tpu.vector_store %arg8[%swap3A_213], %shift_right_logical3A_212 {strides = array<i32>} : memref<128xi32, #tpu.memory_space<vmem>>, vector<16xi32>,
    %get3A_215 = arith.constant 2 : i32
    %get3A_216 = arith.index_cast %get3A_215 : i32 to index
    %get3A_217 = arith.constant 48 : index
    %get3A_218 = tpu.vector_load %arg5[%get3A_216, %get3A_217] {strides = array<i32>} : memref<200x128xi32, #tpu.memory_space<vmem>>, vector<16xi32>,
    %shift_right_logical3A_219 = arith.constant 1 : i32
    %shift_right_logical3A_220 = vector.broadcast %shift_right_logical3A_219 : i32 to vector<16xi32>
    %shift_right_logical3A_221 = arith.shrui %get3A_218, %shift_right_logical3A_220 : vector<16xi32>
    %swap3A_222 = arith.constant 48 : index
    %swap3A_223 = tpu.vector_load %arg8[%swap3A_222] {strides = array<i32>} : memref<128xi32, #tpu.memory_space<vmem>>, vector<16xi32>,
    tpu.vector_store %arg8[%swap3A_222], %shift_right_logical3A_221 {strides = array<i32>} : memref<128xi32, #tpu.memory_space<vmem>>, vector<16xi32>,
    %get3A_224 = arith.constant 2 : i32
    %get3A_225 = arith.index_cast %get3A_224 : i32 to index
    %get3A_226 = arith.constant 64 : index
    %get3A_227 = tpu.vector_load %arg5[%get3A_225, %get3A_226] {strides = array<i32>} : memref<200x128xi32, #tpu.memory_space<vmem>>, vector<16xi32>,
    %shift_right_logical3A_228 = arith.constant 1 : i32
    %shift_right_logical3A_229 = vector.broadcast %shift_right_logical3A_228 : i32 to vector<16xi32>
    %shift_right_logical3A_230 = arith.shrui %get3A_227, %shift_right_logical3A_229 : vector<16xi32>
    %swap3A_231 = arith.constant 64 : index
    %swap3A_232 = tpu.vector_load %arg8[%swap3A_231] {strides = array<i32>} : memref<128xi32, #tpu.memory_space<vmem>>, vector<16xi32>,
    tpu.vector_store %arg8[%swap3A_231], %shift_right_logical3A_230 {strides = array<i32>} : memref<128xi32, #tpu.memory_space<vmem>>, vector<16xi32>,
    %get3A_233 = arith.constant 2 : i32
    %get3A_234 = arith.index_cast %get3A_233 : i32 to index
    %get3A_235 = arith.constant 80 : index
    %get3A_236 = tpu.vector_load %arg5[%get3A_234, %get3A_235] {strides = array<i32>} : memref<200x128xi32, #tpu.memory_space<vmem>>, vector<16xi32>,
    %shift_right_logical3A_237 = arith.constant 1 : i32
    %shift_right_logical3A_238 = vector.broadcast %shift_right_logical3A_237 : i32 to vector<16xi32>
    %shift_right_logical3A_239 = arith.shrui %get3A_236, %shift_right_logical3A_238 : vector<16xi32>
    %swap3A_240 = arith.constant 80 : index
    %swap3A_241 = tpu.vector_load %arg8[%swap3A_240] {strides = array<i32>} : memref<128xi32, #tpu.memory_space<vmem>>, vector<16xi32>,
    tpu.vector_store %arg8[%swap3A_240], %shift_right_logical3A_239 {strides = array<i32>} : memref<128xi32, #tpu.memory_space<vmem>>, vector<16xi32>,
    %get3A_242 = arith.constant 2 : i32
    %get3A_243 = arith.index_cast %get3A_242 : i32 to index
    %get3A_244 = arith.constant 96 : index
    %get3A_245 = tpu.vector_load %arg5[%get3A_243, %get3A_244] {strides = array<i32>} : memref<200x128xi32, #tpu.memory_space<vmem>>, vector<16xi32>,
    %shift_right_logical3A_246 = arith.constant 1 : i32
    %shift_right_logical3A_247 = vector.broadcast %shift_right_logical3A_246 : i32 to vector<16xi32>
    %shift_right_logical3A_248 = arith.shrui %get3A_245, %shift_right_logical3A_247 : vector<16xi32>
    %swap3A_249 = arith.constant 96 : index
    %swap3A_250 = tpu.vector_load %arg8[%swap3A_249] {strides = array<i32>} : memref<128xi32, #tpu.memory_space<vmem>>, vector<16xi32>,
    tpu.vector_store %arg8[%swap3A_249], %shift_right_logical3A_248 {strides = array<i32>} : memref<128xi32, #tpu.memory_space<vmem>>, vector<16xi32>,
    %get3A_251 = arith.constant 2 : i32
    %get3A_252 = arith.index_cast %get3A_251 : i32 to index
    %get3A_253 = arith.constant 112 : index
    %get3A_254 = tpu.vector_load %arg5[%get3A_252, %get3A_253] {strides = array<i32>} : memref<200x128xi32, #tpu.memory_space<vmem>>, vector<16xi32>,
    %shift_right_logical3A_255 = arith.constant 1 : i32
    %shift_right_logical3A_256 = vector.broadcast %shift_right_logical3A_255 : i32 to vector<16xi32>
    %shift_right_logical3A_257 = arith.shrui %get3A_254, %shift_right_logical3A_256 : vector<16xi32>
    %swap3A_258 = arith.constant 112 : index
    %swap3A_259 = tpu.vector_load %arg8[%swap3A_258] {strides = array<i32>} : memref<128xi32, #tpu.memory_space<vmem>>, vector<16xi32>,
    tpu.vector_store %arg8[%swap3A_258], %shift_right_logical3A_257 {strides = array<i32>} : memref<128xi32, #tpu.memory_space<vmem>>, vector<16xi32>,
    %dma_start3A_260 = arith.constant 2 : i32
    %dma_start3A_261 = arith.constant 0 : i32
    %dma_start3A_262 = arith.constant 0 : i32
    %dma_start3A_263 = tpu.memref_slice %arg3[%dma_start3A_261, %dma_start3A_262] : memref<500000x128xf32, #tpu.memory_space<hbm>> -> memref<500000x128xf32, #tpu.memory_space<hbm>>
    %dma_start3A_264 = tpu.memref_slice %arg18[%dma_start3A_260] : memref<4x!tpu.dma_semaphore, #tpu.memory_space<semaphore_mem>> -> memref<1x!tpu.dma_semaphore, #tpu.memory_space<semaphore_mem>>
    %dma_start3A_265 = tpu.memref_squeeze %dma_start3A_264 : memref<1x!tpu.dma_semaphore, #tpu.memory_space<semaphore_mem>> -> memref<!tpu.dma_semaphore, #tpu.memory_space<semaphore_mem>>
    tpu.enqueue_indirect_dma source(%dma_start3A_263 : memref<500000x128xf32, #tpu.memory_space<hbm>>) target(%arg12 : memref<128x128xf32, #tpu.memory_space<vmem>>) offsets(%arg8 : memref<128xi32, #tpu.memory_space<vmem>>) semaphore(%dma_start3A_265 : memref<!tpu.dma_semaphore, #tpu.memory_space<semaphore_mem>>)
    %get3A_266 = arith.constant 3 : i32
    %get3A_267 = arith.index_cast %get3A_266 : i32 to index
    %get3A_268 = arith.constant 0 : index
    %get3A_269 = tpu.vector_load %arg5[%get3A_267, %get3A_268] {strides = array<i32>} : memref<200x128xi32, #tpu.memory_space<vmem>>, vector<16xi32>,
    %shift_right_logical3A_270 = arith.constant 1 : i32
    %shift_right_logical3A_271 = vector.broadcast %shift_right_logical3A_270 : i32 to vector<16xi32>
    %shift_right_logical3A_272 = arith.shrui %get3A_269, %shift_right_logical3A_271 : vector<16xi32>
    %swap3A_273 = arith.constant 0 : index
    %swap3A_274 = tpu.vector_load %arg9[%swap3A_273] {strides = array<i32>} : memref<128xi32, #tpu.memory_space<vmem>>, vector<16xi32>,
    tpu.vector_store %arg9[%swap3A_273], %shift_right_logical3A_272 {strides = array<i32>} : memref<128xi32, #tpu.memory_space<vmem>>, vector<16xi32>,
    %get3A_275 = arith.constant 3 : i32
    %get3A_276 = arith.index_cast %get3A_275 : i32 to index
    %get3A_277 = arith.constant 16 : index
    %get3A_278 = tpu.vector_load %arg5[%get3A_276, %get3A_277] {strides = array<i32>} : memref<200x128xi32, #tpu.memory_space<vmem>>, vector<16xi32>,
    %shift_right_logical3A_279 = arith.constant 1 : i32
    %shift_right_logical3A_280 = vector.broadcast %shift_right_logical3A_279 : i32 to vector<16xi32>
    %shift_right_logical3A_281 = arith.shrui %get3A_278, %shift_right_logical3A_280 : vector<16xi32>
    %swap3A_282 = arith.constant 16 : index
    %swap3A_283 = tpu.vector_load %arg9[%swap3A_282] {strides = array<i32>} : memref<128xi32, #tpu.memory_space<vmem>>, vector<16xi32>,
    tpu.vector_store %arg9[%swap3A_282], %shift_right_logical3A_281 {strides = array<i32>} : memref<128xi32, #tpu.memory_space<vmem>>, vector<16xi32>,
    %get3A_284 = arith.constant 3 : i32
    %get3A_285 = arith.index_cast %get3A_284 : i32 to index
    %get3A_286 = arith.constant 32 : index
    %get3A_287 = tpu.vector_load %arg5[%get3A_285, %get3A_286] {strides = array<i32>} : memref<200x128xi32, #tpu.memory_space<vmem>>, vector<16xi32>,
    %shift_right_logical3A_288 = arith.constant 1 : i32
    %shift_right_logical3A_289 = vector.broadcast %shift_right_logical3A_288 : i32 to vector<16xi32>
    %shift_right_logical3A_290 = arith.shrui %get3A_287, %shift_right_logical3A_289 : vector<16xi32>
    %swap3A_291 = arith.constant 32 : index
    %swap3A_292 = tpu.vector_load %arg9[%swap3A_291] {strides = array<i32>} : memref<128xi32, #tpu.memory_space<vmem>>, vector<16xi32>,
    tpu.vector_store %arg9[%swap3A_291], %shift_right_logical3A_290 {strides = array<i32>} : memref<128xi32, #tpu.memory_space<vmem>>, vector<16xi32>,
    %get3A_293 = arith.constant 3 : i32
    %get3A_294 = arith.index_cast %get3A_293 : i32 to index
    %get3A_295 = arith.constant 48 : index
    %get3A_296 = tpu.vector_load %arg5[%get3A_294, %get3A_295] {strides = array<i32>} : memref<200x128xi32, #tpu.memory_space<vmem>>, vector<16xi32>,
    %shift_right_logical3A_297 = arith.constant 1 : i32
    %shift_right_logical3A_298 = vector.broadcast %shift_right_logical3A_297 : i32 to vector<16xi32>
    %shift_right_logical3A_299 = arith.shrui %get3A_296, %shift_right_logical3A_298 : vector<16xi32>
    %swap3A_300 = arith.constant 48 : index
    %swap3A_301 = tpu.vector_load %arg9[%swap3A_300] {strides = array<i32>} : memref<128xi32, #tpu.memory_space<vmem>>, vector<16xi32>,
    tpu.vector_store %arg9[%swap3A_300], %shift_right_logical3A_299 {strides = array<i32>} : memref<128xi32, #tpu.memory_space<vmem>>, vector<16xi32>,
    %get3A_302 = arith.constant 3 : i32
    %get3A_303 = arith.index_cast %get3A_302 : i32 to index
    %get3A_304 = arith.constant 64 : index
    %get3A_305 = tpu.vector_load %arg5[%get3A_303, %get3A_304] {strides = array<i32>} : memref<200x128xi32, #tpu.memory_space<vmem>>, vector<16xi32>,
    %shift_right_logical3A_306 = arith.constant 1 : i32
    %shift_right_logical3A_307 = vector.broadcast %shift_right_logical3A_306 : i32 to vector<16xi32>
    %shift_right_logical3A_308 = arith.shrui %get3A_305, %shift_right_logical3A_307 : vector<16xi32>
    %swap3A_309 = arith.constant 64 : index
    %swap3A_310 = tpu.vector_load %arg9[%swap3A_309] {strides = array<i32>} : memref<128xi32, #tpu.memory_space<vmem>>, vector<16xi32>,
    tpu.vector_store %arg9[%swap3A_309], %shift_right_logical3A_308 {strides = array<i32>} : memref<128xi32, #tpu.memory_space<vmem>>, vector<16xi32>,
    %get3A_311 = arith.constant 3 : i32
    %get3A_312 = arith.index_cast %get3A_311 : i32 to index
    %get3A_313 = arith.constant 80 : index
    %get3A_314 = tpu.vector_load %arg5[%get3A_312, %get3A_313] {strides = array<i32>} : memref<200x128xi32, #tpu.memory_space<vmem>>, vector<16xi32>,
    %shift_right_logical3A_315 = arith.constant 1 : i32
    %shift_right_logical3A_316 = vector.broadcast %shift_right_logical3A_315 : i32 to vector<16xi32>
    %shift_right_logical3A_317 = arith.shrui %get3A_314, %shift_right_logical3A_316 : vector<16xi32>
    %swap3A_318 = arith.constant 80 : index
    %swap3A_319 = tpu.vector_load %arg9[%swap3A_318] {strides = array<i32>} : memref<128xi32, #tpu.memory_space<vmem>>, vector<16xi32>,
    tpu.vector_store %arg9[%swap3A_318], %shift_right_logical3A_317 {strides = array<i32>} : memref<128xi32, #tpu.memory_space<vmem>>, vector<16xi32>,
    %get3A_320 = arith.constant 3 : i32
    %get3A_321 = arith.index_cast %get3A_320 : i32 to index
    %get3A_322 = arith.constant 96 : index
    %get3A_323 = tpu.vector_load %arg5[%get3A_321, %get3A_322] {strides = array<i32>} : memref<200x128xi32, #tpu.memory_space<vmem>>, vector<16xi32>,
    %shift_right_logical3A_324 = arith.constant 1 : i32
    %shift_right_logical3A_325 = vector.broadcast %shift_right_logical3A_324 : i32 to vector<16xi32>
    %shift_right_logical3A_326 = arith.shrui %get3A_323, %shift_right_logical3A_325 : vector<16xi32>
    %swap3A_327 = arith.constant 96 : index
    %swap3A_328 = tpu.vector_load %arg9[%swap3A_327] {strides = array<i32>} : memref<128xi32, #tpu.memory_space<vmem>>, vector<16xi32>,
    tpu.vector_store %arg9[%swap3A_327], %shift_right_logical3A_326 {strides = array<i32>} : memref<128xi32, #tpu.memory_space<vmem>>, vector<16xi32>,
    %get3A_329 = arith.constant 3 : i32
    %get3A_330 = arith.index_cast %get3A_329 : i32 to index
    %get3A_331 = arith.constant 112 : index
    %get3A_332 = tpu.vector_load %arg5[%get3A_330, %get3A_331] {strides = array<i32>} : memref<200x128xi32, #tpu.memory_space<vmem>>, vector<16xi32>,
    %shift_right_logical3A_333 = arith.constant 1 : i32
    %shift_right_logical3A_334 = vector.broadcast %shift_right_logical3A_333 : i32 to vector<16xi32>
    %shift_right_logical3A_335 = arith.shrui %get3A_332, %shift_right_logical3A_334 : vector<16xi32>
    %swap3A_336 = arith.constant 112 : index
    %swap3A_337 = tpu.vector_load %arg9[%swap3A_336] {strides = array<i32>} : memref<128xi32, #tpu.memory_space<vmem>>, vector<16xi32>,
    tpu.vector_store %arg9[%swap3A_336], %shift_right_logical3A_335 {strides = array<i32>} : memref<128xi32, #tpu.memory_space<vmem>>, vector<16xi32>,
    %dma_start3A_338 = arith.constant 3 : i32
    %dma_start3A_339 = arith.constant 0 : i32
    %dma_start3A_340 = arith.constant 0 : i32
    %dma_start3A_341 = tpu.memref_slice %arg3[%dma_start3A_339, %dma_start3A_340] : memref<500000x128xf32, #tpu.memory_space<hbm>> -> memref<500000x128xf32, #tpu.memory_space<hbm>>
    %dma_start3A_342 = tpu.memref_slice %arg18[%dma_start3A_338] : memref<4x!tpu.dma_semaphore, #tpu.memory_space<semaphore_mem>> -> memref<1x!tpu.dma_semaphore, #tpu.memory_space<semaphore_mem>>
    %dma_start3A_343 = tpu.memref_squeeze %dma_start3A_342 : memref<1x!tpu.dma_semaphore, #tpu.memory_space<semaphore_mem>> -> memref<!tpu.dma_semaphore, #tpu.memory_space<semaphore_mem>>
    tpu.enqueue_indirect_dma source(%dma_start3A_341 : memref<500000x128xf32, #tpu.memory_space<hbm>>) target(%arg13 : memref<128x128xf32, #tpu.memory_space<vmem>>) offsets(%arg9 : memref<128xi32, #tpu.memory_space<vmem>>) semaphore(%dma_start3A_343 : memref<!tpu.dma_semaphore, #tpu.memory_space<semaphore_mem>>)
    %scan3A = arith.constant 0 : i32
    %scan3A_344 = arith.constant 50 : i32
    %scan3A_345 = arith.addi %scan3A, %scan3A_344 : i32
    %scan3A_346 = arith.constant 1 : i32
    scf.for %scan3A_387 = %scan3A to %scan3A_345 step %scan3A_346  : i32 {
      %mul3A_388 = arith.constant 1 : i32
      %mul3A_389 = arith.muli %scan3A_387, %mul3A_388 : i32
      %add3A_390 = arith.constant 0 : i32
      %add3A_391 = arith.addi %add3A_390, %mul3A_389 : i32
      %mul3A_392 = arith.constant 4 : i32
      %mul3A_393 = arith.muli %add3A_391, %mul3A_392 : i32
      %add3A_394 = arith.constant 0 : i32
      %add3A_395 = arith.addi %mul3A_393, %add3A_394 : i32
      %dma_wait3A_396 = arith.constant 0 : i32
      %dma_wait3A_397 = arith.constant 0 : i32
      %dma_wait3A_398 = arith.constant 0 : i32
      %dma_wait3A_399 = tpu.memref_slice %arg3[%dma_wait3A_397, %dma_wait3A_398] : memref<500000x128xf32, #tpu.memory_space<hbm>> -> memref<500000x128xf32, #tpu.memory_space<hbm>>
      %dma_wait3A_400 = tpu.memref_slice %arg18[%dma_wait3A_396] : memref<4x!tpu.dma_semaphore, #tpu.memory_space<semaphore_mem>> -> memref<1x!tpu.dma_semaphore, #tpu.memory_space<semaphore_mem>>
      %dma_wait3A_401 = tpu.memref_squeeze %dma_wait3A_400 : memref<1x!tpu.dma_semaphore, #tpu.memory_space<semaphore_mem>> -> memref<!tpu.dma_semaphore, #tpu.memory_space<semaphore_mem>>
      tpu.wait_indirect_dma semaphore(%dma_wait3A_401 : memref<!tpu.dma_semaphore, #tpu.memory_space<semaphore_mem>>) src(%dma_wait3A_399 : memref<500000x128xf32, #tpu.memory_space<hbm>>) dst(%arg10 : memref<128x128xf32, #tpu.memory_space<vmem>>)
      %gt3A = arith.constant 0 : i32
      %gt3A_402 = arith.cmpi sgt, %add3A_391, %gt3A : i32
      %convert_element_type3A = arith.extui %gt3A_402 : i1 to i32
      %cond3A = arith.constant 0 : i32
      %cond3A_403 = arith.cmpi ne, %convert_element_type3A, %cond3A : i32
      scf.if %cond3A_403 {
        %sub3A = arith.constant 4 : i32
        %sub3A_801 = arith.subi %add3A_395, %sub3A : i32
        %dma_wait3A_802 = arith.constant 0 : i32
        %dma_wait3A_803 = arith.constant 0 : i32
        %dma_wait3A_804 = tpu.memref_slice %arg4[%sub3A_801, %dma_wait3A_803, %mul3A_2] : memref<200x64x4096xf32, #tpu.memory_space<hbm>> -> memref<1x64x128xf32, #tpu.memory_space<hbm>>
        %dma_wait3A_805 = tpu.memref_squeeze %dma_wait3A_804 : memref<1x64x128xf32, #tpu.memory_space<hbm>> -> memref<64x128xf32, #tpu.memory_space<hbm>>
        %dma_wait3A_806 = tpu.memref_slice %arg19[%dma_wait3A_802] : memref<4x!tpu.dma_semaphore, #tpu.memory_space<semaphore_mem>> -> memref<1x!tpu.dma_semaphore, #tpu.memory_space<semaphore_mem>>
        %dma_wait3A_807 = tpu.memref_squeeze %dma_wait3A_806 : memref<1x!tpu.dma_semaphore, #tpu.memory_space<semaphore_mem>> -> memref<!tpu.dma_semaphore, #tpu.memory_space<semaphore_mem>>
        %dma_wait3A_808 = arith.constant 0 : i32
        %dma_wait3A_809 = tpu.memref_slice %arg4[%sub3A_801, %dma_wait3A_808, %mul3A_2] : memref<200x64x4096xf32, #tpu.memory_space<hbm>> -> memref<1x64x128xf32, #tpu.memory_space<hbm>>
        %dma_wait3A_810 = tpu.memref_squeeze %dma_wait3A_809 : memref<1x64x128xf32, #tpu.memory_space<hbm>> -> memref<64x128xf32, #tpu.memory_space<hbm>>
        tpu.wait_dma2 semaphore(%dma_wait3A_807 : memref<!tpu.dma_semaphore, #tpu.memory_space<semaphore_mem>>) src(%arg14 : memref<64x128xf32, #tpu.memory_space<vmem>>) dst(%dma_wait3A_810 : memref<64x128xf32, #tpu.memory_space<hbm>>)
      } else {
      }
      %get3A_404 = arith.index_cast %add3A_395 : i32 to index
      %get3A_405 = arith.constant 0 : index
      %get3A_406 = tpu.vector_load %arg5[%get3A_404, %get3A_405] {strides = array<i32>} : memref<200x128xi32, #tpu.memory_space<vmem>>, vector<16xi32>,
      %and3A = arith.constant 1 : i32
      %and3A_407 = vector.broadcast %and3A : i32 to vector<16xi32>
      %and3A_408 = arith.andi %get3A_406, %and3A_407 : vector<16xi32>
      %shift_left3A = arith.constant 6 : i32
      %shift_left3A_409 = vector.broadcast %shift_left3A : i32 to vector<16xi32>
      %shift_left3A_410 = arith.shli %and3A_408, %shift_left3A_409 : vector<16xi32>
      %get3A_411 = arith.index_cast %add3A_395 : i32 to index
      %get3A_412 = arith.constant 16 : index
      %get3A_413 = tpu.vector_load %arg5[%get3A_411, %get3A_412] {strides = array<i32>} : memref<200x128xi32, #tpu.memory_space<vmem>>, vector<16xi32>,
      %and3A_414 = arith.constant 1 : i32
      %and3A_415 = vector.broadcast %and3A_414 : i32 to vector<16xi32>
      %and3A_416 = arith.andi %get3A_413, %and3A_415 : vector<16xi32>
      %shift_left3A_417 = arith.constant 6 : i32
      %shift_left3A_418 = vector.broadcast %shift_left3A_417 : i32 to vector<16xi32>
      %shift_left3A_419 = arith.shli %and3A_416, %shift_left3A_418 : vector<16xi32>
      %get3A_420 = arith.index_cast %add3A_395 : i32 to index
      %get3A_421 = arith.constant 32 : index
      %get3A_422 = tpu.vector_load %arg5[%get3A_420, %get3A_421] {strides = array<i32>} : memref<200x128xi32, #tpu.memory_space<vmem>>, vector<16xi32>,
      %and3A_423 = arith.constant 1 : i32
      %and3A_424 = vector.broadcast %and3A_423 : i32 to vector<16xi32>
      %and3A_425 = arith.andi %get3A_422, %and3A_424 : vector<16xi32>
      %shift_left3A_426 = arith.constant 6 : i32
      %shift_left3A_427 = vector.broadcast %shift_left3A_426 : i32 to vector<16xi32>
      %shift_left3A_428 = arith.shli %and3A_425, %shift_left3A_427 : vector<16xi32>
      %get3A_429 = arith.index_cast %add3A_395 : i32 to index
      %get3A_430 = arith.constant 48 : index
      %get3A_431 = tpu.vector_load %arg5[%get3A_429, %get3A_430] {strides = array<i32>} : memref<200x128xi32, #tpu.memory_space<vmem>>, vector<16xi32>,
      %and3A_432 = arith.constant 1 : i32
      %and3A_433 = vector.broadcast %and3A_432 : i32 to vector<16xi32>
      %and3A_434 = arith.andi %get3A_431, %and3A_433 : vector<16xi32>
      %shift_left3A_435 = arith.constant 6 : i32
      %shift_left3A_436 = vector.broadcast %shift_left3A_435 : i32 to vector<16xi32>
      %shift_left3A_437 = arith.shli %and3A_434, %shift_left3A_436 : vector<16xi32>
      %get3A_438 = arith.index_cast %add3A_395 : i32 to index
      %get3A_439 = arith.constant 64 : index
      %get3A_440 = tpu.vector_load %arg5[%get3A_438, %get3A_439] {strides = array<i32>} : memref<200x128xi32, #tpu.memory_space<vmem>>, vector<16xi32>,
      %and3A_441 = arith.constant 1 : i32
      %and3A_442 = vector.broadcast %and3A_441 : i32 to vector<16xi32>
      %and3A_443 = arith.andi %get3A_440, %and3A_442 : vector<16xi32>
      %shift_left3A_444 = arith.constant 6 : i32
      %shift_left3A_445 = vector.broadcast %shift_left3A_444 : i32 to vector<16xi32>
      %shift_left3A_446 = arith.shli %and3A_443, %shift_left3A_445 : vector<16xi32>
      %get3A_447 = arith.index_cast %add3A_395 : i32 to index
      %get3A_448 = arith.constant 80 : index
      %get3A_449 = tpu.vector_load %arg5[%get3A_447, %get3A_448] {strides = array<i32>} : memref<200x128xi32, #tpu.memory_space<vmem>>, vector<16xi32>,
      %and3A_450 = arith.constant 1 : i32
      %and3A_451 = vector.broadcast %and3A_450 : i32 to vector<16xi32>
      %and3A_452 = arith.andi %get3A_449, %and3A_451 : vector<16xi32>
      %shift_left3A_453 = arith.constant 6 : i32
      %shift_left3A_454 = vector.broadcast %shift_left3A_453 : i32 to vector<16xi32>
      %shift_left3A_455 = arith.shli %and3A_452, %shift_left3A_454 : vector<16xi32>
      %get3A_456 = arith.index_cast %add3A_395 : i32 to index
      %get3A_457 = arith.constant 96 : index
      %get3A_458 = tpu.vector_load %arg5[%get3A_456, %get3A_457] {strides = array<i32>} : memref<200x128xi32, #tpu.memory_space<vmem>>, vector<16xi32>,
      %and3A_459 = arith.constant 1 : i32
      %and3A_460 = vector.broadcast %and3A_459 : i32 to vector<16xi32>
      %and3A_461 = arith.andi %get3A_458, %and3A_460 : vector<16xi32>
      %shift_left3A_462 = arith.constant 6 : i32
      %shift_left3A_463 = vector.broadcast %shift_left3A_462 : i32 to vector<16xi32>
      %shift_left3A_464 = arith.shli %and3A_461, %shift_left3A_463 : vector<16xi32>
      %get3A_465 = arith.index_cast %add3A_395 : i32 to index
      %get3A_466 = arith.constant 112 : index
      %get3A_467 = tpu.vector_load %arg5[%get3A_465, %get3A_466] {strides = array<i32>} : memref<200x128xi32, #tpu.memory_space<vmem>>, vector<16xi32>,
      %and3A_468 = arith.constant 1 : i32
      %and3A_469 = vector.broadcast %and3A_468 : i32 to vector<16xi32>
      %and3A_470 = arith.andi %get3A_467, %and3A_469 : vector<16xi32>
      %shift_left3A_471 = arith.constant 6 : i32
      %shift_left3A_472 = vector.broadcast %shift_left3A_471 : i32 to vector<16xi32>
      %shift_left3A_473 = arith.shli %and3A_470, %shift_left3A_472 : vector<16xi32>
      %parallel_loop3A = arith.constant 0 : i32
      %parallel_loop3A_474 = arith.constant 64 : i32
      %parallel_loop3A_475 = arith.constant 1 : i32
      scf.for %parallel_loop3A_801 = %parallel_loop3A to %parallel_loop3A_474 step %parallel_loop3A_475  : i32 {
        %parallel_loop3A_802 = vector.broadcast %parallel_loop3A_801 : i32 to vector<16xi32>
        %parallel_loop3A_803 = arith.addi %shift_left3A_410, %parallel_loop3A_802 : vector<16xi32>
        %parallel_loop3A_804 = tpu.vector_load_idx %arg10[%add3A_7, %parallel_loop3A_803] : memref<128x128xf32, #tpu.memory_space<vmem>>[vector<16xi32>, vector<16xi32>], vector<16xf32>,
        %parallel_loop3A_805 = arith.constant 8.000000e+00 : f32
        %parallel_loop3A_806 = vector.broadcast %parallel_loop3A_805 : f32 to vector<16xf32>
        %parallel_loop3A_807 = arith.mulf %parallel_loop3A_804, %parallel_loop3A_806 : vector<16xf32>
        %parallel_loop3A_808 = arith.index_cast %parallel_loop3A_801 : i32 to index
        %parallel_loop3A_809 = arith.constant 0 : index
        %parallel_loop3A_810 = tpu.vector_load %arg14[%parallel_loop3A_808, %parallel_loop3A_809] {strides = array<i32>} : memref<64x128xf32, #tpu.memory_space<vmem>>, vector<16xf32>,
        tpu.vector_store %arg14[%parallel_loop3A_808, %parallel_loop3A_809], %parallel_loop3A_807 {strides = array<i32>} : memref<64x128xf32, #tpu.memory_space<vmem>>, vector<16xf32>,
        %parallel_loop3A_811 = vector.broadcast %parallel_loop3A_801 : i32 to vector<16xi32>
        %parallel_loop3A_812 = arith.addi %shift_left3A_419, %parallel_loop3A_811 : vector<16xi32>
        %parallel_loop3A_813 = tpu.vector_load_idx %arg10[%add3A_11, %parallel_loop3A_812] : memref<128x128xf32, #tpu.memory_space<vmem>>[vector<16xi32>, vector<16xi32>], vector<16xf32>,
        %parallel_loop3A_814 = arith.constant 8.000000e+00 : f32
        %parallel_loop3A_815 = vector.broadcast %parallel_loop3A_814 : f32 to vector<16xf32>
        %parallel_loop3A_816 = arith.mulf %parallel_loop3A_813, %parallel_loop3A_815 : vector<16xf32>
        %parallel_loop3A_817 = arith.index_cast %parallel_loop3A_801 : i32 to index
        %parallel_loop3A_818 = arith.constant 16 : index
        %parallel_loop3A_819 = tpu.vector_load %arg14[%parallel_loop3A_817, %parallel_loop3A_818] {strides = array<i32>} : memref<64x128xf32, #tpu.memory_space<vmem>>, vector<16xf32>,
        tpu.vector_store %arg14[%parallel_loop3A_817, %parallel_loop3A_818], %parallel_loop3A_816 {strides = array<i32>} : memref<64x128xf32, #tpu.memory_space<vmem>>, vector<16xf32>,
        %parallel_loop3A_820 = vector.broadcast %parallel_loop3A_801 : i32 to vector<16xi32>
        %parallel_loop3A_821 = arith.addi %shift_left3A_428, %parallel_loop3A_820 : vector<16xi32>
        %parallel_loop3A_822 = tpu.vector_load_idx %arg10[%add3A_15, %parallel_loop3A_821] : memref<128x128xf32, #tpu.memory_space<vmem>>[vector<16xi32>, vector<16xi32>], vector<16xf32>,
        %parallel_loop3A_823 = arith.constant 8.000000e+00 : f32
        %parallel_loop3A_824 = vector.broadcast %parallel_loop3A_823 : f32 to vector<16xf32>
        %parallel_loop3A_825 = arith.mulf %parallel_loop3A_822, %parallel_loop3A_824 : vector<16xf32>
        %parallel_loop3A_826 = arith.index_cast %parallel_loop3A_801 : i32 to index
        %parallel_loop3A_827 = arith.constant 32 : index
        %parallel_loop3A_828 = tpu.vector_load %arg14[%parallel_loop3A_826, %parallel_loop3A_827] {strides = array<i32>} : memref<64x128xf32, #tpu.memory_space<vmem>>, vector<16xf32>,
        tpu.vector_store %arg14[%parallel_loop3A_826, %parallel_loop3A_827], %parallel_loop3A_825 {strides = array<i32>} : memref<64x128xf32, #tpu.memory_space<vmem>>, vector<16xf32>,
        %parallel_loop3A_829 = vector.broadcast %parallel_loop3A_801 : i32 to vector<16xi32>
        %parallel_loop3A_830 = arith.addi %shift_left3A_437, %parallel_loop3A_829 : vector<16xi32>
        %parallel_loop3A_831 = tpu.vector_load_idx %arg10[%add3A_19, %parallel_loop3A_830] : memref<128x128xf32, #tpu.memory_space<vmem>>[vector<16xi32>, vector<16xi32>], vector<16xf32>,
        %parallel_loop3A_832 = arith.constant 8.000000e+00 : f32
        %parallel_loop3A_833 = vector.broadcast %parallel_loop3A_832 : f32 to vector<16xf32>
        %parallel_loop3A_834 = arith.mulf %parallel_loop3A_831, %parallel_loop3A_833 : vector<16xf32>
        %parallel_loop3A_835 = arith.index_cast %parallel_loop3A_801 : i32 to index
        %parallel_loop3A_836 = arith.constant 48 : index
        %parallel_loop3A_837 = tpu.vector_load %arg14[%parallel_loop3A_835, %parallel_loop3A_836] {strides = array<i32>} : memref<64x128xf32, #tpu.memory_space<vmem>>, vector<16xf32>,
        tpu.vector_store %arg14[%parallel_loop3A_835, %parallel_loop3A_836], %parallel_loop3A_834 {strides = array<i32>} : memref<64x128xf32, #tpu.memory_space<vmem>>, vector<16xf32>,
        %parallel_loop3A_838 = vector.broadcast %parallel_loop3A_801 : i32 to vector<16xi32>
        %parallel_loop3A_839 = arith.addi %shift_left3A_446, %parallel_loop3A_838 : vector<16xi32>
        %parallel_loop3A_840 = tpu.vector_load_idx %arg10[%add3A_23, %parallel_loop3A_839] : memref<128x128xf32, #tpu.memory_space<vmem>>[vector<16xi32>, vector<16xi32>], vector<16xf32>,
        %parallel_loop3A_841 = arith.constant 8.000000e+00 : f32
        %parallel_loop3A_842 = vector.broadcast %parallel_loop3A_841 : f32 to vector<16xf32>
        %parallel_loop3A_843 = arith.mulf %parallel_loop3A_840, %parallel_loop3A_842 : vector<16xf32>
        %parallel_loop3A_844 = arith.index_cast %parallel_loop3A_801 : i32 to index
        %parallel_loop3A_845 = arith.constant 64 : index
        %parallel_loop3A_846 = tpu.vector_load %arg14[%parallel_loop3A_844, %parallel_loop3A_845] {strides = array<i32>} : memref<64x128xf32, #tpu.memory_space<vmem>>, vector<16xf32>,
        tpu.vector_store %arg14[%parallel_loop3A_844, %parallel_loop3A_845], %parallel_loop3A_843 {strides = array<i32>} : memref<64x128xf32, #tpu.memory_space<vmem>>, vector<16xf32>,
        %parallel_loop3A_847 = vector.broadcast %parallel_loop3A_801 : i32 to vector<16xi32>
        %parallel_loop3A_848 = arith.addi %shift_left3A_455, %parallel_loop3A_847 : vector<16xi32>
        %parallel_loop3A_849 = tpu.vector_load_idx %arg10[%add3A_27, %parallel_loop3A_848] : memref<128x128xf32, #tpu.memory_space<vmem>>[vector<16xi32>, vector<16xi32>], vector<16xf32>,
        %parallel_loop3A_850 = arith.constant 8.000000e+00 : f32
        %parallel_loop3A_851 = vector.broadcast %parallel_loop3A_850 : f32 to vector<16xf32>
        %parallel_loop3A_852 = arith.mulf %parallel_loop3A_849, %parallel_loop3A_851 : vector<16xf32>
        %parallel_loop3A_853 = arith.index_cast %parallel_loop3A_801 : i32 to index
        %parallel_loop3A_854 = arith.constant 80 : index
        %parallel_loop3A_855 = tpu.vector_load %arg14[%parallel_loop3A_853, %parallel_loop3A_854] {strides = array<i32>} : memref<64x128xf32, #tpu.memory_space<vmem>>, vector<16xf32>,
        tpu.vector_store %arg14[%parallel_loop3A_853, %parallel_loop3A_854], %parallel_loop3A_852 {strides = array<i32>} : memref<64x128xf32, #tpu.memory_space<vmem>>, vector<16xf32>,
        %parallel_loop3A_856 = vector.broadcast %parallel_loop3A_801 : i32 to vector<16xi32>
        %parallel_loop3A_857 = arith.addi %shift_left3A_464, %parallel_loop3A_856 : vector<16xi32>
        %parallel_loop3A_858 = tpu.vector_load_idx %arg10[%add3A_31, %parallel_loop3A_857] : memref<128x128xf32, #tpu.memory_space<vmem>>[vector<16xi32>, vector<16xi32>], vector<16xf32>,
        %parallel_loop3A_859 = arith.constant 8.000000e+00 : f32
        %parallel_loop3A_860 = vector.broadcast %parallel_loop3A_859 : f32 to vector<16xf32>
        %parallel_loop3A_861 = arith.mulf %parallel_loop3A_858, %parallel_loop3A_860 : vector<16xf32>
        %parallel_loop3A_862 = arith.index_cast %parallel_loop3A_801 : i32 to index
        %parallel_loop3A_863 = arith.constant 96 : index
        %parallel_loop3A_864 = tpu.vector_load %arg14[%parallel_loop3A_862, %parallel_loop3A_863] {strides = array<i32>} : memref<64x128xf32, #tpu.memory_space<vmem>>, vector<16xf32>,
        tpu.vector_store %arg14[%parallel_loop3A_862, %parallel_loop3A_863], %parallel_loop3A_861 {strides = array<i32>} : memref<64x128xf32, #tpu.memory_space<vmem>>, vector<16xf32>,
        %parallel_loop3A_865 = vector.broadcast %parallel_loop3A_801 : i32 to vector<16xi32>
        %parallel_loop3A_866 = arith.addi %shift_left3A_473, %parallel_loop3A_865 : vector<16xi32>
        %parallel_loop3A_867 = tpu.vector_load_idx %arg10[%add3A_35, %parallel_loop3A_866] : memref<128x128xf32, #tpu.memory_space<vmem>>[vector<16xi32>, vector<16xi32>], vector<16xf32>,
        %parallel_loop3A_868 = arith.constant 8.000000e+00 : f32
        %parallel_loop3A_869 = vector.broadcast %parallel_loop3A_868 : f32 to vector<16xf32>
        %parallel_loop3A_870 = arith.mulf %parallel_loop3A_867, %parallel_loop3A_869 : vector<16xf32>
        %parallel_loop3A_871 = arith.index_cast %parallel_loop3A_801 : i32 to index
        %parallel_loop3A_872 = arith.constant 112 : index
        %parallel_loop3A_873 = tpu.vector_load %arg14[%parallel_loop3A_871, %parallel_loop3A_872] {strides = array<i32>} : memref<64x128xf32, #tpu.memory_space<vmem>>, vector<16xf32>,
        tpu.vector_store %arg14[%parallel_loop3A_871, %parallel_loop3A_872], %parallel_loop3A_870 {strides = array<i32>} : memref<64x128xf32, #tpu.memory_space<vmem>>, vector<16xf32>,
      } {sc.loop_unroll_factor = 2 : i64, sc.parallel_access}
      %dma_start3A_476 = arith.constant 0 : i32
      %dma_start3A_477 = arith.constant 0 : i32
      %dma_start3A_478 = tpu.memref_slice %arg4[%add3A_395, %dma_start3A_477, %mul3A_2] : memref<200x64x4096xf32, #tpu.memory_space<hbm>> -> memref<1x64x128xf32, #tpu.memory_space<hbm>>
      %dma_start3A_479 = tpu.memref_squeeze %dma_start3A_478 : memref<1x64x128xf32, #tpu.memory_space<hbm>> -> memref<64x128xf32, #tpu.memory_space<hbm>>
      %dma_start3A_480 = tpu.memref_slice %arg19[%dma_start3A_476] : memref<4x!tpu.dma_semaphore, #tpu.memory_space<semaphore_mem>> -> memref<1x!tpu.dma_semaphore, #tpu.memory_space<semaphore_mem>>
      %dma_start3A_481 = tpu.memref_squeeze %dma_start3A_480 : memref<1x!tpu.dma_semaphore, #tpu.memory_space<semaphore_mem>> -> memref<!tpu.dma_semaphore, #tpu.memory_space<semaphore_mem>>
      %dma_start3A_482 = arith.constant 0 : i32
      %dma_start3A_483 = tpu.memref_slice %arg4[%add3A_395, %dma_start3A_482, %mul3A_2] : memref<200x64x4096xf32, #tpu.memory_space<hbm>> -> memref<1x64x128xf32, #tpu.memory_space<hbm>>
      %dma_start3A_484 = tpu.memref_squeeze %dma_start3A_483 : memref<1x64x128xf32, #tpu.memory_space<hbm>> -> memref<64x128xf32, #tpu.memory_space<hbm>>
      tpu.enqueue_dma source(%arg14 : memref<64x128xf32, #tpu.memory_space<vmem>>) target(%dma_start3A_484 : memref<64x128xf32, #tpu.memory_space<hbm>>) target_semaphore(%dma_start3A_481 : memref<!tpu.dma_semaphore, #tpu.memory_space<semaphore_mem>>)
      %lt3A = arith.constant 49 : i32
      %lt3A_485 = arith.cmpi slt, %add3A_391, %lt3A : i32
      %convert_element_type3A_486 = arith.extui %lt3A_485 : i1 to i32
      %cond3A_487 = arith.constant 0 : i32
      %cond3A_488 = arith.cmpi ne, %convert_element_type3A_486, %cond3A_487 : i32
      scf.if %cond3A_488 {
        %add3A_801 = arith.constant 4 : i32
        %add3A_802 = arith.addi %add3A_395, %add3A_801 : i32
        %get3A_803 = arith.index_cast %add3A_802 : i32 to index
        %get3A_804 = arith.constant 0 : index
        %get3A_805 = tpu.vector_load %arg5[%get3A_803, %get3A_804] {strides = array<i32>} : memref<200x128xi32, #tpu.memory_space<vmem>>, vector<16xi32>,
        %shift_right_logical3A_806 = arith.constant 1 : i32
        %shift_right_logical3A_807 = vector.broadcast %shift_right_logical3A_806 : i32 to vector<16xi32>
        %shift_right_logical3A_808 = arith.shrui %get3A_805, %shift_right_logical3A_807 : vector<16xi32>
        %swap3A_809 = arith.constant 0 : index
        %swap3A_810 = tpu.vector_load %arg6[%swap3A_809] {strides = array<i32>} : memref<128xi32, #tpu.memory_space<vmem>>, vector<16xi32>,
        tpu.vector_store %arg6[%swap3A_809], %shift_right_logical3A_808 {strides = array<i32>} : memref<128xi32, #tpu.memory_space<vmem>>, vector<16xi32>,
        %get3A_811 = arith.index_cast %add3A_802 : i32 to index
        %get3A_812 = arith.constant 16 : index
        %get3A_813 = tpu.vector_load %arg5[%get3A_811, %get3A_812] {strides = array<i32>} : memref<200x128xi32, #tpu.memory_space<vmem>>, vector<16xi32>,
        %shift_right_logical3A_814 = arith.constant 1 : i32
        %shift_right_logical3A_815 = vector.broadcast %shift_right_logical3A_814 : i32 to vector<16xi32>
        %shift_right_logical3A_816 = arith.shrui %get3A_813, %shift_right_logical3A_815 : vector<16xi32>
        %swap3A_817 = arith.constant 16 : index
        %swap3A_818 = tpu.vector_load %arg6[%swap3A_817] {strides = array<i32>} : memref<128xi32, #tpu.memory_space<vmem>>, vector<16xi32>,
        tpu.vector_store %arg6[%swap3A_817], %shift_right_logical3A_816 {strides = array<i32>} : memref<128xi32, #tpu.memory_space<vmem>>, vector<16xi32>,
        %get3A_819 = arith.index_cast %add3A_802 : i32 to index
        %get3A_820 = arith.constant 32 : index
        %get3A_821 = tpu.vector_load %arg5[%get3A_819, %get3A_820] {strides = array<i32>} : memref<200x128xi32, #tpu.memory_space<vmem>>, vector<16xi32>,
        %shift_right_logical3A_822 = arith.constant 1 : i32
        %shift_right_logical3A_823 = vector.broadcast %shift_right_logical3A_822 : i32 to vector<16xi32>
        %shift_right_logical3A_824 = arith.shrui %get3A_821, %shift_right_logical3A_823 : vector<16xi32>
        %swap3A_825 = arith.constant 32 : index
        %swap3A_826 = tpu.vector_load %arg6[%swap3A_825] {strides = array<i32>} : memref<128xi32, #tpu.memory_space<vmem>>, vector<16xi32>,
        tpu.vector_store %arg6[%swap3A_825], %shift_right_logical3A_824 {strides = array<i32>} : memref<128xi32, #tpu.memory_space<vmem>>, vector<16xi32>,
        %get3A_827 = arith.index_cast %add3A_802 : i32 to index
        %get3A_828 = arith.constant 48 : index
        %get3A_829 = tpu.vector_load %arg5[%get3A_827, %get3A_828] {strides = array<i32>} : memref<200x128xi32, #tpu.memory_space<vmem>>, vector<16xi32>,
        %shift_right_logical3A_830 = arith.constant 1 : i32
        %shift_right_logical3A_831 = vector.broadcast %shift_right_logical3A_830 : i32 to vector<16xi32>
        %shift_right_logical3A_832 = arith.shrui %get3A_829, %shift_right_logical3A_831 : vector<16xi32>
        %swap3A_833 = arith.constant 48 : index
        %swap3A_834 = tpu.vector_load %arg6[%swap3A_833] {strides = array<i32>} : memref<128xi32, #tpu.memory_space<vmem>>, vector<16xi32>,
        tpu.vector_store %arg6[%swap3A_833], %shift_right_logical3A_832 {strides = array<i32>} : memref<128xi32, #tpu.memory_space<vmem>>, vector<16xi32>,
        %get3A_835 = arith.index_cast %add3A_802 : i32 to index
        %get3A_836 = arith.constant 64 : index
        %get3A_837 = tpu.vector_load %arg5[%get3A_835, %get3A_836] {strides = array<i32>} : memref<200x128xi32, #tpu.memory_space<vmem>>, vector<16xi32>,
        %shift_right_logical3A_838 = arith.constant 1 : i32
        %shift_right_logical3A_839 = vector.broadcast %shift_right_logical3A_838 : i32 to vector<16xi32>
        %shift_right_logical3A_840 = arith.shrui %get3A_837, %shift_right_logical3A_839 : vector<16xi32>
        %swap3A_841 = arith.constant 64 : index
        %swap3A_842 = tpu.vector_load %arg6[%swap3A_841] {strides = array<i32>} : memref<128xi32, #tpu.memory_space<vmem>>, vector<16xi32>,
        tpu.vector_store %arg6[%swap3A_841], %shift_right_logical3A_840 {strides = array<i32>} : memref<128xi32, #tpu.memory_space<vmem>>, vector<16xi32>,
        %get3A_843 = arith.index_cast %add3A_802 : i32 to index
        %get3A_844 = arith.constant 80 : index
        %get3A_845 = tpu.vector_load %arg5[%get3A_843, %get3A_844] {strides = array<i32>} : memref<200x128xi32, #tpu.memory_space<vmem>>, vector<16xi32>,
        %shift_right_logical3A_846 = arith.constant 1 : i32
        %shift_right_logical3A_847 = vector.broadcast %shift_right_logical3A_846 : i32 to vector<16xi32>
        %shift_right_logical3A_848 = arith.shrui %get3A_845, %shift_right_logical3A_847 : vector<16xi32>
        %swap3A_849 = arith.constant 80 : index
        %swap3A_850 = tpu.vector_load %arg6[%swap3A_849] {strides = array<i32>} : memref<128xi32, #tpu.memory_space<vmem>>, vector<16xi32>,
        tpu.vector_store %arg6[%swap3A_849], %shift_right_logical3A_848 {strides = array<i32>} : memref<128xi32, #tpu.memory_space<vmem>>, vector<16xi32>,
        %get3A_851 = arith.index_cast %add3A_802 : i32 to index
        %get3A_852 = arith.constant 96 : index
        %get3A_853 = tpu.vector_load %arg5[%get3A_851, %get3A_852] {strides = array<i32>} : memref<200x128xi32, #tpu.memory_space<vmem>>, vector<16xi32>,
        %shift_right_logical3A_854 = arith.constant 1 : i32
        %shift_right_logical3A_855 = vector.broadcast %shift_right_logical3A_854 : i32 to vector<16xi32>
        %shift_right_logical3A_856 = arith.shrui %get3A_853, %shift_right_logical3A_855 : vector<16xi32>
        %swap3A_857 = arith.constant 96 : index
        %swap3A_858 = tpu.vector_load %arg6[%swap3A_857] {strides = array<i32>} : memref<128xi32, #tpu.memory_space<vmem>>, vector<16xi32>,
        tpu.vector_store %arg6[%swap3A_857], %shift_right_logical3A_856 {strides = array<i32>} : memref<128xi32, #tpu.memory_space<vmem>>, vector<16xi32>,
        %get3A_859 = arith.index_cast %add3A_802 : i32 to index
        %get3A_860 = arith.constant 112 : index
        %get3A_861 = tpu.vector_load %arg5[%get3A_859, %get3A_860] {strides = array<i32>} : memref<200x128xi32, #tpu.memory_space<vmem>>, vector<16xi32>,
        %shift_right_logical3A_862 = arith.constant 1 : i32
        %shift_right_logical3A_863 = vector.broadcast %shift_right_logical3A_862 : i32 to vector<16xi32>
        %shift_right_logical3A_864 = arith.shrui %get3A_861, %shift_right_logical3A_863 : vector<16xi32>
        %swap3A_865 = arith.constant 112 : index
        %swap3A_866 = tpu.vector_load %arg6[%swap3A_865] {strides = array<i32>} : memref<128xi32, #tpu.memory_space<vmem>>, vector<16xi32>,
        tpu.vector_store %arg6[%swap3A_865], %shift_right_logical3A_864 {strides = array<i32>} : memref<128xi32, #tpu.memory_space<vmem>>, vector<16xi32>,
        %dma_start3A_867 = arith.constant 0 : i32
        %dma_start3A_868 = arith.constant 0 : i32
        %dma_start3A_869 = arith.constant 0 : i32
        %dma_start3A_870 = tpu.memref_slice %arg3[%dma_start3A_868, %dma_start3A_869] : memref<500000x128xf32, #tpu.memory_space<hbm>> -> memref<500000x128xf32, #tpu.memory_space<hbm>>
        %dma_start3A_871 = tpu.memref_slice %arg18[%dma_start3A_867] : memref<4x!tpu.dma_semaphore, #tpu.memory_space<semaphore_mem>> -> memref<1x!tpu.dma_semaphore, #tpu.memory_space<semaphore_mem>>
        %dma_start3A_872 = tpu.memref_squeeze %dma_start3A_871 : memref<1x!tpu.dma_semaphore, #tpu.memory_space<semaphore_mem>> -> memref<!tpu.dma_semaphore, #tpu.memory_space<semaphore_mem>>
        tpu.enqueue_indirect_dma source(%dma_start3A_870 : memref<500000x128xf32, #tpu.memory_space<hbm>>) target(%arg10 : memref<128x128xf32, #tpu.memory_space<vmem>>) offsets(%arg6 : memref<128xi32, #tpu.memory_space<vmem>>) semaphore(%dma_start3A_872 : memref<!tpu.dma_semaphore, #tpu.memory_space<semaphore_mem>>)
      } else {
      }
      %mul3A_489 = arith.constant 4 : i32
      %mul3A_490 = arith.muli %add3A_391, %mul3A_489 : i32
      %add3A_491 = arith.constant 1 : i32
      %add3A_492 = arith.addi %mul3A_490, %add3A_491 : i32
      %dma_wait3A_493 = arith.constant 1 : i32
      %dma_wait3A_494 = arith.constant 0 : i32
      %dma_wait3A_495 = arith.constant 0 : i32
      %dma_wait3A_496 = tpu.memref_slice %arg3[%dma_wait3A_494, %dma_wait3A_495] : memref<500000x128xf32, #tpu.memory_space<hbm>> -> memref<500000x128xf32, #tpu.memory_space<hbm>>
      %dma_wait3A_497 = tpu.memref_slice %arg18[%dma_wait3A_493] : memref<4x!tpu.dma_semaphore, #tpu.memory_space<semaphore_mem>> -> memref<1x!tpu.dma_semaphore, #tpu.memory_space<semaphore_mem>>
      %dma_wait3A_498 = tpu.memref_squeeze %dma_wait3A_497 : memref<1x!tpu.dma_semaphore, #tpu.memory_space<semaphore_mem>> -> memref<!tpu.dma_semaphore, #tpu.memory_space<semaphore_mem>>
      tpu.wait_indirect_dma semaphore(%dma_wait3A_498 : memref<!tpu.dma_semaphore, #tpu.memory_space<semaphore_mem>>) src(%dma_wait3A_496 : memref<500000x128xf32, #tpu.memory_space<hbm>>) dst(%arg11 : memref<128x128xf32, #tpu.memory_space<vmem>>)
      %gt3A_499 = arith.constant 0 : i32
      %gt3A_500 = arith.cmpi sgt, %add3A_391, %gt3A_499 : i32
      %convert_element_type3A_501 = arith.extui %gt3A_500 : i1 to i32
      %cond3A_502 = arith.constant 0 : i32
      %cond3A_503 = arith.cmpi ne, %convert_element_type3A_501, %cond3A_502 : i32
      scf.if %cond3A_503 {
        %sub3A = arith.constant 4 : i32
        %sub3A_801 = arith.subi %add3A_492, %sub3A : i32
        %dma_wait3A_802 = arith.constant 1 : i32
        %dma_wait3A_803 = arith.constant 0 : i32
        %dma_wait3A_804 = tpu.memref_slice %arg4[%sub3A_801, %dma_wait3A_803, %mul3A_2] : memref<200x64x4096xf32, #tpu.memory_space<hbm>> -> memref<1x64x128xf32, #tpu.memory_space<hbm>>
        %dma_wait3A_805 = tpu.memref_squeeze %dma_wait3A_804 : memref<1x64x128xf32, #tpu.memory_space<hbm>> -> memref<64x128xf32, #tpu.memory_space<hbm>>
        %dma_wait3A_806 = tpu.memref_slice %arg19[%dma_wait3A_802] : memref<4x!tpu.dma_semaphore, #tpu.memory_space<semaphore_mem>> -> memref<1x!tpu.dma_semaphore, #tpu.memory_space<semaphore_mem>>
        %dma_wait3A_807 = tpu.memref_squeeze %dma_wait3A_806 : memref<1x!tpu.dma_semaphore, #tpu.memory_space<semaphore_mem>> -> memref<!tpu.dma_semaphore, #tpu.memory_space<semaphore_mem>>
        %dma_wait3A_808 = arith.constant 0 : i32
        %dma_wait3A_809 = tpu.memref_slice %arg4[%sub3A_801, %dma_wait3A_808, %mul3A_2] : memref<200x64x4096xf32, #tpu.memory_space<hbm>> -> memref<1x64x128xf32, #tpu.memory_space<hbm>>
        %dma_wait3A_810 = tpu.memref_squeeze %dma_wait3A_809 : memref<1x64x128xf32, #tpu.memory_space<hbm>> -> memref<64x128xf32, #tpu.memory_space<hbm>>
        tpu.wait_dma2 semaphore(%dma_wait3A_807 : memref<!tpu.dma_semaphore, #tpu.memory_space<semaphore_mem>>) src(%arg15 : memref<64x128xf32, #tpu.memory_space<vmem>>) dst(%dma_wait3A_810 : memref<64x128xf32, #tpu.memory_space<hbm>>)
      } else {
      }
      %get3A_504 = arith.index_cast %add3A_492 : i32 to index
      %get3A_505 = arith.constant 0 : index
      %get3A_506 = tpu.vector_load %arg5[%get3A_504, %get3A_505] {strides = array<i32>} : memref<200x128xi32, #tpu.memory_space<vmem>>, vector<16xi32>,
      %and3A_507 = arith.constant 1 : i32
      %and3A_508 = vector.broadcast %and3A_507 : i32 to vector<16xi32>
      %and3A_509 = arith.andi %get3A_506, %and3A_508 : vector<16xi32>
      %shift_left3A_510 = arith.constant 6 : i32
      %shift_left3A_511 = vector.broadcast %shift_left3A_510 : i32 to vector<16xi32>
      %shift_left3A_512 = arith.shli %and3A_509, %shift_left3A_511 : vector<16xi32>
      %get3A_513 = arith.index_cast %add3A_492 : i32 to index
      %get3A_514 = arith.constant 16 : index
      %get3A_515 = tpu.vector_load %arg5[%get3A_513, %get3A_514] {strides = array<i32>} : memref<200x128xi32, #tpu.memory_space<vmem>>, vector<16xi32>,
      %and3A_516 = arith.constant 1 : i32
      %and3A_517 = vector.broadcast %and3A_516 : i32 to vector<16xi32>
      %and3A_518 = arith.andi %get3A_515, %and3A_517 : vector<16xi32>
      %shift_left3A_519 = arith.constant 6 : i32
      %shift_left3A_520 = vector.broadcast %shift_left3A_519 : i32 to vector<16xi32>
      %shift_left3A_521 = arith.shli %and3A_518, %shift_left3A_520 : vector<16xi32>
      %get3A_522 = arith.index_cast %add3A_492 : i32 to index
      %get3A_523 = arith.constant 32 : index
      %get3A_524 = tpu.vector_load %arg5[%get3A_522, %get3A_523] {strides = array<i32>} : memref<200x128xi32, #tpu.memory_space<vmem>>, vector<16xi32>,
      %and3A_525 = arith.constant 1 : i32
      %and3A_526 = vector.broadcast %and3A_525 : i32 to vector<16xi32>
      %and3A_527 = arith.andi %get3A_524, %and3A_526 : vector<16xi32>
      %shift_left3A_528 = arith.constant 6 : i32
      %shift_left3A_529 = vector.broadcast %shift_left3A_528 : i32 to vector<16xi32>
      %shift_left3A_530 = arith.shli %and3A_527, %shift_left3A_529 : vector<16xi32>
      %get3A_531 = arith.index_cast %add3A_492 : i32 to index
      %get3A_532 = arith.constant 48 : index
      %get3A_533 = tpu.vector_load %arg5[%get3A_531, %get3A_532] {strides = array<i32>} : memref<200x128xi32, #tpu.memory_space<vmem>>, vector<16xi32>,
      %and3A_534 = arith.constant 1 : i32
      %and3A_535 = vector.broadcast %and3A_534 : i32 to vector<16xi32>
      %and3A_536 = arith.andi %get3A_533, %and3A_535 : vector<16xi32>
      %shift_left3A_537 = arith.constant 6 : i32
      %shift_left3A_538 = vector.broadcast %shift_left3A_537 : i32 to vector<16xi32>
      %shift_left3A_539 = arith.shli %and3A_536, %shift_left3A_538 : vector<16xi32>
      %get3A_540 = arith.index_cast %add3A_492 : i32 to index
      %get3A_541 = arith.constant 64 : index
      %get3A_542 = tpu.vector_load %arg5[%get3A_540, %get3A_541] {strides = array<i32>} : memref<200x128xi32, #tpu.memory_space<vmem>>, vector<16xi32>,
      %and3A_543 = arith.constant 1 : i32
      %and3A_544 = vector.broadcast %and3A_543 : i32 to vector<16xi32>
      %and3A_545 = arith.andi %get3A_542, %and3A_544 : vector<16xi32>
      %shift_left3A_546 = arith.constant 6 : i32
      %shift_left3A_547 = vector.broadcast %shift_left3A_546 : i32 to vector<16xi32>
      %shift_left3A_548 = arith.shli %and3A_545, %shift_left3A_547 : vector<16xi32>
      %get3A_549 = arith.index_cast %add3A_492 : i32 to index
      %get3A_550 = arith.constant 80 : index
      %get3A_551 = tpu.vector_load %arg5[%get3A_549, %get3A_550] {strides = array<i32>} : memref<200x128xi32, #tpu.memory_space<vmem>>, vector<16xi32>,
      %and3A_552 = arith.constant 1 : i32
      %and3A_553 = vector.broadcast %and3A_552 : i32 to vector<16xi32>
      %and3A_554 = arith.andi %get3A_551, %and3A_553 : vector<16xi32>
      %shift_left3A_555 = arith.constant 6 : i32
      %shift_left3A_556 = vector.broadcast %shift_left3A_555 : i32 to vector<16xi32>
      %shift_left3A_557 = arith.shli %and3A_554, %shift_left3A_556 : vector<16xi32>
      %get3A_558 = arith.index_cast %add3A_492 : i32 to index
      %get3A_559 = arith.constant 96 : index
      %get3A_560 = tpu.vector_load %arg5[%get3A_558, %get3A_559] {strides = array<i32>} : memref<200x128xi32, #tpu.memory_space<vmem>>, vector<16xi32>,
      %and3A_561 = arith.constant 1 : i32
      %and3A_562 = vector.broadcast %and3A_561 : i32 to vector<16xi32>
      %and3A_563 = arith.andi %get3A_560, %and3A_562 : vector<16xi32>
      %shift_left3A_564 = arith.constant 6 : i32
      %shift_left3A_565 = vector.broadcast %shift_left3A_564 : i32 to vector<16xi32>
      %shift_left3A_566 = arith.shli %and3A_563, %shift_left3A_565 : vector<16xi32>
      %get3A_567 = arith.index_cast %add3A_492 : i32 to index
      %get3A_568 = arith.constant 112 : index
      %get3A_569 = tpu.vector_load %arg5[%get3A_567, %get3A_568] {strides = array<i32>} : memref<200x128xi32, #tpu.memory_space<vmem>>, vector<16xi32>,
      %and3A_570 = arith.constant 1 : i32
      %and3A_571 = vector.broadcast %and3A_570 : i32 to vector<16xi32>
      %and3A_572 = arith.andi %get3A_569, %and3A_571 : vector<16xi32>
      %shift_left3A_573 = arith.constant 6 : i32
      %shift_left3A_574 = vector.broadcast %shift_left3A_573 : i32 to vector<16xi32>
      %shift_left3A_575 = arith.shli %and3A_572, %shift_left3A_574 : vector<16xi32>
      %parallel_loop3A_576 = arith.constant 0 : i32
      %parallel_loop3A_577 = arith.constant 64 : i32
      %parallel_loop3A_578 = arith.constant 1 : i32
      scf.for %parallel_loop3A_801 = %parallel_loop3A_576 to %parallel_loop3A_577 step %parallel_loop3A_578  : i32 {
        %parallel_loop3A_802 = vector.broadcast %parallel_loop3A_801 : i32 to vector<16xi32>
        %parallel_loop3A_803 = arith.addi %shift_left3A_512, %parallel_loop3A_802 : vector<16xi32>
        %parallel_loop3A_804 = tpu.vector_load_idx %arg11[%add3A_7, %parallel_loop3A_803] : memref<128x128xf32, #tpu.memory_space<vmem>>[vector<16xi32>, vector<16xi32>], vector<16xf32>,
        %parallel_loop3A_805 = arith.constant 8.000000e+00 : f32
        %parallel_loop3A_806 = vector.broadcast %parallel_loop3A_805 : f32 to vector<16xf32>
        %parallel_loop3A_807 = arith.mulf %parallel_loop3A_804, %parallel_loop3A_806 : vector<16xf32>
        %parallel_loop3A_808 = arith.index_cast %parallel_loop3A_801 : i32 to index
        %parallel_loop3A_809 = arith.constant 0 : index
        %parallel_loop3A_810 = tpu.vector_load %arg15[%parallel_loop3A_808, %parallel_loop3A_809] {strides = array<i32>} : memref<64x128xf32, #tpu.memory_space<vmem>>, vector<16xf32>,
        tpu.vector_store %arg15[%parallel_loop3A_808, %parallel_loop3A_809], %parallel_loop3A_807 {strides = array<i32>} : memref<64x128xf32, #tpu.memory_space<vmem>>, vector<16xf32>,
        %parallel_loop3A_811 = vector.broadcast %parallel_loop3A_801 : i32 to vector<16xi32>
        %parallel_loop3A_812 = arith.addi %shift_left3A_521, %parallel_loop3A_811 : vector<16xi32>
        %parallel_loop3A_813 = tpu.vector_load_idx %arg11[%add3A_11, %parallel_loop3A_812] : memref<128x128xf32, #tpu.memory_space<vmem>>[vector<16xi32>, vector<16xi32>], vector<16xf32>,
        %parallel_loop3A_814 = arith.constant 8.000000e+00 : f32
        %parallel_loop3A_815 = vector.broadcast %parallel_loop3A_814 : f32 to vector<16xf32>
        %parallel_loop3A_816 = arith.mulf %parallel_loop3A_813, %parallel_loop3A_815 : vector<16xf32>
        %parallel_loop3A_817 = arith.index_cast %parallel_loop3A_801 : i32 to index
        %parallel_loop3A_818 = arith.constant 16 : index
        %parallel_loop3A_819 = tpu.vector_load %arg15[%parallel_loop3A_817, %parallel_loop3A_818] {strides = array<i32>} : memref<64x128xf32, #tpu.memory_space<vmem>>, vector<16xf32>,
        tpu.vector_store %arg15[%parallel_loop3A_817, %parallel_loop3A_818], %parallel_loop3A_816 {strides = array<i32>} : memref<64x128xf32, #tpu.memory_space<vmem>>, vector<16xf32>,
        %parallel_loop3A_820 = vector.broadcast %parallel_loop3A_801 : i32 to vector<16xi32>
        %parallel_loop3A_821 = arith.addi %shift_left3A_530, %parallel_loop3A_820 : vector<16xi32>
        %parallel_loop3A_822 = tpu.vector_load_idx %arg11[%add3A_15, %parallel_loop3A_821] : memref<128x128xf32, #tpu.memory_space<vmem>>[vector<16xi32>, vector<16xi32>], vector<16xf32>,
        %parallel_loop3A_823 = arith.constant 8.000000e+00 : f32
        %parallel_loop3A_824 = vector.broadcast %parallel_loop3A_823 : f32 to vector<16xf32>
        %parallel_loop3A_825 = arith.mulf %parallel_loop3A_822, %parallel_loop3A_824 : vector<16xf32>
        %parallel_loop3A_826 = arith.index_cast %parallel_loop3A_801 : i32 to index
        %parallel_loop3A_827 = arith.constant 32 : index
        %parallel_loop3A_828 = tpu.vector_load %arg15[%parallel_loop3A_826, %parallel_loop3A_827] {strides = array<i32>} : memref<64x128xf32, #tpu.memory_space<vmem>>, vector<16xf32>,
        tpu.vector_store %arg15[%parallel_loop3A_826, %parallel_loop3A_827], %parallel_loop3A_825 {strides = array<i32>} : memref<64x128xf32, #tpu.memory_space<vmem>>, vector<16xf32>,
        %parallel_loop3A_829 = vector.broadcast %parallel_loop3A_801 : i32 to vector<16xi32>
        %parallel_loop3A_830 = arith.addi %shift_left3A_539, %parallel_loop3A_829 : vector<16xi32>
        %parallel_loop3A_831 = tpu.vector_load_idx %arg11[%add3A_19, %parallel_loop3A_830] : memref<128x128xf32, #tpu.memory_space<vmem>>[vector<16xi32>, vector<16xi32>], vector<16xf32>,
        %parallel_loop3A_832 = arith.constant 8.000000e+00 : f32
        %parallel_loop3A_833 = vector.broadcast %parallel_loop3A_832 : f32 to vector<16xf32>
        %parallel_loop3A_834 = arith.mulf %parallel_loop3A_831, %parallel_loop3A_833 : vector<16xf32>
        %parallel_loop3A_835 = arith.index_cast %parallel_loop3A_801 : i32 to index
        %parallel_loop3A_836 = arith.constant 48 : index
        %parallel_loop3A_837 = tpu.vector_load %arg15[%parallel_loop3A_835, %parallel_loop3A_836] {strides = array<i32>} : memref<64x128xf32, #tpu.memory_space<vmem>>, vector<16xf32>,
        tpu.vector_store %arg15[%parallel_loop3A_835, %parallel_loop3A_836], %parallel_loop3A_834 {strides = array<i32>} : memref<64x128xf32, #tpu.memory_space<vmem>>, vector<16xf32>,
        %parallel_loop3A_838 = vector.broadcast %parallel_loop3A_801 : i32 to vector<16xi32>
        %parallel_loop3A_839 = arith.addi %shift_left3A_548, %parallel_loop3A_838 : vector<16xi32>
        %parallel_loop3A_840 = tpu.vector_load_idx %arg11[%add3A_23, %parallel_loop3A_839] : memref<128x128xf32, #tpu.memory_space<vmem>>[vector<16xi32>, vector<16xi32>], vector<16xf32>,
        %parallel_loop3A_841 = arith.constant 8.000000e+00 : f32
        %parallel_loop3A_842 = vector.broadcast %parallel_loop3A_841 : f32 to vector<16xf32>
        %parallel_loop3A_843 = arith.mulf %parallel_loop3A_840, %parallel_loop3A_842 : vector<16xf32>
        %parallel_loop3A_844 = arith.index_cast %parallel_loop3A_801 : i32 to index
        %parallel_loop3A_845 = arith.constant 64 : index
        %parallel_loop3A_846 = tpu.vector_load %arg15[%parallel_loop3A_844, %parallel_loop3A_845] {strides = array<i32>} : memref<64x128xf32, #tpu.memory_space<vmem>>, vector<16xf32>,
        tpu.vector_store %arg15[%parallel_loop3A_844, %parallel_loop3A_845], %parallel_loop3A_843 {strides = array<i32>} : memref<64x128xf32, #tpu.memory_space<vmem>>, vector<16xf32>,
        %parallel_loop3A_847 = vector.broadcast %parallel_loop3A_801 : i32 to vector<16xi32>
        %parallel_loop3A_848 = arith.addi %shift_left3A_557, %parallel_loop3A_847 : vector<16xi32>
        %parallel_loop3A_849 = tpu.vector_load_idx %arg11[%add3A_27, %parallel_loop3A_848] : memref<128x128xf32, #tpu.memory_space<vmem>>[vector<16xi32>, vector<16xi32>], vector<16xf32>,
        %parallel_loop3A_850 = arith.constant 8.000000e+00 : f32
        %parallel_loop3A_851 = vector.broadcast %parallel_loop3A_850 : f32 to vector<16xf32>
        %parallel_loop3A_852 = arith.mulf %parallel_loop3A_849, %parallel_loop3A_851 : vector<16xf32>
        %parallel_loop3A_853 = arith.index_cast %parallel_loop3A_801 : i32 to index
        %parallel_loop3A_854 = arith.constant 80 : index
        %parallel_loop3A_855 = tpu.vector_load %arg15[%parallel_loop3A_853, %parallel_loop3A_854] {strides = array<i32>} : memref<64x128xf32, #tpu.memory_space<vmem>>, vector<16xf32>,
        tpu.vector_store %arg15[%parallel_loop3A_853, %parallel_loop3A_854], %parallel_loop3A_852 {strides = array<i32>} : memref<64x128xf32, #tpu.memory_space<vmem>>, vector<16xf32>,
        %parallel_loop3A_856 = vector.broadcast %parallel_loop3A_801 : i32 to vector<16xi32>
        %parallel_loop3A_857 = arith.addi %shift_left3A_566, %parallel_loop3A_856 : vector<16xi32>
        %parallel_loop3A_858 = tpu.vector_load_idx %arg11[%add3A_31, %parallel_loop3A_857] : memref<128x128xf32, #tpu.memory_space<vmem>>[vector<16xi32>, vector<16xi32>], vector<16xf32>,
        %parallel_loop3A_859 = arith.constant 8.000000e+00 : f32
        %parallel_loop3A_860 = vector.broadcast %parallel_loop3A_859 : f32 to vector<16xf32>
        %parallel_loop3A_861 = arith.mulf %parallel_loop3A_858, %parallel_loop3A_860 : vector<16xf32>
        %parallel_loop3A_862 = arith.index_cast %parallel_loop3A_801 : i32 to index
        %parallel_loop3A_863 = arith.constant 96 : index
        %parallel_loop3A_864 = tpu.vector_load %arg15[%parallel_loop3A_862, %parallel_loop3A_863] {strides = array<i32>} : memref<64x128xf32, #tpu.memory_space<vmem>>, vector<16xf32>,
        tpu.vector_store %arg15[%parallel_loop3A_862, %parallel_loop3A_863], %parallel_loop3A_861 {strides = array<i32>} : memref<64x128xf32, #tpu.memory_space<vmem>>, vector<16xf32>,
        %parallel_loop3A_865 = vector.broadcast %parallel_loop3A_801 : i32 to vector<16xi32>
        %parallel_loop3A_866 = arith.addi %shift_left3A_575, %parallel_loop3A_865 : vector<16xi32>
        %parallel_loop3A_867 = tpu.vector_load_idx %arg11[%add3A_35, %parallel_loop3A_866] : memref<128x128xf32, #tpu.memory_space<vmem>>[vector<16xi32>, vector<16xi32>], vector<16xf32>,
        %parallel_loop3A_868 = arith.constant 8.000000e+00 : f32
        %parallel_loop3A_869 = vector.broadcast %parallel_loop3A_868 : f32 to vector<16xf32>
        %parallel_loop3A_870 = arith.mulf %parallel_loop3A_867, %parallel_loop3A_869 : vector<16xf32>
        %parallel_loop3A_871 = arith.index_cast %parallel_loop3A_801 : i32 to index
        %parallel_loop3A_872 = arith.constant 112 : index
        %parallel_loop3A_873 = tpu.vector_load %arg15[%parallel_loop3A_871, %parallel_loop3A_872] {strides = array<i32>} : memref<64x128xf32, #tpu.memory_space<vmem>>, vector<16xf32>,
        tpu.vector_store %arg15[%parallel_loop3A_871, %parallel_loop3A_872], %parallel_loop3A_870 {strides = array<i32>} : memref<64x128xf32, #tpu.memory_space<vmem>>, vector<16xf32>,
      } {sc.loop_unroll_factor = 2 : i64, sc.parallel_access}
      %dma_start3A_579 = arith.constant 1 : i32
      %dma_start3A_580 = arith.constant 0 : i32
      %dma_start3A_581 = tpu.memref_slice %arg4[%add3A_492, %dma_start3A_580, %mul3A_2] : memref<200x64x4096xf32, #tpu.memory_space<hbm>> -> memref<1x64x128xf32, #tpu.memory_space<hbm>>
      %dma_start3A_582 = tpu.memref_squeeze %dma_start3A_581 : memref<1x64x128xf32, #tpu.memory_space<hbm>> -> memref<64x128xf32, #tpu.memory_space<hbm>>
      %dma_start3A_583 = tpu.memref_slice %arg19[%dma_start3A_579] : memref<4x!tpu.dma_semaphore, #tpu.memory_space<semaphore_mem>> -> memref<1x!tpu.dma_semaphore, #tpu.memory_space<semaphore_mem>>
      %dma_start3A_584 = tpu.memref_squeeze %dma_start3A_583 : memref<1x!tpu.dma_semaphore, #tpu.memory_space<semaphore_mem>> -> memref<!tpu.dma_semaphore, #tpu.memory_space<semaphore_mem>>
      %dma_start3A_585 = arith.constant 0 : i32
      %dma_start3A_586 = tpu.memref_slice %arg4[%add3A_492, %dma_start3A_585, %mul3A_2] : memref<200x64x4096xf32, #tpu.memory_space<hbm>> -> memref<1x64x128xf32, #tpu.memory_space<hbm>>
      %dma_start3A_587 = tpu.memref_squeeze %dma_start3A_586 : memref<1x64x128xf32, #tpu.memory_space<hbm>> -> memref<64x128xf32, #tpu.memory_space<hbm>>
      tpu.enqueue_dma source(%arg15 : memref<64x128xf32, #tpu.memory_space<vmem>>) target(%dma_start3A_587 : memref<64x128xf32, #tpu.memory_space<hbm>>) target_semaphore(%dma_start3A_584 : memref<!tpu.dma_semaphore, #tpu.memory_space<semaphore_mem>>)
      %lt3A_588 = arith.constant 49 : i32
      %lt3A_589 = arith.cmpi slt, %add3A_391, %lt3A_588 : i32
      %convert_element_type3A_590 = arith.extui %lt3A_589 : i1 to i32
      %cond3A_591 = arith.constant 0 : i32
      %cond3A_592 = arith.cmpi ne, %convert_element_type3A_590, %cond3A_591 : i32
      scf.if %cond3A_592 {
        %add3A_801 = arith.constant 4 : i32
        %add3A_802 = arith.addi %add3A_492, %add3A_801 : i32
        %get3A_803 = arith.index_cast %add3A_802 : i32 to index
        %get3A_804 = arith.constant 0 : index
        %get3A_805 = tpu.vector_load %arg5[%get3A_803, %get3A_804] {strides = array<i32>} : memref<200x128xi32, #tpu.memory_space<vmem>>, vector<16xi32>,
        %shift_right_logical3A_806 = arith.constant 1 : i32
        %shift_right_logical3A_807 = vector.broadcast %shift_right_logical3A_806 : i32 to vector<16xi32>
        %shift_right_logical3A_808 = arith.shrui %get3A_805, %shift_right_logical3A_807 : vector<16xi32>
        %swap3A_809 = arith.constant 0 : index
        %swap3A_810 = tpu.vector_load %arg7[%swap3A_809] {strides = array<i32>} : memref<128xi32, #tpu.memory_space<vmem>>, vector<16xi32>,
        tpu.vector_store %arg7[%swap3A_809], %shift_right_logical3A_808 {strides = array<i32>} : memref<128xi32, #tpu.memory_space<vmem>>, vector<16xi32>,
        %get3A_811 = arith.index_cast %add3A_802 : i32 to index
        %get3A_812 = arith.constant 16 : index
        %get3A_813 = tpu.vector_load %arg5[%get3A_811, %get3A_812] {strides = array<i32>} : memref<200x128xi32, #tpu.memory_space<vmem>>, vector<16xi32>,
        %shift_right_logical3A_814 = arith.constant 1 : i32
        %shift_right_logical3A_815 = vector.broadcast %shift_right_logical3A_814 : i32 to vector<16xi32>
        %shift_right_logical3A_816 = arith.shrui %get3A_813, %shift_right_logical3A_815 : vector<16xi32>
        %swap3A_817 = arith.constant 16 : index
        %swap3A_818 = tpu.vector_load %arg7[%swap3A_817] {strides = array<i32>} : memref<128xi32, #tpu.memory_space<vmem>>, vector<16xi32>,
        tpu.vector_store %arg7[%swap3A_817], %shift_right_logical3A_816 {strides = array<i32>} : memref<128xi32, #tpu.memory_space<vmem>>, vector<16xi32>,
        %get3A_819 = arith.index_cast %add3A_802 : i32 to index
        %get3A_820 = arith.constant 32 : index
        %get3A_821 = tpu.vector_load %arg5[%get3A_819, %get3A_820] {strides = array<i32>} : memref<200x128xi32, #tpu.memory_space<vmem>>, vector<16xi32>,
        %shift_right_logical3A_822 = arith.constant 1 : i32
        %shift_right_logical3A_823 = vector.broadcast %shift_right_logical3A_822 : i32 to vector<16xi32>
        %shift_right_logical3A_824 = arith.shrui %get3A_821, %shift_right_logical3A_823 : vector<16xi32>
        %swap3A_825 = arith.constant 32 : index
        %swap3A_826 = tpu.vector_load %arg7[%swap3A_825] {strides = array<i32>} : memref<128xi32, #tpu.memory_space<vmem>>, vector<16xi32>,
        tpu.vector_store %arg7[%swap3A_825], %shift_right_logical3A_824 {strides = array<i32>} : memref<128xi32, #tpu.memory_space<vmem>>, vector<16xi32>,
        %get3A_827 = arith.index_cast %add3A_802 : i32 to index
        %get3A_828 = arith.constant 48 : index
        %get3A_829 = tpu.vector_load %arg5[%get3A_827, %get3A_828] {strides = array<i32>} : memref<200x128xi32, #tpu.memory_space<vmem>>, vector<16xi32>,
        %shift_right_logical3A_830 = arith.constant 1 : i32
        %shift_right_logical3A_831 = vector.broadcast %shift_right_logical3A_830 : i32 to vector<16xi32>
        %shift_right_logical3A_832 = arith.shrui %get3A_829, %shift_right_logical3A_831 : vector<16xi32>
        %swap3A_833 = arith.constant 48 : index
        %swap3A_834 = tpu.vector_load %arg7[%swap3A_833] {strides = array<i32>} : memref<128xi32, #tpu.memory_space<vmem>>, vector<16xi32>,
        tpu.vector_store %arg7[%swap3A_833], %shift_right_logical3A_832 {strides = array<i32>} : memref<128xi32, #tpu.memory_space<vmem>>, vector<16xi32>,
        %get3A_835 = arith.index_cast %add3A_802 : i32 to index
        %get3A_836 = arith.constant 64 : index
        %get3A_837 = tpu.vector_load %arg5[%get3A_835, %get3A_836] {strides = array<i32>} : memref<200x128xi32, #tpu.memory_space<vmem>>, vector<16xi32>,
        %shift_right_logical3A_838 = arith.constant 1 : i32
        %shift_right_logical3A_839 = vector.broadcast %shift_right_logical3A_838 : i32 to vector<16xi32>
        %shift_right_logical3A_840 = arith.shrui %get3A_837, %shift_right_logical3A_839 : vector<16xi32>
        %swap3A_841 = arith.constant 64 : index
        %swap3A_842 = tpu.vector_load %arg7[%swap3A_841] {strides = array<i32>} : memref<128xi32, #tpu.memory_space<vmem>>, vector<16xi32>,
        tpu.vector_store %arg7[%swap3A_841], %shift_right_logical3A_840 {strides = array<i32>} : memref<128xi32, #tpu.memory_space<vmem>>, vector<16xi32>,
        %get3A_843 = arith.index_cast %add3A_802 : i32 to index
        %get3A_844 = arith.constant 80 : index
        %get3A_845 = tpu.vector_load %arg5[%get3A_843, %get3A_844] {strides = array<i32>} : memref<200x128xi32, #tpu.memory_space<vmem>>, vector<16xi32>,
        %shift_right_logical3A_846 = arith.constant 1 : i32
        %shift_right_logical3A_847 = vector.broadcast %shift_right_logical3A_846 : i32 to vector<16xi32>
        %shift_right_logical3A_848 = arith.shrui %get3A_845, %shift_right_logical3A_847 : vector<16xi32>
        %swap3A_849 = arith.constant 80 : index
        %swap3A_850 = tpu.vector_load %arg7[%swap3A_849] {strides = array<i32>} : memref<128xi32, #tpu.memory_space<vmem>>, vector<16xi32>,
        tpu.vector_store %arg7[%swap3A_849], %shift_right_logical3A_848 {strides = array<i32>} : memref<128xi32, #tpu.memory_space<vmem>>, vector<16xi32>,
        %get3A_851 = arith.index_cast %add3A_802 : i32 to index
        %get3A_852 = arith.constant 96 : index
        %get3A_853 = tpu.vector_load %arg5[%get3A_851, %get3A_852] {strides = array<i32>} : memref<200x128xi32, #tpu.memory_space<vmem>>, vector<16xi32>,
        %shift_right_logical3A_854 = arith.constant 1 : i32
        %shift_right_logical3A_855 = vector.broadcast %shift_right_logical3A_854 : i32 to vector<16xi32>
        %shift_right_logical3A_856 = arith.shrui %get3A_853, %shift_right_logical3A_855 : vector<16xi32>
        %swap3A_857 = arith.constant 96 : index
        %swap3A_858 = tpu.vector_load %arg7[%swap3A_857] {strides = array<i32>} : memref<128xi32, #tpu.memory_space<vmem>>, vector<16xi32>,
        tpu.vector_store %arg7[%swap3A_857], %shift_right_logical3A_856 {strides = array<i32>} : memref<128xi32, #tpu.memory_space<vmem>>, vector<16xi32>,
        %get3A_859 = arith.index_cast %add3A_802 : i32 to index
        %get3A_860 = arith.constant 112 : index
        %get3A_861 = tpu.vector_load %arg5[%get3A_859, %get3A_860] {strides = array<i32>} : memref<200x128xi32, #tpu.memory_space<vmem>>, vector<16xi32>,
        %shift_right_logical3A_862 = arith.constant 1 : i32
        %shift_right_logical3A_863 = vector.broadcast %shift_right_logical3A_862 : i32 to vector<16xi32>
        %shift_right_logical3A_864 = arith.shrui %get3A_861, %shift_right_logical3A_863 : vector<16xi32>
        %swap3A_865 = arith.constant 112 : index
        %swap3A_866 = tpu.vector_load %arg7[%swap3A_865] {strides = array<i32>} : memref<128xi32, #tpu.memory_space<vmem>>, vector<16xi32>,
        tpu.vector_store %arg7[%swap3A_865], %shift_right_logical3A_864 {strides = array<i32>} : memref<128xi32, #tpu.memory_space<vmem>>, vector<16xi32>,
        %dma_start3A_867 = arith.constant 1 : i32
        %dma_start3A_868 = arith.constant 0 : i32
        %dma_start3A_869 = arith.constant 0 : i32
        %dma_start3A_870 = tpu.memref_slice %arg3[%dma_start3A_868, %dma_start3A_869] : memref<500000x128xf32, #tpu.memory_space<hbm>> -> memref<500000x128xf32, #tpu.memory_space<hbm>>
        %dma_start3A_871 = tpu.memref_slice %arg18[%dma_start3A_867] : memref<4x!tpu.dma_semaphore, #tpu.memory_space<semaphore_mem>> -> memref<1x!tpu.dma_semaphore, #tpu.memory_space<semaphore_mem>>
        %dma_start3A_872 = tpu.memref_squeeze %dma_start3A_871 : memref<1x!tpu.dma_semaphore, #tpu.memory_space<semaphore_mem>> -> memref<!tpu.dma_semaphore, #tpu.memory_space<semaphore_mem>>
        tpu.enqueue_indirect_dma source(%dma_start3A_870 : memref<500000x128xf32, #tpu.memory_space<hbm>>) target(%arg11 : memref<128x128xf32, #tpu.memory_space<vmem>>) offsets(%arg7 : memref<128xi32, #tpu.memory_space<vmem>>) semaphore(%dma_start3A_872 : memref<!tpu.dma_semaphore, #tpu.memory_space<semaphore_mem>>)
      } else {
      }
      %mul3A_593 = arith.constant 4 : i32
      %mul3A_594 = arith.muli %add3A_391, %mul3A_593 : i32
      %add3A_595 = arith.constant 2 : i32
      %add3A_596 = arith.addi %mul3A_594, %add3A_595 : i32
      %dma_wait3A_597 = arith.constant 2 : i32
      %dma_wait3A_598 = arith.constant 0 : i32
      %dma_wait3A_599 = arith.constant 0 : i32
      %dma_wait3A_600 = tpu.memref_slice %arg3[%dma_wait3A_598, %dma_wait3A_599] : memref<500000x128xf32, #tpu.memory_space<hbm>> -> memref<500000x128xf32, #tpu.memory_space<hbm>>
      %dma_wait3A_601 = tpu.memref_slice %arg18[%dma_wait3A_597] : memref<4x!tpu.dma_semaphore, #tpu.memory_space<semaphore_mem>> -> memref<1x!tpu.dma_semaphore, #tpu.memory_space<semaphore_mem>>
      %dma_wait3A_602 = tpu.memref_squeeze %dma_wait3A_601 : memref<1x!tpu.dma_semaphore, #tpu.memory_space<semaphore_mem>> -> memref<!tpu.dma_semaphore, #tpu.memory_space<semaphore_mem>>
      tpu.wait_indirect_dma semaphore(%dma_wait3A_602 : memref<!tpu.dma_semaphore, #tpu.memory_space<semaphore_mem>>) src(%dma_wait3A_600 : memref<500000x128xf32, #tpu.memory_space<hbm>>) dst(%arg12 : memref<128x128xf32, #tpu.memory_space<vmem>>)
      %gt3A_603 = arith.constant 0 : i32
      %gt3A_604 = arith.cmpi sgt, %add3A_391, %gt3A_603 : i32
      %convert_element_type3A_605 = arith.extui %gt3A_604 : i1 to i32
      %cond3A_606 = arith.constant 0 : i32
      %cond3A_607 = arith.cmpi ne, %convert_element_type3A_605, %cond3A_606 : i32
      scf.if %cond3A_607 {
        %sub3A = arith.constant 4 : i32
        %sub3A_801 = arith.subi %add3A_596, %sub3A : i32
        %dma_wait3A_802 = arith.constant 2 : i32
        %dma_wait3A_803 = arith.constant 0 : i32
        %dma_wait3A_804 = tpu.memref_slice %arg4[%sub3A_801, %dma_wait3A_803, %mul3A_2] : memref<200x64x4096xf32, #tpu.memory_space<hbm>> -> memref<1x64x128xf32, #tpu.memory_space<hbm>>
        %dma_wait3A_805 = tpu.memref_squeeze %dma_wait3A_804 : memref<1x64x128xf32, #tpu.memory_space<hbm>> -> memref<64x128xf32, #tpu.memory_space<hbm>>
        %dma_wait3A_806 = tpu.memref_slice %arg19[%dma_wait3A_802] : memref<4x!tpu.dma_semaphore, #tpu.memory_space<semaphore_mem>> -> memref<1x!tpu.dma_semaphore, #tpu.memory_space<semaphore_mem>>
        %dma_wait3A_807 = tpu.memref_squeeze %dma_wait3A_806 : memref<1x!tpu.dma_semaphore, #tpu.memory_space<semaphore_mem>> -> memref<!tpu.dma_semaphore, #tpu.memory_space<semaphore_mem>>
        %dma_wait3A_808 = arith.constant 0 : i32
        %dma_wait3A_809 = tpu.memref_slice %arg4[%sub3A_801, %dma_wait3A_808, %mul3A_2] : memref<200x64x4096xf32, #tpu.memory_space<hbm>> -> memref<1x64x128xf32, #tpu.memory_space<hbm>>
        %dma_wait3A_810 = tpu.memref_squeeze %dma_wait3A_809 : memref<1x64x128xf32, #tpu.memory_space<hbm>> -> memref<64x128xf32, #tpu.memory_space<hbm>>
        tpu.wait_dma2 semaphore(%dma_wait3A_807 : memref<!tpu.dma_semaphore, #tpu.memory_space<semaphore_mem>>) src(%arg16 : memref<64x128xf32, #tpu.memory_space<vmem>>) dst(%dma_wait3A_810 : memref<64x128xf32, #tpu.memory_space<hbm>>)
      } else {
      }
      %get3A_608 = arith.index_cast %add3A_596 : i32 to index
      %get3A_609 = arith.constant 0 : index
      %get3A_610 = tpu.vector_load %arg5[%get3A_608, %get3A_609] {strides = array<i32>} : memref<200x128xi32, #tpu.memory_space<vmem>>, vector<16xi32>,
      %and3A_611 = arith.constant 1 : i32
      %and3A_612 = vector.broadcast %and3A_611 : i32 to vector<16xi32>
      %and3A_613 = arith.andi %get3A_610, %and3A_612 : vector<16xi32>
      %shift_left3A_614 = arith.constant 6 : i32
      %shift_left3A_615 = vector.broadcast %shift_left3A_614 : i32 to vector<16xi32>
      %shift_left3A_616 = arith.shli %and3A_613, %shift_left3A_615 : vector<16xi32>
      %get3A_617 = arith.index_cast %add3A_596 : i32 to index
      %get3A_618 = arith.constant 16 : index
      %get3A_619 = tpu.vector_load %arg5[%get3A_617, %get3A_618] {strides = array<i32>} : memref<200x128xi32, #tpu.memory_space<vmem>>, vector<16xi32>,
      %and3A_620 = arith.constant 1 : i32
      %and3A_621 = vector.broadcast %and3A_620 : i32 to vector<16xi32>
      %and3A_622 = arith.andi %get3A_619, %and3A_621 : vector<16xi32>
      %shift_left3A_623 = arith.constant 6 : i32
      %shift_left3A_624 = vector.broadcast %shift_left3A_623 : i32 to vector<16xi32>
      %shift_left3A_625 = arith.shli %and3A_622, %shift_left3A_624 : vector<16xi32>
      %get3A_626 = arith.index_cast %add3A_596 : i32 to index
      %get3A_627 = arith.constant 32 : index
      %get3A_628 = tpu.vector_load %arg5[%get3A_626, %get3A_627] {strides = array<i32>} : memref<200x128xi32, #tpu.memory_space<vmem>>, vector<16xi32>,
      %and3A_629 = arith.constant 1 : i32
      %and3A_630 = vector.broadcast %and3A_629 : i32 to vector<16xi32>
      %and3A_631 = arith.andi %get3A_628, %and3A_630 : vector<16xi32>
      %shift_left3A_632 = arith.constant 6 : i32
      %shift_left3A_633 = vector.broadcast %shift_left3A_632 : i32 to vector<16xi32>
      %shift_left3A_634 = arith.shli %and3A_631, %shift_left3A_633 : vector<16xi32>
      %get3A_635 = arith.index_cast %add3A_596 : i32 to index
      %get3A_636 = arith.constant 48 : index
      %get3A_637 = tpu.vector_load %arg5[%get3A_635, %get3A_636] {strides = array<i32>} : memref<200x128xi32, #tpu.memory_space<vmem>>, vector<16xi32>,
      %and3A_638 = arith.constant 1 : i32
      %and3A_639 = vector.broadcast %and3A_638 : i32 to vector<16xi32>
      %and3A_640 = arith.andi %get3A_637, %and3A_639 : vector<16xi32>
      %shift_left3A_641 = arith.constant 6 : i32
      %shift_left3A_642 = vector.broadcast %shift_left3A_641 : i32 to vector<16xi32>
      %shift_left3A_643 = arith.shli %and3A_640, %shift_left3A_642 : vector<16xi32>
      %get3A_644 = arith.index_cast %add3A_596 : i32 to index
      %get3A_645 = arith.constant 64 : index
      %get3A_646 = tpu.vector_load %arg5[%get3A_644, %get3A_645] {strides = array<i32>} : memref<200x128xi32, #tpu.memory_space<vmem>>, vector<16xi32>,
      %and3A_647 = arith.constant 1 : i32
      %and3A_648 = vector.broadcast %and3A_647 : i32 to vector<16xi32>
      %and3A_649 = arith.andi %get3A_646, %and3A_648 : vector<16xi32>
      %shift_left3A_650 = arith.constant 6 : i32
      %shift_left3A_651 = vector.broadcast %shift_left3A_650 : i32 to vector<16xi32>
      %shift_left3A_652 = arith.shli %and3A_649, %shift_left3A_651 : vector<16xi32>
      %get3A_653 = arith.index_cast %add3A_596 : i32 to index
      %get3A_654 = arith.constant 80 : index
      %get3A_655 = tpu.vector_load %arg5[%get3A_653, %get3A_654] {strides = array<i32>} : memref<200x128xi32, #tpu.memory_space<vmem>>, vector<16xi32>,
      %and3A_656 = arith.constant 1 : i32
      %and3A_657 = vector.broadcast %and3A_656 : i32 to vector<16xi32>
      %and3A_658 = arith.andi %get3A_655, %and3A_657 : vector<16xi32>
      %shift_left3A_659 = arith.constant 6 : i32
      %shift_left3A_660 = vector.broadcast %shift_left3A_659 : i32 to vector<16xi32>
      %shift_left3A_661 = arith.shli %and3A_658, %shift_left3A_660 : vector<16xi32>
      %get3A_662 = arith.index_cast %add3A_596 : i32 to index
      %get3A_663 = arith.constant 96 : index
      %get3A_664 = tpu.vector_load %arg5[%get3A_662, %get3A_663] {strides = array<i32>} : memref<200x128xi32, #tpu.memory_space<vmem>>, vector<16xi32>,
      %and3A_665 = arith.constant 1 : i32
      %and3A_666 = vector.broadcast %and3A_665 : i32 to vector<16xi32>
      %and3A_667 = arith.andi %get3A_664, %and3A_666 : vector<16xi32>
      %shift_left3A_668 = arith.constant 6 : i32
      %shift_left3A_669 = vector.broadcast %shift_left3A_668 : i32 to vector<16xi32>
      %shift_left3A_670 = arith.shli %and3A_667, %shift_left3A_669 : vector<16xi32>
      %get3A_671 = arith.index_cast %add3A_596 : i32 to index
      %get3A_672 = arith.constant 112 : index
      %get3A_673 = tpu.vector_load %arg5[%get3A_671, %get3A_672] {strides = array<i32>} : memref<200x128xi32, #tpu.memory_space<vmem>>, vector<16xi32>,
      %and3A_674 = arith.constant 1 : i32
      %and3A_675 = vector.broadcast %and3A_674 : i32 to vector<16xi32>
      %and3A_676 = arith.andi %get3A_673, %and3A_675 : vector<16xi32>
      %shift_left3A_677 = arith.constant 6 : i32
      %shift_left3A_678 = vector.broadcast %shift_left3A_677 : i32 to vector<16xi32>
      %shift_left3A_679 = arith.shli %and3A_676, %shift_left3A_678 : vector<16xi32>
      %parallel_loop3A_680 = arith.constant 0 : i32
      %parallel_loop3A_681 = arith.constant 64 : i32
      %parallel_loop3A_682 = arith.constant 1 : i32
      scf.for %parallel_loop3A_801 = %parallel_loop3A_680 to %parallel_loop3A_681 step %parallel_loop3A_682  : i32 {
        %parallel_loop3A_802 = vector.broadcast %parallel_loop3A_801 : i32 to vector<16xi32>
        %parallel_loop3A_803 = arith.addi %shift_left3A_616, %parallel_loop3A_802 : vector<16xi32>
        %parallel_loop3A_804 = tpu.vector_load_idx %arg12[%add3A_7, %parallel_loop3A_803] : memref<128x128xf32, #tpu.memory_space<vmem>>[vector<16xi32>, vector<16xi32>], vector<16xf32>,
        %parallel_loop3A_805 = arith.constant 8.000000e+00 : f32
        %parallel_loop3A_806 = vector.broadcast %parallel_loop3A_805 : f32 to vector<16xf32>
        %parallel_loop3A_807 = arith.mulf %parallel_loop3A_804, %parallel_loop3A_806 : vector<16xf32>
        %parallel_loop3A_808 = arith.index_cast %parallel_loop3A_801 : i32 to index
        %parallel_loop3A_809 = arith.constant 0 : index
        %parallel_loop3A_810 = tpu.vector_load %arg16[%parallel_loop3A_808, %parallel_loop3A_809] {strides = array<i32>} : memref<64x128xf32, #tpu.memory_space<vmem>>, vector<16xf32>,
        tpu.vector_store %arg16[%parallel_loop3A_808, %parallel_loop3A_809], %parallel_loop3A_807 {strides = array<i32>} : memref<64x128xf32, #tpu.memory_space<vmem>>, vector<16xf32>,
        %parallel_loop3A_811 = vector.broadcast %parallel_loop3A_801 : i32 to vector<16xi32>
        %parallel_loop3A_812 = arith.addi %shift_left3A_625, %parallel_loop3A_811 : vector<16xi32>
        %parallel_loop3A_813 = tpu.vector_load_idx %arg12[%add3A_11, %parallel_loop3A_812] : memref<128x128xf32, #tpu.memory_space<vmem>>[vector<16xi32>, vector<16xi32>], vector<16xf32>,
        %parallel_loop3A_814 = arith.constant 8.000000e+00 : f32
        %parallel_loop3A_815 = vector.broadcast %parallel_loop3A_814 : f32 to vector<16xf32>
        %parallel_loop3A_816 = arith.mulf %parallel_loop3A_813, %parallel_loop3A_815 : vector<16xf32>
        %parallel_loop3A_817 = arith.index_cast %parallel_loop3A_801 : i32 to index
        %parallel_loop3A_818 = arith.constant 16 : index
        %parallel_loop3A_819 = tpu.vector_load %arg16[%parallel_loop3A_817, %parallel_loop3A_818] {strides = array<i32>} : memref<64x128xf32, #tpu.memory_space<vmem>>, vector<16xf32>,
        tpu.vector_store %arg16[%parallel_loop3A_817, %parallel_loop3A_818], %parallel_loop3A_816 {strides = array<i32>} : memref<64x128xf32, #tpu.memory_space<vmem>>, vector<16xf32>,
        %parallel_loop3A_820 = vector.broadcast %parallel_loop3A_801 : i32 to vector<16xi32>
        %parallel_loop3A_821 = arith.addi %shift_left3A_634, %parallel_loop3A_820 : vector<16xi32>
        %parallel_loop3A_822 = tpu.vector_load_idx %arg12[%add3A_15, %parallel_loop3A_821] : memref<128x128xf32, #tpu.memory_space<vmem>>[vector<16xi32>, vector<16xi32>], vector<16xf32>,
        %parallel_loop3A_823 = arith.constant 8.000000e+00 : f32
        %parallel_loop3A_824 = vector.broadcast %parallel_loop3A_823 : f32 to vector<16xf32>
        %parallel_loop3A_825 = arith.mulf %parallel_loop3A_822, %parallel_loop3A_824 : vector<16xf32>
        %parallel_loop3A_826 = arith.index_cast %parallel_loop3A_801 : i32 to index
        %parallel_loop3A_827 = arith.constant 32 : index
        %parallel_loop3A_828 = tpu.vector_load %arg16[%parallel_loop3A_826, %parallel_loop3A_827] {strides = array<i32>} : memref<64x128xf32, #tpu.memory_space<vmem>>, vector<16xf32>,
        tpu.vector_store %arg16[%parallel_loop3A_826, %parallel_loop3A_827], %parallel_loop3A_825 {strides = array<i32>} : memref<64x128xf32, #tpu.memory_space<vmem>>, vector<16xf32>,
        %parallel_loop3A_829 = vector.broadcast %parallel_loop3A_801 : i32 to vector<16xi32>
        %parallel_loop3A_830 = arith.addi %shift_left3A_643, %parallel_loop3A_829 : vector<16xi32>
        %parallel_loop3A_831 = tpu.vector_load_idx %arg12[%add3A_19, %parallel_loop3A_830] : memref<128x128xf32, #tpu.memory_space<vmem>>[vector<16xi32>, vector<16xi32>], vector<16xf32>,
        %parallel_loop3A_832 = arith.constant 8.000000e+00 : f32
        %parallel_loop3A_833 = vector.broadcast %parallel_loop3A_832 : f32 to vector<16xf32>
        %parallel_loop3A_834 = arith.mulf %parallel_loop3A_831, %parallel_loop3A_833 : vector<16xf32>
        %parallel_loop3A_835 = arith.index_cast %parallel_loop3A_801 : i32 to index
        %parallel_loop3A_836 = arith.constant 48 : index
        %parallel_loop3A_837 = tpu.vector_load %arg16[%parallel_loop3A_835, %parallel_loop3A_836] {strides = array<i32>} : memref<64x128xf32, #tpu.memory_space<vmem>>, vector<16xf32>,
        tpu.vector_store %arg16[%parallel_loop3A_835, %parallel_loop3A_836], %parallel_loop3A_834 {strides = array<i32>} : memref<64x128xf32, #tpu.memory_space<vmem>>, vector<16xf32>,
        %parallel_loop3A_838 = vector.broadcast %parallel_loop3A_801 : i32 to vector<16xi32>
        %parallel_loop3A_839 = arith.addi %shift_left3A_652, %parallel_loop3A_838 : vector<16xi32>
        %parallel_loop3A_840 = tpu.vector_load_idx %arg12[%add3A_23, %parallel_loop3A_839] : memref<128x128xf32, #tpu.memory_space<vmem>>[vector<16xi32>, vector<16xi32>], vector<16xf32>,
        %parallel_loop3A_841 = arith.constant 8.000000e+00 : f32
        %parallel_loop3A_842 = vector.broadcast %parallel_loop3A_841 : f32 to vector<16xf32>
        %parallel_loop3A_843 = arith.mulf %parallel_loop3A_840, %parallel_loop3A_842 : vector<16xf32>
        %parallel_loop3A_844 = arith.index_cast %parallel_loop3A_801 : i32 to index
        %parallel_loop3A_845 = arith.constant 64 : index
        %parallel_loop3A_846 = tpu.vector_load %arg16[%parallel_loop3A_844, %parallel_loop3A_845] {strides = array<i32>} : memref<64x128xf32, #tpu.memory_space<vmem>>, vector<16xf32>,
        tpu.vector_store %arg16[%parallel_loop3A_844, %parallel_loop3A_845], %parallel_loop3A_843 {strides = array<i32>} : memref<64x128xf32, #tpu.memory_space<vmem>>, vector<16xf32>,
        %parallel_loop3A_847 = vector.broadcast %parallel_loop3A_801 : i32 to vector<16xi32>
        %parallel_loop3A_848 = arith.addi %shift_left3A_661, %parallel_loop3A_847 : vector<16xi32>
        %parallel_loop3A_849 = tpu.vector_load_idx %arg12[%add3A_27, %parallel_loop3A_848] : memref<128x128xf32, #tpu.memory_space<vmem>>[vector<16xi32>, vector<16xi32>], vector<16xf32>,
        %parallel_loop3A_850 = arith.constant 8.000000e+00 : f32
        %parallel_loop3A_851 = vector.broadcast %parallel_loop3A_850 : f32 to vector<16xf32>
        %parallel_loop3A_852 = arith.mulf %parallel_loop3A_849, %parallel_loop3A_851 : vector<16xf32>
        %parallel_loop3A_853 = arith.index_cast %parallel_loop3A_801 : i32 to index
        %parallel_loop3A_854 = arith.constant 80 : index
        %parallel_loop3A_855 = tpu.vector_load %arg16[%parallel_loop3A_853, %parallel_loop3A_854] {strides = array<i32>} : memref<64x128xf32, #tpu.memory_space<vmem>>, vector<16xf32>,
        tpu.vector_store %arg16[%parallel_loop3A_853, %parallel_loop3A_854], %parallel_loop3A_852 {strides = array<i32>} : memref<64x128xf32, #tpu.memory_space<vmem>>, vector<16xf32>,
        %parallel_loop3A_856 = vector.broadcast %parallel_loop3A_801 : i32 to vector<16xi32>
        %parallel_loop3A_857 = arith.addi %shift_left3A_670, %parallel_loop3A_856 : vector<16xi32>
        %parallel_loop3A_858 = tpu.vector_load_idx %arg12[%add3A_31, %parallel_loop3A_857] : memref<128x128xf32, #tpu.memory_space<vmem>>[vector<16xi32>, vector<16xi32>], vector<16xf32>,
        %parallel_loop3A_859 = arith.constant 8.000000e+00 : f32
        %parallel_loop3A_860 = vector.broadcast %parallel_loop3A_859 : f32 to vector<16xf32>
        %parallel_loop3A_861 = arith.mulf %parallel_loop3A_858, %parallel_loop3A_860 : vector<16xf32>
        %parallel_loop3A_862 = arith.index_cast %parallel_loop3A_801 : i32 to index
        %parallel_loop3A_863 = arith.constant 96 : index
        %parallel_loop3A_864 = tpu.vector_load %arg16[%parallel_loop3A_862, %parallel_loop3A_863] {strides = array<i32>} : memref<64x128xf32, #tpu.memory_space<vmem>>, vector<16xf32>,
        tpu.vector_store %arg16[%parallel_loop3A_862, %parallel_loop3A_863], %parallel_loop3A_861 {strides = array<i32>} : memref<64x128xf32, #tpu.memory_space<vmem>>, vector<16xf32>,
        %parallel_loop3A_865 = vector.broadcast %parallel_loop3A_801 : i32 to vector<16xi32>
        %parallel_loop3A_866 = arith.addi %shift_left3A_679, %parallel_loop3A_865 : vector<16xi32>
        %parallel_loop3A_867 = tpu.vector_load_idx %arg12[%add3A_35, %parallel_loop3A_866] : memref<128x128xf32, #tpu.memory_space<vmem>>[vector<16xi32>, vector<16xi32>], vector<16xf32>,
        %parallel_loop3A_868 = arith.constant 8.000000e+00 : f32
        %parallel_loop3A_869 = vector.broadcast %parallel_loop3A_868 : f32 to vector<16xf32>
        %parallel_loop3A_870 = arith.mulf %parallel_loop3A_867, %parallel_loop3A_869 : vector<16xf32>
        %parallel_loop3A_871 = arith.index_cast %parallel_loop3A_801 : i32 to index
        %parallel_loop3A_872 = arith.constant 112 : index
        %parallel_loop3A_873 = tpu.vector_load %arg16[%parallel_loop3A_871, %parallel_loop3A_872] {strides = array<i32>} : memref<64x128xf32, #tpu.memory_space<vmem>>, vector<16xf32>,
        tpu.vector_store %arg16[%parallel_loop3A_871, %parallel_loop3A_872], %parallel_loop3A_870 {strides = array<i32>} : memref<64x128xf32, #tpu.memory_space<vmem>>, vector<16xf32>,
      } {sc.loop_unroll_factor = 2 : i64, sc.parallel_access}
      %dma_start3A_683 = arith.constant 2 : i32
      %dma_start3A_684 = arith.constant 0 : i32
      %dma_start3A_685 = tpu.memref_slice %arg4[%add3A_596, %dma_start3A_684, %mul3A_2] : memref<200x64x4096xf32, #tpu.memory_space<hbm>> -> memref<1x64x128xf32, #tpu.memory_space<hbm>>
      %dma_start3A_686 = tpu.memref_squeeze %dma_start3A_685 : memref<1x64x128xf32, #tpu.memory_space<hbm>> -> memref<64x128xf32, #tpu.memory_space<hbm>>
      %dma_start3A_687 = tpu.memref_slice %arg19[%dma_start3A_683] : memref<4x!tpu.dma_semaphore, #tpu.memory_space<semaphore_mem>> -> memref<1x!tpu.dma_semaphore, #tpu.memory_space<semaphore_mem>>
      %dma_start3A_688 = tpu.memref_squeeze %dma_start3A_687 : memref<1x!tpu.dma_semaphore, #tpu.memory_space<semaphore_mem>> -> memref<!tpu.dma_semaphore, #tpu.memory_space<semaphore_mem>>
      %dma_start3A_689 = arith.constant 0 : i32
      %dma_start3A_690 = tpu.memref_slice %arg4[%add3A_596, %dma_start3A_689, %mul3A_2] : memref<200x64x4096xf32, #tpu.memory_space<hbm>> -> memref<1x64x128xf32, #tpu.memory_space<hbm>>
      %dma_start3A_691 = tpu.memref_squeeze %dma_start3A_690 : memref<1x64x128xf32, #tpu.memory_space<hbm>> -> memref<64x128xf32, #tpu.memory_space<hbm>>
      tpu.enqueue_dma source(%arg16 : memref<64x128xf32, #tpu.memory_space<vmem>>) target(%dma_start3A_691 : memref<64x128xf32, #tpu.memory_space<hbm>>) target_semaphore(%dma_start3A_688 : memref<!tpu.dma_semaphore, #tpu.memory_space<semaphore_mem>>)
      %lt3A_692 = arith.constant 49 : i32
      %lt3A_693 = arith.cmpi slt, %add3A_391, %lt3A_692 : i32
      %convert_element_type3A_694 = arith.extui %lt3A_693 : i1 to i32
      %cond3A_695 = arith.constant 0 : i32
      %cond3A_696 = arith.cmpi ne, %convert_element_type3A_694, %cond3A_695 : i32
      scf.if %cond3A_696 {
        %add3A_801 = arith.constant 4 : i32
        %add3A_802 = arith.addi %add3A_596, %add3A_801 : i32
        %get3A_803 = arith.index_cast %add3A_802 : i32 to index
        %get3A_804 = arith.constant 0 : index
        %get3A_805 = tpu.vector_load %arg5[%get3A_803, %get3A_804] {strides = array<i32>} : memref<200x128xi32, #tpu.memory_space<vmem>>, vector<16xi32>,
        %shift_right_logical3A_806 = arith.constant 1 : i32
        %shift_right_logical3A_807 = vector.broadcast %shift_right_logical3A_806 : i32 to vector<16xi32>
        %shift_right_logical3A_808 = arith.shrui %get3A_805, %shift_right_logical3A_807 : vector<16xi32>
        %swap3A_809 = arith.constant 0 : index
        %swap3A_810 = tpu.vector_load %arg8[%swap3A_809] {strides = array<i32>} : memref<128xi32, #tpu.memory_space<vmem>>, vector<16xi32>,
        tpu.vector_store %arg8[%swap3A_809], %shift_right_logical3A_808 {strides = array<i32>} : memref<128xi32, #tpu.memory_space<vmem>>, vector<16xi32>,
        %get3A_811 = arith.index_cast %add3A_802 : i32 to index
        %get3A_812 = arith.constant 16 : index
        %get3A_813 = tpu.vector_load %arg5[%get3A_811, %get3A_812] {strides = array<i32>} : memref<200x128xi32, #tpu.memory_space<vmem>>, vector<16xi32>,
        %shift_right_logical3A_814 = arith.constant 1 : i32
        %shift_right_logical3A_815 = vector.broadcast %shift_right_logical3A_814 : i32 to vector<16xi32>
        %shift_right_logical3A_816 = arith.shrui %get3A_813, %shift_right_logical3A_815 : vector<16xi32>
        %swap3A_817 = arith.constant 16 : index
        %swap3A_818 = tpu.vector_load %arg8[%swap3A_817] {strides = array<i32>} : memref<128xi32, #tpu.memory_space<vmem>>, vector<16xi32>,
        tpu.vector_store %arg8[%swap3A_817], %shift_right_logical3A_816 {strides = array<i32>} : memref<128xi32, #tpu.memory_space<vmem>>, vector<16xi32>,
        %get3A_819 = arith.index_cast %add3A_802 : i32 to index
        %get3A_820 = arith.constant 32 : index
        %get3A_821 = tpu.vector_load %arg5[%get3A_819, %get3A_820] {strides = array<i32>} : memref<200x128xi32, #tpu.memory_space<vmem>>, vector<16xi32>,
        %shift_right_logical3A_822 = arith.constant 1 : i32
        %shift_right_logical3A_823 = vector.broadcast %shift_right_logical3A_822 : i32 to vector<16xi32>
        %shift_right_logical3A_824 = arith.shrui %get3A_821, %shift_right_logical3A_823 : vector<16xi32>
        %swap3A_825 = arith.constant 32 : index
        %swap3A_826 = tpu.vector_load %arg8[%swap3A_825] {strides = array<i32>} : memref<128xi32, #tpu.memory_space<vmem>>, vector<16xi32>,
        tpu.vector_store %arg8[%swap3A_825], %shift_right_logical3A_824 {strides = array<i32>} : memref<128xi32, #tpu.memory_space<vmem>>, vector<16xi32>,
        %get3A_827 = arith.index_cast %add3A_802 : i32 to index
        %get3A_828 = arith.constant 48 : index
        %get3A_829 = tpu.vector_load %arg5[%get3A_827, %get3A_828] {strides = array<i32>} : memref<200x128xi32, #tpu.memory_space<vmem>>, vector<16xi32>,
        %shift_right_logical3A_830 = arith.constant 1 : i32
        %shift_right_logical3A_831 = vector.broadcast %shift_right_logical3A_830 : i32 to vector<16xi32>
        %shift_right_logical3A_832 = arith.shrui %get3A_829, %shift_right_logical3A_831 : vector<16xi32>
        %swap3A_833 = arith.constant 48 : index
        %swap3A_834 = tpu.vector_load %arg8[%swap3A_833] {strides = array<i32>} : memref<128xi32, #tpu.memory_space<vmem>>, vector<16xi32>,
        tpu.vector_store %arg8[%swap3A_833], %shift_right_logical3A_832 {strides = array<i32>} : memref<128xi32, #tpu.memory_space<vmem>>, vector<16xi32>,
        %get3A_835 = arith.index_cast %add3A_802 : i32 to index
        %get3A_836 = arith.constant 64 : index
        %get3A_837 = tpu.vector_load %arg5[%get3A_835, %get3A_836] {strides = array<i32>} : memref<200x128xi32, #tpu.memory_space<vmem>>, vector<16xi32>,
        %shift_right_logical3A_838 = arith.constant 1 : i32
        %shift_right_logical3A_839 = vector.broadcast %shift_right_logical3A_838 : i32 to vector<16xi32>
        %shift_right_logical3A_840 = arith.shrui %get3A_837, %shift_right_logical3A_839 : vector<16xi32>
        %swap3A_841 = arith.constant 64 : index
        %swap3A_842 = tpu.vector_load %arg8[%swap3A_841] {strides = array<i32>} : memref<128xi32, #tpu.memory_space<vmem>>, vector<16xi32>,
        tpu.vector_store %arg8[%swap3A_841], %shift_right_logical3A_840 {strides = array<i32>} : memref<128xi32, #tpu.memory_space<vmem>>, vector<16xi32>,
        %get3A_843 = arith.index_cast %add3A_802 : i32 to index
        %get3A_844 = arith.constant 80 : index
        %get3A_845 = tpu.vector_load %arg5[%get3A_843, %get3A_844] {strides = array<i32>} : memref<200x128xi32, #tpu.memory_space<vmem>>, vector<16xi32>,
        %shift_right_logical3A_846 = arith.constant 1 : i32
        %shift_right_logical3A_847 = vector.broadcast %shift_right_logical3A_846 : i32 to vector<16xi32>
        %shift_right_logical3A_848 = arith.shrui %get3A_845, %shift_right_logical3A_847 : vector<16xi32>
        %swap3A_849 = arith.constant 80 : index
        %swap3A_850 = tpu.vector_load %arg8[%swap3A_849] {strides = array<i32>} : memref<128xi32, #tpu.memory_space<vmem>>, vector<16xi32>,
        tpu.vector_store %arg8[%swap3A_849], %shift_right_logical3A_848 {strides = array<i32>} : memref<128xi32, #tpu.memory_space<vmem>>, vector<16xi32>,
        %get3A_851 = arith.index_cast %add3A_802 : i32 to index
        %get3A_852 = arith.constant 96 : index
        %get3A_853 = tpu.vector_load %arg5[%get3A_851, %get3A_852] {strides = array<i32>} : memref<200x128xi32, #tpu.memory_space<vmem>>, vector<16xi32>,
        %shift_right_logical3A_854 = arith.constant 1 : i32
        %shift_right_logical3A_855 = vector.broadcast %shift_right_logical3A_854 : i32 to vector<16xi32>
        %shift_right_logical3A_856 = arith.shrui %get3A_853, %shift_right_logical3A_855 : vector<16xi32>
        %swap3A_857 = arith.constant 96 : index
        %swap3A_858 = tpu.vector_load %arg8[%swap3A_857] {strides = array<i32>} : memref<128xi32, #tpu.memory_space<vmem>>, vector<16xi32>,
        tpu.vector_store %arg8[%swap3A_857], %shift_right_logical3A_856 {strides = array<i32>} : memref<128xi32, #tpu.memory_space<vmem>>, vector<16xi32>,
        %get3A_859 = arith.index_cast %add3A_802 : i32 to index
        %get3A_860 = arith.constant 112 : index
        %get3A_861 = tpu.vector_load %arg5[%get3A_859, %get3A_860] {strides = array<i32>} : memref<200x128xi32, #tpu.memory_space<vmem>>, vector<16xi32>,
        %shift_right_logical3A_862 = arith.constant 1 : i32
        %shift_right_logical3A_863 = vector.broadcast %shift_right_logical3A_862 : i32 to vector<16xi32>
        %shift_right_logical3A_864 = arith.shrui %get3A_861, %shift_right_logical3A_863 : vector<16xi32>
        %swap3A_865 = arith.constant 112 : index
        %swap3A_866 = tpu.vector_load %arg8[%swap3A_865] {strides = array<i32>} : memref<128xi32, #tpu.memory_space<vmem>>, vector<16xi32>,
        tpu.vector_store %arg8[%swap3A_865], %shift_right_logical3A_864 {strides = array<i32>} : memref<128xi32, #tpu.memory_space<vmem>>, vector<16xi32>,
        %dma_start3A_867 = arith.constant 2 : i32
        %dma_start3A_868 = arith.constant 0 : i32
        %dma_start3A_869 = arith.constant 0 : i32
        %dma_start3A_870 = tpu.memref_slice %arg3[%dma_start3A_868, %dma_start3A_869] : memref<500000x128xf32, #tpu.memory_space<hbm>> -> memref<500000x128xf32, #tpu.memory_space<hbm>>
        %dma_start3A_871 = tpu.memref_slice %arg18[%dma_start3A_867] : memref<4x!tpu.dma_semaphore, #tpu.memory_space<semaphore_mem>> -> memref<1x!tpu.dma_semaphore, #tpu.memory_space<semaphore_mem>>
        %dma_start3A_872 = tpu.memref_squeeze %dma_start3A_871 : memref<1x!tpu.dma_semaphore, #tpu.memory_space<semaphore_mem>> -> memref<!tpu.dma_semaphore, #tpu.memory_space<semaphore_mem>>
        tpu.enqueue_indirect_dma source(%dma_start3A_870 : memref<500000x128xf32, #tpu.memory_space<hbm>>) target(%arg12 : memref<128x128xf32, #tpu.memory_space<vmem>>) offsets(%arg8 : memref<128xi32, #tpu.memory_space<vmem>>) semaphore(%dma_start3A_872 : memref<!tpu.dma_semaphore, #tpu.memory_space<semaphore_mem>>)
      } else {
      }
      %mul3A_697 = arith.constant 4 : i32
      %mul3A_698 = arith.muli %add3A_391, %mul3A_697 : i32
      %add3A_699 = arith.constant 3 : i32
      %add3A_700 = arith.addi %mul3A_698, %add3A_699 : i32
      %dma_wait3A_701 = arith.constant 3 : i32
      %dma_wait3A_702 = arith.constant 0 : i32
      %dma_wait3A_703 = arith.constant 0 : i32
      %dma_wait3A_704 = tpu.memref_slice %arg3[%dma_wait3A_702, %dma_wait3A_703] : memref<500000x128xf32, #tpu.memory_space<hbm>> -> memref<500000x128xf32, #tpu.memory_space<hbm>>
      %dma_wait3A_705 = tpu.memref_slice %arg18[%dma_wait3A_701] : memref<4x!tpu.dma_semaphore, #tpu.memory_space<semaphore_mem>> -> memref<1x!tpu.dma_semaphore, #tpu.memory_space<semaphore_mem>>
      %dma_wait3A_706 = tpu.memref_squeeze %dma_wait3A_705 : memref<1x!tpu.dma_semaphore, #tpu.memory_space<semaphore_mem>> -> memref<!tpu.dma_semaphore, #tpu.memory_space<semaphore_mem>>
      tpu.wait_indirect_dma semaphore(%dma_wait3A_706 : memref<!tpu.dma_semaphore, #tpu.memory_space<semaphore_mem>>) src(%dma_wait3A_704 : memref<500000x128xf32, #tpu.memory_space<hbm>>) dst(%arg13 : memref<128x128xf32, #tpu.memory_space<vmem>>)
      %gt3A_707 = arith.constant 0 : i32
      %gt3A_708 = arith.cmpi sgt, %add3A_391, %gt3A_707 : i32
      %convert_element_type3A_709 = arith.extui %gt3A_708 : i1 to i32
      %cond3A_710 = arith.constant 0 : i32
      %cond3A_711 = arith.cmpi ne, %convert_element_type3A_709, %cond3A_710 : i32
      scf.if %cond3A_711 {
        %sub3A = arith.constant 4 : i32
        %sub3A_801 = arith.subi %add3A_700, %sub3A : i32
        %dma_wait3A_802 = arith.constant 3 : i32
        %dma_wait3A_803 = arith.constant 0 : i32
        %dma_wait3A_804 = tpu.memref_slice %arg4[%sub3A_801, %dma_wait3A_803, %mul3A_2] : memref<200x64x4096xf32, #tpu.memory_space<hbm>> -> memref<1x64x128xf32, #tpu.memory_space<hbm>>
        %dma_wait3A_805 = tpu.memref_squeeze %dma_wait3A_804 : memref<1x64x128xf32, #tpu.memory_space<hbm>> -> memref<64x128xf32, #tpu.memory_space<hbm>>
        %dma_wait3A_806 = tpu.memref_slice %arg19[%dma_wait3A_802] : memref<4x!tpu.dma_semaphore, #tpu.memory_space<semaphore_mem>> -> memref<1x!tpu.dma_semaphore, #tpu.memory_space<semaphore_mem>>
        %dma_wait3A_807 = tpu.memref_squeeze %dma_wait3A_806 : memref<1x!tpu.dma_semaphore, #tpu.memory_space<semaphore_mem>> -> memref<!tpu.dma_semaphore, #tpu.memory_space<semaphore_mem>>
        %dma_wait3A_808 = arith.constant 0 : i32
        %dma_wait3A_809 = tpu.memref_slice %arg4[%sub3A_801, %dma_wait3A_808, %mul3A_2] : memref<200x64x4096xf32, #tpu.memory_space<hbm>> -> memref<1x64x128xf32, #tpu.memory_space<hbm>>
        %dma_wait3A_810 = tpu.memref_squeeze %dma_wait3A_809 : memref<1x64x128xf32, #tpu.memory_space<hbm>> -> memref<64x128xf32, #tpu.memory_space<hbm>>
        tpu.wait_dma2 semaphore(%dma_wait3A_807 : memref<!tpu.dma_semaphore, #tpu.memory_space<semaphore_mem>>) src(%arg17 : memref<64x128xf32, #tpu.memory_space<vmem>>) dst(%dma_wait3A_810 : memref<64x128xf32, #tpu.memory_space<hbm>>)
      } else {
      }
      %get3A_712 = arith.index_cast %add3A_700 : i32 to index
      %get3A_713 = arith.constant 0 : index
      %get3A_714 = tpu.vector_load %arg5[%get3A_712, %get3A_713] {strides = array<i32>} : memref<200x128xi32, #tpu.memory_space<vmem>>, vector<16xi32>,
      %and3A_715 = arith.constant 1 : i32
      %and3A_716 = vector.broadcast %and3A_715 : i32 to vector<16xi32>
      %and3A_717 = arith.andi %get3A_714, %and3A_716 : vector<16xi32>
      %shift_left3A_718 = arith.constant 6 : i32
      %shift_left3A_719 = vector.broadcast %shift_left3A_718 : i32 to vector<16xi32>
      %shift_left3A_720 = arith.shli %and3A_717, %shift_left3A_719 : vector<16xi32>
      %get3A_721 = arith.index_cast %add3A_700 : i32 to index
      %get3A_722 = arith.constant 16 : index
      %get3A_723 = tpu.vector_load %arg5[%get3A_721, %get3A_722] {strides = array<i32>} : memref<200x128xi32, #tpu.memory_space<vmem>>, vector<16xi32>,
      %and3A_724 = arith.constant 1 : i32
      %and3A_725 = vector.broadcast %and3A_724 : i32 to vector<16xi32>
      %and3A_726 = arith.andi %get3A_723, %and3A_725 : vector<16xi32>
      %shift_left3A_727 = arith.constant 6 : i32
      %shift_left3A_728 = vector.broadcast %shift_left3A_727 : i32 to vector<16xi32>
      %shift_left3A_729 = arith.shli %and3A_726, %shift_left3A_728 : vector<16xi32>
      %get3A_730 = arith.index_cast %add3A_700 : i32 to index
      %get3A_731 = arith.constant 32 : index
      %get3A_732 = tpu.vector_load %arg5[%get3A_730, %get3A_731] {strides = array<i32>} : memref<200x128xi32, #tpu.memory_space<vmem>>, vector<16xi32>,
      %and3A_733 = arith.constant 1 : i32
      %and3A_734 = vector.broadcast %and3A_733 : i32 to vector<16xi32>
      %and3A_735 = arith.andi %get3A_732, %and3A_734 : vector<16xi32>
      %shift_left3A_736 = arith.constant 6 : i32
      %shift_left3A_737 = vector.broadcast %shift_left3A_736 : i32 to vector<16xi32>
      %shift_left3A_738 = arith.shli %and3A_735, %shift_left3A_737 : vector<16xi32>
      %get3A_739 = arith.index_cast %add3A_700 : i32 to index
      %get3A_740 = arith.constant 48 : index
      %get3A_741 = tpu.vector_load %arg5[%get3A_739, %get3A_740] {strides = array<i32>} : memref<200x128xi32, #tpu.memory_space<vmem>>, vector<16xi32>,
      %and3A_742 = arith.constant 1 : i32
      %and3A_743 = vector.broadcast %and3A_742 : i32 to vector<16xi32>
      %and3A_744 = arith.andi %get3A_741, %and3A_743 : vector<16xi32>
      %shift_left3A_745 = arith.constant 6 : i32
      %shift_left3A_746 = vector.broadcast %shift_left3A_745 : i32 to vector<16xi32>
      %shift_left3A_747 = arith.shli %and3A_744, %shift_left3A_746 : vector<16xi32>
      %get3A_748 = arith.index_cast %add3A_700 : i32 to index
      %get3A_749 = arith.constant 64 : index
      %get3A_750 = tpu.vector_load %arg5[%get3A_748, %get3A_749] {strides = array<i32>} : memref<200x128xi32, #tpu.memory_space<vmem>>, vector<16xi32>,
      %and3A_751 = arith.constant 1 : i32
      %and3A_752 = vector.broadcast %and3A_751 : i32 to vector<16xi32>
      %and3A_753 = arith.andi %get3A_750, %and3A_752 : vector<16xi32>
      %shift_left3A_754 = arith.constant 6 : i32
      %shift_left3A_755 = vector.broadcast %shift_left3A_754 : i32 to vector<16xi32>
      %shift_left3A_756 = arith.shli %and3A_753, %shift_left3A_755 : vector<16xi32>
      %get3A_757 = arith.index_cast %add3A_700 : i32 to index
      %get3A_758 = arith.constant 80 : index
      %get3A_759 = tpu.vector_load %arg5[%get3A_757, %get3A_758] {strides = array<i32>} : memref<200x128xi32, #tpu.memory_space<vmem>>, vector<16xi32>,
      %and3A_760 = arith.constant 1 : i32
      %and3A_761 = vector.broadcast %and3A_760 : i32 to vector<16xi32>
      %and3A_762 = arith.andi %get3A_759, %and3A_761 : vector<16xi32>
      %shift_left3A_763 = arith.constant 6 : i32
      %shift_left3A_764 = vector.broadcast %shift_left3A_763 : i32 to vector<16xi32>
      %shift_left3A_765 = arith.shli %and3A_762, %shift_left3A_764 : vector<16xi32>
      %get3A_766 = arith.index_cast %add3A_700 : i32 to index
      %get3A_767 = arith.constant 96 : index
      %get3A_768 = tpu.vector_load %arg5[%get3A_766, %get3A_767] {strides = array<i32>} : memref<200x128xi32, #tpu.memory_space<vmem>>, vector<16xi32>,
      %and3A_769 = arith.constant 1 : i32
      %and3A_770 = vector.broadcast %and3A_769 : i32 to vector<16xi32>
      %and3A_771 = arith.andi %get3A_768, %and3A_770 : vector<16xi32>
      %shift_left3A_772 = arith.constant 6 : i32
      %shift_left3A_773 = vector.broadcast %shift_left3A_772 : i32 to vector<16xi32>
      %shift_left3A_774 = arith.shli %and3A_771, %shift_left3A_773 : vector<16xi32>
      %get3A_775 = arith.index_cast %add3A_700 : i32 to index
      %get3A_776 = arith.constant 112 : index
      %get3A_777 = tpu.vector_load %arg5[%get3A_775, %get3A_776] {strides = array<i32>} : memref<200x128xi32, #tpu.memory_space<vmem>>, vector<16xi32>,
      %and3A_778 = arith.constant 1 : i32
      %and3A_779 = vector.broadcast %and3A_778 : i32 to vector<16xi32>
      %and3A_780 = arith.andi %get3A_777, %and3A_779 : vector<16xi32>
      %shift_left3A_781 = arith.constant 6 : i32
      %shift_left3A_782 = vector.broadcast %shift_left3A_781 : i32 to vector<16xi32>
      %shift_left3A_783 = arith.shli %and3A_780, %shift_left3A_782 : vector<16xi32>
      %parallel_loop3A_784 = arith.constant 0 : i32
      %parallel_loop3A_785 = arith.constant 64 : i32
      %parallel_loop3A_786 = arith.constant 1 : i32
      scf.for %parallel_loop3A_801 = %parallel_loop3A_784 to %parallel_loop3A_785 step %parallel_loop3A_786  : i32 {
        %parallel_loop3A_802 = vector.broadcast %parallel_loop3A_801 : i32 to vector<16xi32>
        %parallel_loop3A_803 = arith.addi %shift_left3A_720, %parallel_loop3A_802 : vector<16xi32>
        %parallel_loop3A_804 = tpu.vector_load_idx %arg13[%add3A_7, %parallel_loop3A_803] : memref<128x128xf32, #tpu.memory_space<vmem>>[vector<16xi32>, vector<16xi32>], vector<16xf32>,
        %parallel_loop3A_805 = arith.constant 8.000000e+00 : f32
        %parallel_loop3A_806 = vector.broadcast %parallel_loop3A_805 : f32 to vector<16xf32>
        %parallel_loop3A_807 = arith.mulf %parallel_loop3A_804, %parallel_loop3A_806 : vector<16xf32>
        %parallel_loop3A_808 = arith.index_cast %parallel_loop3A_801 : i32 to index
        %parallel_loop3A_809 = arith.constant 0 : index
        %parallel_loop3A_810 = tpu.vector_load %arg17[%parallel_loop3A_808, %parallel_loop3A_809] {strides = array<i32>} : memref<64x128xf32, #tpu.memory_space<vmem>>, vector<16xf32>,
        tpu.vector_store %arg17[%parallel_loop3A_808, %parallel_loop3A_809], %parallel_loop3A_807 {strides = array<i32>} : memref<64x128xf32, #tpu.memory_space<vmem>>, vector<16xf32>,
        %parallel_loop3A_811 = vector.broadcast %parallel_loop3A_801 : i32 to vector<16xi32>
        %parallel_loop3A_812 = arith.addi %shift_left3A_729, %parallel_loop3A_811 : vector<16xi32>
        %parallel_loop3A_813 = tpu.vector_load_idx %arg13[%add3A_11, %parallel_loop3A_812] : memref<128x128xf32, #tpu.memory_space<vmem>>[vector<16xi32>, vector<16xi32>], vector<16xf32>,
        %parallel_loop3A_814 = arith.constant 8.000000e+00 : f32
        %parallel_loop3A_815 = vector.broadcast %parallel_loop3A_814 : f32 to vector<16xf32>
        %parallel_loop3A_816 = arith.mulf %parallel_loop3A_813, %parallel_loop3A_815 : vector<16xf32>
        %parallel_loop3A_817 = arith.index_cast %parallel_loop3A_801 : i32 to index
        %parallel_loop3A_818 = arith.constant 16 : index
        %parallel_loop3A_819 = tpu.vector_load %arg17[%parallel_loop3A_817, %parallel_loop3A_818] {strides = array<i32>} : memref<64x128xf32, #tpu.memory_space<vmem>>, vector<16xf32>,
        tpu.vector_store %arg17[%parallel_loop3A_817, %parallel_loop3A_818], %parallel_loop3A_816 {strides = array<i32>} : memref<64x128xf32, #tpu.memory_space<vmem>>, vector<16xf32>,
        %parallel_loop3A_820 = vector.broadcast %parallel_loop3A_801 : i32 to vector<16xi32>
        %parallel_loop3A_821 = arith.addi %shift_left3A_738, %parallel_loop3A_820 : vector<16xi32>
        %parallel_loop3A_822 = tpu.vector_load_idx %arg13[%add3A_15, %parallel_loop3A_821] : memref<128x128xf32, #tpu.memory_space<vmem>>[vector<16xi32>, vector<16xi32>], vector<16xf32>,
        %parallel_loop3A_823 = arith.constant 8.000000e+00 : f32
        %parallel_loop3A_824 = vector.broadcast %parallel_loop3A_823 : f32 to vector<16xf32>
        %parallel_loop3A_825 = arith.mulf %parallel_loop3A_822, %parallel_loop3A_824 : vector<16xf32>
        %parallel_loop3A_826 = arith.index_cast %parallel_loop3A_801 : i32 to index
        %parallel_loop3A_827 = arith.constant 32 : index
        %parallel_loop3A_828 = tpu.vector_load %arg17[%parallel_loop3A_826, %parallel_loop3A_827] {strides = array<i32>} : memref<64x128xf32, #tpu.memory_space<vmem>>, vector<16xf32>,
        tpu.vector_store %arg17[%parallel_loop3A_826, %parallel_loop3A_827], %parallel_loop3A_825 {strides = array<i32>} : memref<64x128xf32, #tpu.memory_space<vmem>>, vector<16xf32>,
        %parallel_loop3A_829 = vector.broadcast %parallel_loop3A_801 : i32 to vector<16xi32>
        %parallel_loop3A_830 = arith.addi %shift_left3A_747, %parallel_loop3A_829 : vector<16xi32>
        %parallel_loop3A_831 = tpu.vector_load_idx %arg13[%add3A_19, %parallel_loop3A_830] : memref<128x128xf32, #tpu.memory_space<vmem>>[vector<16xi32>, vector<16xi32>], vector<16xf32>,
        %parallel_loop3A_832 = arith.constant 8.000000e+00 : f32
        %parallel_loop3A_833 = vector.broadcast %parallel_loop3A_832 : f32 to vector<16xf32>
        %parallel_loop3A_834 = arith.mulf %parallel_loop3A_831, %parallel_loop3A_833 : vector<16xf32>
        %parallel_loop3A_835 = arith.index_cast %parallel_loop3A_801 : i32 to index
        %parallel_loop3A_836 = arith.constant 48 : index
        %parallel_loop3A_837 = tpu.vector_load %arg17[%parallel_loop3A_835, %parallel_loop3A_836] {strides = array<i32>} : memref<64x128xf32, #tpu.memory_space<vmem>>, vector<16xf32>,
        tpu.vector_store %arg17[%parallel_loop3A_835, %parallel_loop3A_836], %parallel_loop3A_834 {strides = array<i32>} : memref<64x128xf32, #tpu.memory_space<vmem>>, vector<16xf32>,
        %parallel_loop3A_838 = vector.broadcast %parallel_loop3A_801 : i32 to vector<16xi32>
        %parallel_loop3A_839 = arith.addi %shift_left3A_756, %parallel_loop3A_838 : vector<16xi32>
        %parallel_loop3A_840 = tpu.vector_load_idx %arg13[%add3A_23, %parallel_loop3A_839] : memref<128x128xf32, #tpu.memory_space<vmem>>[vector<16xi32>, vector<16xi32>], vector<16xf32>,
        %parallel_loop3A_841 = arith.constant 8.000000e+00 : f32
        %parallel_loop3A_842 = vector.broadcast %parallel_loop3A_841 : f32 to vector<16xf32>
        %parallel_loop3A_843 = arith.mulf %parallel_loop3A_840, %parallel_loop3A_842 : vector<16xf32>
        %parallel_loop3A_844 = arith.index_cast %parallel_loop3A_801 : i32 to index
        %parallel_loop3A_845 = arith.constant 64 : index
        %parallel_loop3A_846 = tpu.vector_load %arg17[%parallel_loop3A_844, %parallel_loop3A_845] {strides = array<i32>} : memref<64x128xf32, #tpu.memory_space<vmem>>, vector<16xf32>,
        tpu.vector_store %arg17[%parallel_loop3A_844, %parallel_loop3A_845], %parallel_loop3A_843 {strides = array<i32>} : memref<64x128xf32, #tpu.memory_space<vmem>>, vector<16xf32>,
        %parallel_loop3A_847 = vector.broadcast %parallel_loop3A_801 : i32 to vector<16xi32>
        %parallel_loop3A_848 = arith.addi %shift_left3A_765, %parallel_loop3A_847 : vector<16xi32>
        %parallel_loop3A_849 = tpu.vector_load_idx %arg13[%add3A_27, %parallel_loop3A_848] : memref<128x128xf32, #tpu.memory_space<vmem>>[vector<16xi32>, vector<16xi32>], vector<16xf32>,
        %parallel_loop3A_850 = arith.constant 8.000000e+00 : f32
        %parallel_loop3A_851 = vector.broadcast %parallel_loop3A_850 : f32 to vector<16xf32>
        %parallel_loop3A_852 = arith.mulf %parallel_loop3A_849, %parallel_loop3A_851 : vector<16xf32>
        %parallel_loop3A_853 = arith.index_cast %parallel_loop3A_801 : i32 to index
        %parallel_loop3A_854 = arith.constant 80 : index
        %parallel_loop3A_855 = tpu.vector_load %arg17[%parallel_loop3A_853, %parallel_loop3A_854] {strides = array<i32>} : memref<64x128xf32, #tpu.memory_space<vmem>>, vector<16xf32>,
        tpu.vector_store %arg17[%parallel_loop3A_853, %parallel_loop3A_854], %parallel_loop3A_852 {strides = array<i32>} : memref<64x128xf32, #tpu.memory_space<vmem>>, vector<16xf32>,
        %parallel_loop3A_856 = vector.broadcast %parallel_loop3A_801 : i32 to vector<16xi32>
        %parallel_loop3A_857 = arith.addi %shift_left3A_774, %parallel_loop3A_856 : vector<16xi32>
        %parallel_loop3A_858 = tpu.vector_load_idx %arg13[%add3A_31, %parallel_loop3A_857] : memref<128x128xf32, #tpu.memory_space<vmem>>[vector<16xi32>, vector<16xi32>], vector<16xf32>,
        %parallel_loop3A_859 = arith.constant 8.000000e+00 : f32
        %parallel_loop3A_860 = vector.broadcast %parallel_loop3A_859 : f32 to vector<16xf32>
        %parallel_loop3A_861 = arith.mulf %parallel_loop3A_858, %parallel_loop3A_860 : vector<16xf32>
        %parallel_loop3A_862 = arith.index_cast %parallel_loop3A_801 : i32 to index
        %parallel_loop3A_863 = arith.constant 96 : index
        %parallel_loop3A_864 = tpu.vector_load %arg17[%parallel_loop3A_862, %parallel_loop3A_863] {strides = array<i32>} : memref<64x128xf32, #tpu.memory_space<vmem>>, vector<16xf32>,
        tpu.vector_store %arg17[%parallel_loop3A_862, %parallel_loop3A_863], %parallel_loop3A_861 {strides = array<i32>} : memref<64x128xf32, #tpu.memory_space<vmem>>, vector<16xf32>,
        %parallel_loop3A_865 = vector.broadcast %parallel_loop3A_801 : i32 to vector<16xi32>
        %parallel_loop3A_866 = arith.addi %shift_left3A_783, %parallel_loop3A_865 : vector<16xi32>
        %parallel_loop3A_867 = tpu.vector_load_idx %arg13[%add3A_35, %parallel_loop3A_866] : memref<128x128xf32, #tpu.memory_space<vmem>>[vector<16xi32>, vector<16xi32>], vector<16xf32>,
        %parallel_loop3A_868 = arith.constant 8.000000e+00 : f32
        %parallel_loop3A_869 = vector.broadcast %parallel_loop3A_868 : f32 to vector<16xf32>
        %parallel_loop3A_870 = arith.mulf %parallel_loop3A_867, %parallel_loop3A_869 : vector<16xf32>
        %parallel_loop3A_871 = arith.index_cast %parallel_loop3A_801 : i32 to index
        %parallel_loop3A_872 = arith.constant 112 : index
        %parallel_loop3A_873 = tpu.vector_load %arg17[%parallel_loop3A_871, %parallel_loop3A_872] {strides = array<i32>} : memref<64x128xf32, #tpu.memory_space<vmem>>, vector<16xf32>,
        tpu.vector_store %arg17[%parallel_loop3A_871, %parallel_loop3A_872], %parallel_loop3A_870 {strides = array<i32>} : memref<64x128xf32, #tpu.memory_space<vmem>>, vector<16xf32>,
      } {sc.loop_unroll_factor = 2 : i64, sc.parallel_access}
      %dma_start3A_787 = arith.constant 3 : i32
      %dma_start3A_788 = arith.constant 0 : i32
      %dma_start3A_789 = tpu.memref_slice %arg4[%add3A_700, %dma_start3A_788, %mul3A_2] : memref<200x64x4096xf32, #tpu.memory_space<hbm>> -> memref<1x64x128xf32, #tpu.memory_space<hbm>>
      %dma_start3A_790 = tpu.memref_squeeze %dma_start3A_789 : memref<1x64x128xf32, #tpu.memory_space<hbm>> -> memref<64x128xf32, #tpu.memory_space<hbm>>
      %dma_start3A_791 = tpu.memref_slice %arg19[%dma_start3A_787] : memref<4x!tpu.dma_semaphore, #tpu.memory_space<semaphore_mem>> -> memref<1x!tpu.dma_semaphore, #tpu.memory_space<semaphore_mem>>
      %dma_start3A_792 = tpu.memref_squeeze %dma_start3A_791 : memref<1x!tpu.dma_semaphore, #tpu.memory_space<semaphore_mem>> -> memref<!tpu.dma_semaphore, #tpu.memory_space<semaphore_mem>>
      %dma_start3A_793 = arith.constant 0 : i32
      %dma_start3A_794 = tpu.memref_slice %arg4[%add3A_700, %dma_start3A_793, %mul3A_2] : memref<200x64x4096xf32, #tpu.memory_space<hbm>> -> memref<1x64x128xf32, #tpu.memory_space<hbm>>
      %dma_start3A_795 = tpu.memref_squeeze %dma_start3A_794 : memref<1x64x128xf32, #tpu.memory_space<hbm>> -> memref<64x128xf32, #tpu.memory_space<hbm>>
      tpu.enqueue_dma source(%arg17 : memref<64x128xf32, #tpu.memory_space<vmem>>) target(%dma_start3A_795 : memref<64x128xf32, #tpu.memory_space<hbm>>) target_semaphore(%dma_start3A_792 : memref<!tpu.dma_semaphore, #tpu.memory_space<semaphore_mem>>)
      %lt3A_796 = arith.constant 49 : i32
      %lt3A_797 = arith.cmpi slt, %add3A_391, %lt3A_796 : i32
      %convert_element_type3A_798 = arith.extui %lt3A_797 : i1 to i32
      %cond3A_799 = arith.constant 0 : i32
      %cond3A_800 = arith.cmpi ne, %convert_element_type3A_798, %cond3A_799 : i32
      scf.if %cond3A_800 {
        %add3A_801 = arith.constant 4 : i32
        %add3A_802 = arith.addi %add3A_700, %add3A_801 : i32
        %get3A_803 = arith.index_cast %add3A_802 : i32 to index
        %get3A_804 = arith.constant 0 : index
        %get3A_805 = tpu.vector_load %arg5[%get3A_803, %get3A_804] {strides = array<i32>} : memref<200x128xi32, #tpu.memory_space<vmem>>, vector<16xi32>,
        %shift_right_logical3A_806 = arith.constant 1 : i32
        %shift_right_logical3A_807 = vector.broadcast %shift_right_logical3A_806 : i32 to vector<16xi32>
        %shift_right_logical3A_808 = arith.shrui %get3A_805, %shift_right_logical3A_807 : vector<16xi32>
        %swap3A_809 = arith.constant 0 : index
        %swap3A_810 = tpu.vector_load %arg9[%swap3A_809] {strides = array<i32>} : memref<128xi32, #tpu.memory_space<vmem>>, vector<16xi32>,
        tpu.vector_store %arg9[%swap3A_809], %shift_right_logical3A_808 {strides = array<i32>} : memref<128xi32, #tpu.memory_space<vmem>>, vector<16xi32>,
        %get3A_811 = arith.index_cast %add3A_802 : i32 to index
        %get3A_812 = arith.constant 16 : index
        %get3A_813 = tpu.vector_load %arg5[%get3A_811, %get3A_812] {strides = array<i32>} : memref<200x128xi32, #tpu.memory_space<vmem>>, vector<16xi32>,
        %shift_right_logical3A_814 = arith.constant 1 : i32
        %shift_right_logical3A_815 = vector.broadcast %shift_right_logical3A_814 : i32 to vector<16xi32>
        %shift_right_logical3A_816 = arith.shrui %get3A_813, %shift_right_logical3A_815 : vector<16xi32>
        %swap3A_817 = arith.constant 16 : index
        %swap3A_818 = tpu.vector_load %arg9[%swap3A_817] {strides = array<i32>} : memref<128xi32, #tpu.memory_space<vmem>>, vector<16xi32>,
        tpu.vector_store %arg9[%swap3A_817], %shift_right_logical3A_816 {strides = array<i32>} : memref<128xi32, #tpu.memory_space<vmem>>, vector<16xi32>,
        %get3A_819 = arith.index_cast %add3A_802 : i32 to index
        %get3A_820 = arith.constant 32 : index
        %get3A_821 = tpu.vector_load %arg5[%get3A_819, %get3A_820] {strides = array<i32>} : memref<200x128xi32, #tpu.memory_space<vmem>>, vector<16xi32>,
        %shift_right_logical3A_822 = arith.constant 1 : i32
        %shift_right_logical3A_823 = vector.broadcast %shift_right_logical3A_822 : i32 to vector<16xi32>
        %shift_right_logical3A_824 = arith.shrui %get3A_821, %shift_right_logical3A_823 : vector<16xi32>
        %swap3A_825 = arith.constant 32 : index
        %swap3A_826 = tpu.vector_load %arg9[%swap3A_825] {strides = array<i32>} : memref<128xi32, #tpu.memory_space<vmem>>, vector<16xi32>,
        tpu.vector_store %arg9[%swap3A_825], %shift_right_logical3A_824 {strides = array<i32>} : memref<128xi32, #tpu.memory_space<vmem>>, vector<16xi32>,
        %get3A_827 = arith.index_cast %add3A_802 : i32 to index
        %get3A_828 = arith.constant 48 : index
        %get3A_829 = tpu.vector_load %arg5[%get3A_827, %get3A_828] {strides = array<i32>} : memref<200x128xi32, #tpu.memory_space<vmem>>, vector<16xi32>,
        %shift_right_logical3A_830 = arith.constant 1 : i32
        %shift_right_logical3A_831 = vector.broadcast %shift_right_logical3A_830 : i32 to vector<16xi32>
        %shift_right_logical3A_832 = arith.shrui %get3A_829, %shift_right_logical3A_831 : vector<16xi32>
        %swap3A_833 = arith.constant 48 : index
        %swap3A_834 = tpu.vector_load %arg9[%swap3A_833] {strides = array<i32>} : memref<128xi32, #tpu.memory_space<vmem>>, vector<16xi32>,
        tpu.vector_store %arg9[%swap3A_833], %shift_right_logical3A_832 {strides = array<i32>} : memref<128xi32, #tpu.memory_space<vmem>>, vector<16xi32>,
        %get3A_835 = arith.index_cast %add3A_802 : i32 to index
        %get3A_836 = arith.constant 64 : index
        %get3A_837 = tpu.vector_load %arg5[%get3A_835, %get3A_836] {strides = array<i32>} : memref<200x128xi32, #tpu.memory_space<vmem>>, vector<16xi32>,
        %shift_right_logical3A_838 = arith.constant 1 : i32
        %shift_right_logical3A_839 = vector.broadcast %shift_right_logical3A_838 : i32 to vector<16xi32>
        %shift_right_logical3A_840 = arith.shrui %get3A_837, %shift_right_logical3A_839 : vector<16xi32>
        %swap3A_841 = arith.constant 64 : index
        %swap3A_842 = tpu.vector_load %arg9[%swap3A_841] {strides = array<i32>} : memref<128xi32, #tpu.memory_space<vmem>>, vector<16xi32>,
        tpu.vector_store %arg9[%swap3A_841], %shift_right_logical3A_840 {strides = array<i32>} : memref<128xi32, #tpu.memory_space<vmem>>, vector<16xi32>,
        %get3A_843 = arith.index_cast %add3A_802 : i32 to index
        %get3A_844 = arith.constant 80 : index
        %get3A_845 = tpu.vector_load %arg5[%get3A_843, %get3A_844] {strides = array<i32>} : memref<200x128xi32, #tpu.memory_space<vmem>>, vector<16xi32>,
        %shift_right_logical3A_846 = arith.constant 1 : i32
        %shift_right_logical3A_847 = vector.broadcast %shift_right_logical3A_846 : i32 to vector<16xi32>
        %shift_right_logical3A_848 = arith.shrui %get3A_845, %shift_right_logical3A_847 : vector<16xi32>
        %swap3A_849 = arith.constant 80 : index
        %swap3A_850 = tpu.vector_load %arg9[%swap3A_849] {strides = array<i32>} : memref<128xi32, #tpu.memory_space<vmem>>, vector<16xi32>,
        tpu.vector_store %arg9[%swap3A_849], %shift_right_logical3A_848 {strides = array<i32>} : memref<128xi32, #tpu.memory_space<vmem>>, vector<16xi32>,
        %get3A_851 = arith.index_cast %add3A_802 : i32 to index
        %get3A_852 = arith.constant 96 : index
        %get3A_853 = tpu.vector_load %arg5[%get3A_851, %get3A_852] {strides = array<i32>} : memref<200x128xi32, #tpu.memory_space<vmem>>, vector<16xi32>,
        %shift_right_logical3A_854 = arith.constant 1 : i32
        %shift_right_logical3A_855 = vector.broadcast %shift_right_logical3A_854 : i32 to vector<16xi32>
        %shift_right_logical3A_856 = arith.shrui %get3A_853, %shift_right_logical3A_855 : vector<16xi32>
        %swap3A_857 = arith.constant 96 : index
        %swap3A_858 = tpu.vector_load %arg9[%swap3A_857] {strides = array<i32>} : memref<128xi32, #tpu.memory_space<vmem>>, vector<16xi32>,
        tpu.vector_store %arg9[%swap3A_857], %shift_right_logical3A_856 {strides = array<i32>} : memref<128xi32, #tpu.memory_space<vmem>>, vector<16xi32>,
        %get3A_859 = arith.index_cast %add3A_802 : i32 to index
        %get3A_860 = arith.constant 112 : index
        %get3A_861 = tpu.vector_load %arg5[%get3A_859, %get3A_860] {strides = array<i32>} : memref<200x128xi32, #tpu.memory_space<vmem>>, vector<16xi32>,
        %shift_right_logical3A_862 = arith.constant 1 : i32
        %shift_right_logical3A_863 = vector.broadcast %shift_right_logical3A_862 : i32 to vector<16xi32>
        %shift_right_logical3A_864 = arith.shrui %get3A_861, %shift_right_logical3A_863 : vector<16xi32>
        %swap3A_865 = arith.constant 112 : index
        %swap3A_866 = tpu.vector_load %arg9[%swap3A_865] {strides = array<i32>} : memref<128xi32, #tpu.memory_space<vmem>>, vector<16xi32>,
        tpu.vector_store %arg9[%swap3A_865], %shift_right_logical3A_864 {strides = array<i32>} : memref<128xi32, #tpu.memory_space<vmem>>, vector<16xi32>,
        %dma_start3A_867 = arith.constant 3 : i32
        %dma_start3A_868 = arith.constant 0 : i32
        %dma_start3A_869 = arith.constant 0 : i32
        %dma_start3A_870 = tpu.memref_slice %arg3[%dma_start3A_868, %dma_start3A_869] : memref<500000x128xf32, #tpu.memory_space<hbm>> -> memref<500000x128xf32, #tpu.memory_space<hbm>>
        %dma_start3A_871 = tpu.memref_slice %arg18[%dma_start3A_867] : memref<4x!tpu.dma_semaphore, #tpu.memory_space<semaphore_mem>> -> memref<1x!tpu.dma_semaphore, #tpu.memory_space<semaphore_mem>>
        %dma_start3A_872 = tpu.memref_squeeze %dma_start3A_871 : memref<1x!tpu.dma_semaphore, #tpu.memory_space<semaphore_mem>> -> memref<!tpu.dma_semaphore, #tpu.memory_space<semaphore_mem>>
        tpu.enqueue_indirect_dma source(%dma_start3A_870 : memref<500000x128xf32, #tpu.memory_space<hbm>>) target(%arg13 : memref<128x128xf32, #tpu.memory_space<vmem>>) offsets(%arg9 : memref<128xi32, #tpu.memory_space<vmem>>) semaphore(%dma_start3A_872 : memref<!tpu.dma_semaphore, #tpu.memory_space<semaphore_mem>>)
      } else {
      }
    }
    %scan3A_347 = arith.constant 50 : i32
    %dma_wait3A = arith.constant 196 : i32
    %dma_wait3A_348 = arith.constant 0 : i32
    %dma_wait3A_349 = arith.constant 0 : i32
    %dma_wait3A_350 = tpu.memref_slice %arg4[%dma_wait3A, %dma_wait3A_349, %mul3A_2] : memref<200x64x4096xf32, #tpu.memory_space<hbm>> -> memref<1x64x128xf32, #tpu.memory_space<hbm>>
    %dma_wait3A_351 = tpu.memref_squeeze %dma_wait3A_350 : memref<1x64x128xf32, #tpu.memory_space<hbm>> -> memref<64x128xf32, #tpu.memory_space<hbm>>
    %dma_wait3A_352 = tpu.memref_slice %arg19[%dma_wait3A_348] : memref<4x!tpu.dma_semaphore, #tpu.memory_space<semaphore_mem>> -> memref<1x!tpu.dma_semaphore, #tpu.memory_space<semaphore_mem>>
    %dma_wait3A_353 = tpu.memref_squeeze %dma_wait3A_352 : memref<1x!tpu.dma_semaphore, #tpu.memory_space<semaphore_mem>> -> memref<!tpu.dma_semaphore, #tpu.memory_space<semaphore_mem>>
    %dma_wait3A_354 = arith.constant 0 : i32
    %dma_wait3A_355 = tpu.memref_slice %arg4[%dma_wait3A, %dma_wait3A_354, %mul3A_2] : memref<200x64x4096xf32, #tpu.memory_space<hbm>> -> memref<1x64x128xf32, #tpu.memory_space<hbm>>
    %dma_wait3A_356 = tpu.memref_squeeze %dma_wait3A_355 : memref<1x64x128xf32, #tpu.memory_space<hbm>> -> memref<64x128xf32, #tpu.memory_space<hbm>>
    tpu.wait_dma2 semaphore(%dma_wait3A_353 : memref<!tpu.dma_semaphore, #tpu.memory_space<semaphore_mem>>) src(%arg14 : memref<64x128xf32, #tpu.memory_space<vmem>>) dst(%dma_wait3A_356 : memref<64x128xf32, #tpu.memory_space<hbm>>)
    %dma_wait3A_357 = arith.constant 197 : i32
    %dma_wait3A_358 = arith.constant 1 : i32
    %dma_wait3A_359 = arith.constant 0 : i32
    %dma_wait3A_360 = tpu.memref_slice %arg4[%dma_wait3A_357, %dma_wait3A_359, %mul3A_2] : memref<200x64x4096xf32, #tpu.memory_space<hbm>> -> memref<1x64x128xf32, #tpu.memory_space<hbm>>
    %dma_wait3A_361 = tpu.memref_squeeze %dma_wait3A_360 : memref<1x64x128xf32, #tpu.memory_space<hbm>> -> memref<64x128xf32, #tpu.memory_space<hbm>>
    %dma_wait3A_362 = tpu.memref_slice %arg19[%dma_wait3A_358] : memref<4x!tpu.dma_semaphore, #tpu.memory_space<semaphore_mem>> -> memref<1x!tpu.dma_semaphore, #tpu.memory_space<semaphore_mem>>
    %dma_wait3A_363 = tpu.memref_squeeze %dma_wait3A_362 : memref<1x!tpu.dma_semaphore, #tpu.memory_space<semaphore_mem>> -> memref<!tpu.dma_semaphore, #tpu.memory_space<semaphore_mem>>
    %dma_wait3A_364 = arith.constant 0 : i32
    %dma_wait3A_365 = tpu.memref_slice %arg4[%dma_wait3A_357, %dma_wait3A_364, %mul3A_2] : memref<200x64x4096xf32, #tpu.memory_space<hbm>> -> memref<1x64x128xf32, #tpu.memory_space<hbm>>
    %dma_wait3A_366 = tpu.memref_squeeze %dma_wait3A_365 : memref<1x64x128xf32, #tpu.memory_space<hbm>> -> memref<64x128xf32, #tpu.memory_space<hbm>>
    tpu.wait_dma2 semaphore(%dma_wait3A_363 : memref<!tpu.dma_semaphore, #tpu.memory_space<semaphore_mem>>) src(%arg15 : memref<64x128xf32, #tpu.memory_space<vmem>>) dst(%dma_wait3A_366 : memref<64x128xf32, #tpu.memory_space<hbm>>)
    %dma_wait3A_367 = arith.constant 198 : i32
    %dma_wait3A_368 = arith.constant 2 : i32
    %dma_wait3A_369 = arith.constant 0 : i32
    %dma_wait3A_370 = tpu.memref_slice %arg4[%dma_wait3A_367, %dma_wait3A_369, %mul3A_2] : memref<200x64x4096xf32, #tpu.memory_space<hbm>> -> memref<1x64x128xf32, #tpu.memory_space<hbm>>
    %dma_wait3A_371 = tpu.memref_squeeze %dma_wait3A_370 : memref<1x64x128xf32, #tpu.memory_space<hbm>> -> memref<64x128xf32, #tpu.memory_space<hbm>>
    %dma_wait3A_372 = tpu.memref_slice %arg19[%dma_wait3A_368] : memref<4x!tpu.dma_semaphore, #tpu.memory_space<semaphore_mem>> -> memref<1x!tpu.dma_semaphore, #tpu.memory_space<semaphore_mem>>
    %dma_wait3A_373 = tpu.memref_squeeze %dma_wait3A_372 : memref<1x!tpu.dma_semaphore, #tpu.memory_space<semaphore_mem>> -> memref<!tpu.dma_semaphore, #tpu.memory_space<semaphore_mem>>
    %dma_wait3A_374 = arith.constant 0 : i32
    %dma_wait3A_375 = tpu.memref_slice %arg4[%dma_wait3A_367, %dma_wait3A_374, %mul3A_2] : memref<200x64x4096xf32, #tpu.memory_space<hbm>> -> memref<1x64x128xf32, #tpu.memory_space<hbm>>
    %dma_wait3A_376 = tpu.memref_squeeze %dma_wait3A_375 : memref<1x64x128xf32, #tpu.memory_space<hbm>> -> memref<64x128xf32, #tpu.memory_space<hbm>>
    tpu.wait_dma2 semaphore(%dma_wait3A_373 : memref<!tpu.dma_semaphore, #tpu.memory_space<semaphore_mem>>) src(%arg16 : memref<64x128xf32, #tpu.memory_space<vmem>>) dst(%dma_wait3A_376 : memref<64x128xf32, #tpu.memory_space<hbm>>)
    %dma_wait3A_377 = arith.constant 199 : i32
    %dma_wait3A_378 = arith.constant 3 : i32
    %dma_wait3A_379 = arith.constant 0 : i32
    %dma_wait3A_380 = tpu.memref_slice %arg4[%dma_wait3A_377, %dma_wait3A_379, %mul3A_2] : memref<200x64x4096xf32, #tpu.memory_space<hbm>> -> memref<1x64x128xf32, #tpu.memory_space<hbm>>
    %dma_wait3A_381 = tpu.memref_squeeze %dma_wait3A_380 : memref<1x64x128xf32, #tpu.memory_space<hbm>> -> memref<64x128xf32, #tpu.memory_space<hbm>>
    %dma_wait3A_382 = tpu.memref_slice %arg19[%dma_wait3A_378] : memref<4x!tpu.dma_semaphore, #tpu.memory_space<semaphore_mem>> -> memref<1x!tpu.dma_semaphore, #tpu.memory_space<semaphore_mem>>
    %dma_wait3A_383 = tpu.memref_squeeze %dma_wait3A_382 : memref<1x!tpu.dma_semaphore, #tpu.memory_space<semaphore_mem>> -> memref<!tpu.dma_semaphore, #tpu.memory_space<semaphore_mem>>
    %dma_wait3A_384 = arith.constant 0 : i32
    %dma_wait3A_385 = tpu.memref_slice %arg4[%dma_wait3A_377, %dma_wait3A_384, %mul3A_2] : memref<200x64x4096xf32, #tpu.memory_space<hbm>> -> memref<1x64x128xf32, #tpu.memory_space<hbm>>
    %dma_wait3A_386 = tpu.memref_squeeze %dma_wait3A_385 : memref<1x64x128xf32, #tpu.memory_space<hbm>> -> memref<64x128xf32, #tpu.memory_space<hbm>>
    tpu.wait_dma2 semaphore(%dma_wait3A_383 : memref<!tpu.dma_semaphore, #tpu.memory_space<semaphore_mem>>) src(%arg17 : memref<64x128xf32, #tpu.memory_space<vmem>>) dst(%dma_wait3A_386 : memref<64x128xf32, #tpu.memory_space<hbm>>)
    return
  }
}

</mosaic_0001>

<sc_bundles>
// kernel: kernel.3.cloned.1.call-start
scs
__scs_entry_jumppad:
0x0: {  	(pc) =	sbr.rel $0x88, $3  }
0x1: {  	(tag) =	ssettag $0x0;
	lr =	simm.s32 $0x1  }
0x2: {  	[smem:$0x3F9F] =	sst lr;
	_ =	strace $0xD0000000  }
0x3: {  	_ = 	snop  }
0x4: {  	_ = 	snop  }
0x5: {  	_ = 	snop  }
0x6: {  	_ = 	snop  }
0x7: {  	_ = 	snop  }
__scs_overlays_trampoline_lowered:
0x8: {  	[smem:$0x3FAE] =	sst s0  }
0x9: {  	[smem:$0x3FAF] =	sst s1  }
0xa: {  	[smem:$0x3FB0] =	sst s2  }
0xb: {  	[smem:$0x3FB1] =	sst s3  }
0xc: {  	[smem:$0x3FB2] =	sst s4  }
0xd: {  	[smem:$0x3FB3] =	sst s5  }
0xe: {  	[smem:$0x3FB4] =	sst s6  }
0xf: {  	[smem:$0x3FB5] =	sst s7  }
0x10: {  	[smem:$0x3FB6] =	sst s8  }
0x11: {  	[smem:$0x3FB7] =	sst s9;
	s0 =	simm.s32 @!p0 $0x0  }
0x12: {  	s1 =	sld [smem:$0x3F9D];
	s0 =	simm.s32 @p0 $0x1  }
0x13: {  	[smem:$0x3FB8] =	sst s0;
	s0 =	simm.s32 @!p1 $0x0  }
0x14: {  	s2 =	sld [smem:$0x3F9C];
	s0 =	simm.s32 @p1 $0x1  }
0x15: {  	[smem:$0x3FB9] =	sst s0;
	s0 =	simm.s32 @!p2 $0x0  }
0x16: {  	s3 =	sld [smem:$0x3FDB];
	s0 =	simm.s32 @p2 $0x1  }
0x17: {  	s4 =	simm.s32 $0x1BF5;
	[smem:$0x3FBB] =	sst s0  }
0x18: {  	s0 =	sld [smem:$0x3F9E];
	_ =	swait.ge [sflag:s4], $0x0  }
0x19: {  	s7 =	sld [smem:$0x3F9F]  }
0x1a: {  	s8 =	sadd.s32 $0xFFFFE003, lr  }
0x1b: {  	s9 =	sadd.s32 $0xFFFFFEF7, lr;
	s5 =	simm.s32 $0xFFFFFFFF;
	p2 =	slt.u32 s8, $0xFFFFF086  }
0x1c: {  	p1 =	slt.u32 s9, $0xF7A;
	s5 =	simm.s32 @!p2 $0x0  }
0x1d: {  	s5 =	simm.s32 @p1 $0x1;
	p0 =	seq.s32 s7, s2  }
0x1e: {  	s7 =	smul.u32 @!p0 $0xF7A, s2;
	p2 =	seq.s32 @!p0 s5, $0x0  }
0x1f: {  	s9 =	smul.u32 $0xF7A, s1;
	s8 =	simm.s32 @!p0 $0x1BF5;
	p2 =	por !p2, p0  }
0x20: {  	[sflag:s8] =	ssyncset.s32 @!p0 $0xFFFFF086;
	s6 =	sadd.s32 @!p0 s3, s7;
	s7 =	simm.s32 @!p0 $0x108  }
0x21: {  	s3 =	sadd.s32 s3, s9;
	s6 =	sadd.s32 @!p0 $0x88, s6;
	s7 =	simm.s32 @p2 $0x1082  }
0x22: {  	[simem:s7], [sflag:s8] =	dma.local @!p0 [hbm:s6], $0xF7A  }
0x23: {  	s9 =	sor.u32 $0xD0000000, s2;
	s6 =	simm.s32 $0x108;
	_ =	swait.ge @!p0 [sflag:s8], $0x0  }
0x24: {  	s3 =	sadd.s32 $0x88, s3;
	s6 =	simm.s32 @!p1 $0x1082;
	[sflag:s4] =	ssyncset.s32 $0xFFFFF086  }
0x25: {  	[simem:s6], [sflag:s4] =	dma.local [hbm:s3], $0xF7A  }
0x26: {  	[smem:$0x3F9F] =	sst s1;
	(tag) =	ssettag s2;
	_ =	strace s9  }
0x27: {  	s1 =	sld [smem:$0x3FAF]  }
0x28: {  	s2 =	sld [smem:$0x3FB0]  }
0x29: {  	s4 =	sld [smem:$0x3FB2]  }
0x2a: {  	p0 =	seq.s32 s5, $0x0;
	s5 =	sld [smem:$0x3FB3]  }
0x2b: {  	s6 =	sld [smem:$0x3FB4]  }
0x2c: {  	s7 =	sld [smem:$0x3FB5]  }
0x2d: {  	s3 =	simm.s32 $0x108;
	s8 =	sld [smem:$0x3FB6]  }
0x2e: {  	s3 =	simm.s32 @!p0 $0x1082;
	s9 =	sld [smem:$0x3FB7]  }
0x2f: {  	lr =	sadd.s32 s0, s3;
	s0 =	sld [smem:$0x3FAE]  }
0x30: {  	s3 =	sld [smem:$0x3FB1]  }
0x31: {  	[smem:$0x3FBA] =	sst s10  }
0x32: {  	s10 =	sld [smem:$0x3FB8];
	_ =	sdelay $0x3  }
0x33: {  	p0 =	seq.s32 s10, $0x1;
	s10 =	sld [smem:$0x3FBA];
	_ =	sdelay $0x3  }
0x34: {  	[smem:$0x3FBA] =	sst s10  }
0x35: {  	s10 =	sld [smem:$0x3FB9];
	_ =	sdelay $0x3  }
0x36: {  	p1 =	seq.s32 s10, $0x1;
	s10 =	sld [smem:$0x3FBA];
	_ =	sdelay $0x3  }
0x37: {  	[smem:$0x3FBA] =	sst s10  }
0x38: {  	s10 =	sld [smem:$0x3FBB]  }
0x39: {  	_ = 	snop;
	(pc) =	sbr.ind lr, $3  }
0x3a: {  	_ = 	snop  }
0x3b: {  	_ = 	snop  }
0x3c: {  	p2 =	seq.s32 s10, $0x1;
	s10 =	sld [smem:$0x3FBA]  }
0x3d: {  	_ =	shalt  }
0x3e: {  	_ =	shalt  }
0x3f: {  	_ =	shalt  }
0x40: {  	_ =	shalt  }
0x41: {  	_ =	shalt  }
0x42: {  	_ =	shalt  }
0x43: {  	_ =	shalt  }
0x44: {  	_ =	shalt  }
0x45: {  	_ =	shalt  }
0x46: {  	_ =	shalt  }
0x47: {  	_ =	shalt  }
0x48: {  	_ =	shalt  }
0x49: {  	_ =	shalt  }
0x4a: {  	_ =	shalt  }
0x4b: {  	_ =	shalt  }
0x4c: {  	_ =	shalt  }
0x4d: {  	_ =	shalt  }
0x4e: {  	_ =	shalt  }
0x4f: {  	_ =	shalt  }
0x50: {  	_ =	shalt  }
0x51: {  	_ =	shalt  }
0x52: {  	_ =	shalt  }
0x53: {  	_ =	shalt  }
0x54: {  	_ =	shalt  }
0x55: {  	_ =	shalt  }
0x56: {  	_ =	shalt  }
0x57: {  	_ =	shalt  }
0x58: {  	_ =	shalt  }
0x59: {  	_ =	shalt  }
0x5a: {  	_ =	shalt  }
0x5b: {  	_ =	shalt  }
0x5c: {  	_ =	shalt  }
0x5d: {  	_ =	shalt  }
0x5e: {  	_ =	shalt  }
0x5f: {  	_ =	shalt  }
0x60: {  	_ =	shalt  }
0x61: {  	_ =	shalt  }
0x62: {  	_ =	shalt  }
0x63: {  	_ =	shalt  }
0x64: {  	_ =	shalt  }
0x65: {  	_ =	shalt  }
0x66: {  	_ =	shalt  }
0x67: {  	_ =	shalt  }
0x68: {  	_ =	shalt  }
0x69: {  	_ =	shalt  }
0x6a: {  	_ =	shalt  }
0x6b: {  	_ =	shalt  }
0x6c: {  	_ =	shalt  }
0x6d: {  	_ =	shalt  }
0x6e: {  	_ =	shalt  }
0x6f: {  	_ =	shalt  }
0x70: {  	_ =	shalt  }
0x71: {  	_ =	shalt  }
0x72: {  	_ =	shalt  }
0x73: {  	_ =	shalt  }
0x74: {  	_ =	shalt  }
0x75: {  	_ =	shalt  }
0x76: {  	_ =	shalt  }
0x77: {  	_ =	shalt  }
0x78: {  	_ =	shalt  }
0x79: {  	_ =	shalt  }
0x7a: {  	_ =	shalt  }
0x7b: {  	_ =	shalt  }
0x7c: {  	_ =	shalt  }
0x7d: {  	_ =	shalt  }
0x7e: {  	_ =	shalt  }
0x7f: {  	_ =	shalt  }
0x80: {  	_ =	shalt  }
0x81: {  	_ =	shalt  }
0x82: {  	_ =	shalt  }
0x83: {  	_ =	shalt  }
0x84: {  	_ =	shalt  }
0x85: {  	_ =	shalt  }
0x86: {  	_ =	shalt  }
0x87: {  	_ =	shalt  }
.Lfunc_end0:
.L_simem_size_0:
called_computation_lowered:
.L_overlay_start_0:
0x88: {  	s2 =	sld [smem:$0x3FD9]  }
0x89: {  	s3 =	sld [smem:$0x3FFE];
	_ =	sdelay $0x1  }
0x8a: {  	s1 =	srdreg.scid  }
0x8b: {  	s0 =	sand.u32 $0x1, s1  }
0x8c: {  	s17 =	sshll.u32 s0, $0xA;
	s2 =	sadd.s32 s3, s2  }
0x8d: {  	s2 =	sadd.s32 s2, s17  }
0x8e: {  	[smem:$0x3FC6] =	sst s2  }
0x8f: {  	_ = 	snop  }
0x90: {  	s2 =	sld [smem:$0x3FD0];
	(tm) =	ssettm $0x1  }
0x91: {  	s18 =	sld [smem:$0x3FFB];
	_ =	sdelay $0x3  }
0x92: {  	_ =	strace s18  }
0x93: {  	s3 =	sld [smem:$0x3FFC];
	_ =	sdelay $0x3  }
0x94: {  	_ =	strace s3  }
0x95: {  	s3 =	sld [smem:$0x3FFD];
	_ =	sdelay $0x3  }
0x96: {  	_ =	strace s3  }
0x97: {  	_ =	strace $0x8FFFFFFF  }
0x98: {  	s19 =	sld [smem:$0x3FDB];
	_ =	sdelay $0x1  }
0x99: {  	s4 =	simm.s32 $_scs_section_size  }
0x9a: {  	s5 =	simm.s32 $_size__tile_overlayer_lowered;
	s6 =	simm.s32 $_tile_overlayer_lowered  }
0x9b: {  	s22 =	simm.s32 $0x1BFF;
	s21 =	sshll.u32 s6, $0x1;
	s3 =	sadd.s32 s4, s19  }
0x9c: {  	s7 =	simm.s32 $0x0;
	s20 =	sshll.u32 s5, $0x1;
	s5 =	sadd.s32 s21, s3  }
0x9d: {  	[timem:s7], [sflag:s22] =	dma.local [hbm:s5], s20  }
0x9e: {  	_ =	swait.ge [sflag:s22], s20  }
0x9f: {  	s4 =	ssub.s32 $0x0, s20;
	[sflag:s22] =	ssyncset.done $0x0  }
0xa0: {  	[sflag:s22] =	ssyncadd.s32 s4;
	_ =	sdelay $0x1  }
0xa1: {  	s23 =	simm.s32 $0x1B8B  }
0xa2: {  	_ =	swait.ge [sflag:s23], $0x1  }
0xa3: {  	[sflag:s23] =	ssyncset.done $0x0  }
0xa4: {  	s25 =	simm.s32 $0x1B8E;
	s24 =	sld [smem:$0x3FFE];
	[sflag:s23] =	ssyncadd.s32 $0xFFFFFFFF  }
0xa5: {  	s26 =	simm.s32 $execute0_lowered;
	[smem:$0x3FD2] =	sst s25  }
0xa6: {  	s5 =	sshll.u32 s26, $0x1;
	_ =	strace $0x80000046;
	[dreg:$0x1] =	wrdreg $0xFFFFFFFF  }
0xa7: {  	s28 =	simm.s32 $_size_execute0_lowered;
	s3 =	sadd.s32 s3, s5;
	[dreg:$0x0] =	wrdreg $0x0  }
0xa8: {  	s5 =	sshll.u32 s28, $0x1;
	[dreg:$0x2] =	wrdreg s3  }
0xa9: {  	[dreg:$0x3] =	wrdreg s5  }
0xaa: {  	[dreg:$0x4] =	wrdreg $0xC0  }
0xab: {  	_ =	task [dreg:s7], $0x5FFFF  }
0xac: {  	[dreg:$0x1] =	wrdreg $0xFFFFFFFF  }
0xad: {  	[dreg:$0x0] =	wrdreg $0x60  }
0xae: {  	[dreg:$0x2] =	wrdreg s24  }
0xaf: {  	[dreg:$0x3] =	wrdreg s2  }
0xb0: {  	[dreg:$0x4] =	wrdreg $0x9  }
0xb1: {  	_ =	task.clear_ibuf [dreg:s7], $0x5FFFF;
	_ =	strace $0x90000046  }
0xb2: {  	s29 =	simm.s32 $0x9;
	_ =	strace $0x80000048  }
0xb3: {  	_ =	swait.ge [sflag:s29], $0x1  }
0xb4: {  	[sflag:s29] =	ssyncadd.s32 $0xFFFFFFFF  }
0xb5: {  	_ =	strace $0x90000048  }
0xb6: {  	_ =	sfence  }
0xb7: {  	s30 =	sld [smem:$0x0];
	_ =	sdelay $0x2  }
0xb8: {  	s31 =	sshll.u32 s1, $0xD;
	s1 =	sshrl.u32 s1, $0x2  }
0xb9: {  	s3 =	sand.u32 $0x4000, s31;
	s1 =	sadd.s32 s1, s30  }
0xba: {  	s0 =	sor.u32 s3, s0;
	s1 =	sshll.u32 s1, $0x11  }
0xbb: {  	s0 =	sor.u32 s1, s0  }
0xbc: {  	s0 =	sadd.s32 $0x8F2B, s0  }
0xbd: {  	[sflag:s0] =	ssyncadd.remote.s32 $0x1  }
0xbe: {  	_ =	sfence.sel $0xFFFF  }
0xbf: {  	[dreg:$0x0] =	wrdreg $0xFFFFFFFF;
	(pc) =	sbr.abs _section_cstart, $3  }
0xc0: {  	[dreg:$0x1] =	wrdreg $0xFFFFFFFF  }
0xc1: {  	_ =	task.clear_ibuf [dreg:s7], $0x2FFFF;
	_ =	strace $0x9FFFFFFF  }
0xc2: {  	(tm) =	ssettm $0x7FFFFFFF  }
0xc3: {  	_ =	shalt  }
tec
execute0_lowered:
.L_overlay_start_1:
0x0: {  	(tag) =	ssettag $0x1  }
0x1: {  	s0 =	srdreg.scid;
	s1 =	rddreg [dreg:$0x0]  }
0x2: {  	s4 =	stileid.u32;
	s2 =	rddreg [dreg:$0x1]  }
0x3: {  	s5 =	simm.s32 $0x0;
	s11 =	simm.s32 $0x6600;
	s0 =	sand.u32 $0x1, s0  }
0x4: {  	s13 =	simm.s32 $0xA600;
	s15 =	simm.s32 $0xE600;
	s3 =	sshll.u32 s0, $0x4  }
0x5: {  	s17 =	simm.s32 $0x12600;
	s19 =	simm.s32 $0x400;
	s3 =	sor.u32 s4, s3  }
0x6: {  	v0 =	vlaneseq.u32;
	s20 =	simm.s32 $0x8000;
	s0 =	ssub.s32 $0x2, s0;
	s4 =	smul.u32 $0xC80, s3  }
.Ltmp0:
0x7: {  	s24 =	simm.s32 $0x3;
	v0 =	vmul.u32 $0x80, v0;
	s6 =	sshrl.u32 s0, $0x1;
	(pc) =	sbr.rel .LBB2_1-.Ltmp0, $4  }
0x8: {  	s26 =	simm.s32 $0x4;
	[smem:$0x7FF] =	sst s5;
	s0 =	ssub.s32 s0, s6  }
0x9: {  	_ =	strace $0x80000047;
	v1 =	vor.u32 $0x800, v0;
	s0 =	smax.u32 s0, $0x1;
	s30 =	sadd.s32 s4, s1  }
0xa: {  	v2 =	vor.u32 $0x1000, v0;
	v3 =	vor.u32 $0x1800, v0;
	v4 =	vor.u32 $0x2000, v0;
	s6 =	sshll.u32 s3, $0xA;
	[dreg:$0x4] =	wrdreg s0;
	s31 =	sadd.s32 $0x600, s30  }
0xb: {  	v5 =	vor.u32 $0x2800, v0;
	v6 =	vor.u32 $0x3000, v0;
	v7 =	vor.u32 $0x3800, v0;
	s3 =	simm.s32 $0x0;
	s4 =	sadd.s32 $0xF42A00, s1;
	[dreg:$0x3] =	wrdreg s31  }
.LBB2_12:
0xc: {  	s0 =	simm.s32 $0x5  }
0xd: {  	_ =	swait.ge [sflag:s0], $0x2000  }
0xe: {  	[sflag:s0] =	ssyncset.done $0x0  }
0xf: {  	s29 =	simm.s32 $0x6;
	[sflag:s0] =	ssyncadd.s32 $0xFFFFE000  }
0x10: {  	_ =	swait.ge [sflag:s29], $0x2000  }
0x11: {  	[sflag:s29] =	ssyncset.done $0x0  }
0x12: {  	s30 =	simm.s32 $0x7;
	[sflag:s29] =	ssyncadd.s32 $0xFFFFE000  }
0x13: {  	_ =	swait.ge [sflag:s30], $0x2000  }
0x14: {  	[sflag:s30] =	ssyncset.done $0x0  }
0x15: {  	s1 =	simm.s32 $0x8;
	[sflag:s30] =	ssyncadd.s32 $0xFFFFE000  }
0x16: {  	_ =	swait.ge [sflag:s1], $0x2000  }
0x17: {  	s3 =	rddreg [dreg:$0x5]  }
0x18: {  	s31 =	rddreg [dreg:$0x4];
	s3 =	sadd.s32 $0x1, s3  }
0x19: {  	p0 =	sne.s32 s3, s31  }
.Ltmp1:
0x1a: {  	_ = 	snop;
	(pc) =	sbr.rel @!p0 .LBB2_13-.Ltmp1, $3  }
0x1b: {  	_ =	sdelay $0x1  }
0x1c: {  	[sflag:s1] =	ssyncset.done $0x0  }
0x1d: {  	[sflag:s1] =	ssyncadd.s32 $0xFFFFE000  }
.LBB2_1:
0x1e: {  	[dreg:$0x5] =	wrdreg s3  }
0x1f: {  	s0 =	simm.s32 $0x0;
	s1 =	rddreg [dreg:$0x3];
	s23 =	simm.s32 $0x9  }
0x20: {  	[tilespmem:s0], [sflag:$0x9] =	stream.linear.gather [hbm4b:s1+s0], $0x6400, $0x38;
	[tilespmem:$0x1E600] =	vst v63  }
0x21: {  	_ =	swait.ge [sflag:s23], $0x6400  }
0x22: {  	[sflag:s23] =	ssyncset.done $0x0  }
0x23: {  	[sflag:s23] =	ssyncadd.s32 $0xFFFF9C00  }
0x24: {  	v8 =	vld [tilespmem:$0x0]  }
0x25: {  	v9 =	vld [tilespmem:$0x10]  }
0x26: {  	v10 =	vld [tilespmem:$0x20]  }
0x27: {  	v11 =	vld [tilespmem:$0x30]  }
0x28: {  	v12 =	vld [tilespmem:$0x40]  }
0x29: {  	v13 =	vld [tilespmem:$0x50];
	v8 =	vshrl.u32 v8, $0x1  }
0x2a: {  	v41 =	vld [tilespmem:$0x60];
	[tilespmem:$0x6400] =	vst v8;
	v8 =	vshrl.u32 v9, $0x1  }
0x2b: {  	v42 =	vld [tilespmem:$0x70];
	[tilespmem:$0x6410] =	vst v8;
	v8 =	vshrl.u32 v10, $0x1  }
0x2c: {  	[tilespmem:$0x6420] =	vst v8;
	v8 =	vshrl.u32 v11, $0x1  }
0x2d: {  	[tilespmem:$0x6430] =	vst v8;
	v8 =	vshrl.u32 v12, $0x1  }
0x2e: {  	[tilespmem:$0x6440] =	vst v8;
	v8 =	vshrl.u32 v13, $0x1  }
0x2f: {  	[tilespmem:$0x6450] =	vst v8;
	v8 =	vshrl.u32 v41, $0x1  }
0x30: {  	[tilespmem:$0x6460] =	vst v8;
	v8 =	vshrl.u32 v42, $0x1  }
0x31: {  	s25 =	simm.s32 $0x80;
	s28 =	simm.s32 $0x6400;
	[tilespmem:$0x6470] =	vst v8  }
0x32: {  	[tilespmem:s11], [sflag:$0x1] =	stream.indirect.gather [hbm4b:s4+s25], $0x80, s28, s25, $0xb8;
	[tilespmem:$0x1E600] =	vst v63  }
0x33: {  	v8 =	vld [tilespmem:$0x80]  }
0x34: {  	v43 =	vld [tilespmem:$0x90]  }
0x35: {  	v44 =	vld [tilespmem:$0xA0]  }
0x36: {  	v45 =	vld [tilespmem:$0xB0]  }
0x37: {  	v46 =	vld [tilespmem:$0xC0]  }
0x38: {  	v47 =	vld [tilespmem:$0xD0];
	v8 =	vshrl.u32 v8, $0x1  }
0x39: {  	v48 =	vld [tilespmem:$0xE0];
	[tilespmem:$0x6480] =	vst v8;
	v8 =	vshrl.u32 v43, $0x1  }
0x3a: {  	v49 =	vld [tilespmem:$0xF0];
	[tilespmem:$0x6490] =	vst v8;
	v8 =	vshrl.u32 v44, $0x1  }
0x3b: {  	[tilespmem:$0x64A0] =	vst v8;
	v8 =	vshrl.u32 v45, $0x1  }
0x3c: {  	[tilespmem:$0x64B0] =	vst v8;
	v8 =	vshrl.u32 v46, $0x1  }
0x3d: {  	[tilespmem:$0x64C0] =	vst v8;
	v8 =	vshrl.u32 v47, $0x1  }
0x3e: {  	[tilespmem:$0x64D0] =	vst v8;
	v8 =	vshrl.u32 v48, $0x1  }
0x3f: {  	[tilespmem:$0x64E0] =	vst v8;
	v8 =	vshrl.u32 v49, $0x1  }
0x40: {  	s29 =	simm.s32 $0x6480;
	[tilespmem:$0x64F0] =	vst v8  }
0x41: {  	[tilespmem:s13], [sflag:$0x2] =	stream.indirect.gather [hbm4b:s4+s25], $0x80, s29, s25, $0xb8;
	[tilespmem:$0x1E600] =	vst v63  }
0x42: {  	v8 =	vld [tilespmem:$0x100]  }
0x43: {  	v50 =	vld [tilespmem:$0x110]  }
0x44: {  	v51 =	vld [tilespmem:$0x120]  }
0x45: {  	v52 =	vld [tilespmem:$0x130]  }
0x46: {  	v53 =	vld [tilespmem:$0x140]  }
0x47: {  	v54 =	vld [tilespmem:$0x150];
	v8 =	vshrl.u32 v8, $0x1  }
0x48: {  	v55 =	vld [tilespmem:$0x160];
	[tilespmem:$0x6500] =	vst v8;
	v8 =	vshrl.u32 v50, $0x1  }
0x49: {  	v56 =	vld [tilespmem:$0x170];
	[tilespmem:$0x6510] =	vst v8;
	v8 =	vshrl.u32 v51, $0x1  }
0x4a: {  	[tilespmem:$0x6520] =	vst v8;
	v8 =	vshrl.u32 v52, $0x1  }
0x4b: {  	[tilespmem:$0x6530] =	vst v8;
	v8 =	vshrl.u32 v53, $0x1  }
0x4c: {  	[tilespmem:$0x6540] =	vst v8;
	v8 =	vshrl.u32 v54, $0x1  }
0x4d: {  	[tilespmem:$0x6550] =	vst v8;
	v8 =	vshrl.u32 v55, $0x1  }
0x4e: {  	[tilespmem:$0x6560] =	vst v8;
	v8 =	vshrl.u32 v56, $0x1  }
0x4f: {  	s30 =	simm.s32 $0x6500;
	[tilespmem:$0x6570] =	vst v8  }
0x50: {  	[tilespmem:s15], [sflag:$0x3] =	stream.indirect.gather [hbm4b:s4+s25], $0x80, s30, s25, $0xb8;
	[tilespmem:$0x1E600] =	vst v63  }
0x51: {  	v8 =	vld [tilespmem:$0x180]  }
0x52: {  	v57 =	vld [tilespmem:$0x190]  }
0x53: {  	v58 =	vld [tilespmem:$0x1A0]  }
0x54: {  	v59 =	vld [tilespmem:$0x1B0]  }
0x55: {  	v60 =	vld [tilespmem:$0x1C0]  }
0x56: {  	v61 =	vld [tilespmem:$0x1D0];
	v8 =	vshrl.u32 v8, $0x1  }
0x57: {  	v62 =	vld [tilespmem:$0x1E0];
	[tilespmem:$0x6580] =	vst v8;
	v8 =	vshrl.u32 v57, $0x1  }
0x58: {  	v63 =	vld [tilespmem:$0x1F0];
	[tilespmem:$0x6590] =	vst v8;
	v8 =	vshrl.u32 v58, $0x1  }
0x59: {  	[tilespmem:$0x65A0] =	vst v8;
	v8 =	vshrl.u32 v59, $0x1  }
0x5a: {  	[tilespmem:$0x65B0] =	vst v8;
	v8 =	vshrl.u32 v60, $0x1  }
0x5b: {  	[tilespmem:$0x65C0] =	vst v8;
	v8 =	vshrl.u32 v61, $0x1  }
0x5c: {  	[tilespmem:$0x65D0] =	vst v8;
	v8 =	vshrl.u32 v62, $0x1  }
0x5d: {  	[tilespmem:$0x65E0] =	vst v8;
	v8 =	vshrl.u32 v63, $0x1  }
0x5e: {  	s31 =	simm.s32 $0x6580;
	s10 =	simm.s32 $0x0;
	[tilespmem:$0x65F0] =	vst v8  }
0x5f: {  	[tilespmem:s17], [sflag:$0x4] =	stream.indirect.gather [hbm4b:s4+s25], $0x80, s31, s25, $0xb8;
	[tilespmem:$0x1E600] =	vst v63  }
.LBB2_2:
0x60: {  	s0 =	simm.s32 $0x1  }
0x61: {  	_ =	swait.ge [sflag:s0], $0x4000  }
0x62: {  	p0 =	seq.s32 s10, $0x0;
	[sflag:s0] =	ssyncset.done $0x0  }
0x63: {  	[sflag:s0] =	ssyncadd.s32 $0xFFFFC000;
	s0 =	simm.s32 @!p0 $0x5  }
0x64: {  	_ =	swait.ge @!p0 [sflag:s0], $0x2000  }
0x65: {  	s1 =	sshll.u32 s10, $0x9;
	[sflag:s0] =	ssyncset.done @!p0 $0x0  }
0x66: {  	s12 =	sand.u32 $0x3FFFFE00, s1;
	[sflag:s0] =	ssyncadd.s32 @!p0 $0xFFFFE000  }
0x67: {  	v8 =	vld [tilespmem:s12+$0x0];
	_ =	sdelay $0x4  }
0x68: {  	v8 =	vshll.u32 v8, $0x6  }
0x69: {  	v8 =	vand.u32 $0x40, v8  }
0x6a: {  	s14 =	simm.s32 $0x1;
	v10 =	vor.u32 v0, v8  }
0x6b: {  	s9 =	simm.s32 $0x0;
	v8 =	vld [tilespmem:s12+$0x10];
	v9 =	vor.u32 s14, v10  }
0x6c: {  	v11 =	vor.u32 s9, v10;
	_ =	sdelay $0x3  }
0x6d: {  	v8 =	vshll.u32 v8, $0x6;
	v9 =	vld.idx.msk [tilespmem:v9+s11+$0x0], $0xffff  }
0x6e: {  	v8 =	vand.u32 $0x40, v8;
	v13 =	vld.idx.msk [tilespmem:v11+s11+$0x0], $0xffff  }
0x6f: {  	v12 =	vld [tilespmem:s12+$0x20];
	v14 =	vor.u32 v1, v8  }
0x70: {  	v16 =	vld [tilespmem:s12+$0x30];
	v15 =	vor.u32 s14, v14  }
0x71: {  	v17 =	vld [tilespmem:s12+$0x50];
	v18 =	vor.u32 s9, v14  }
0x72: {  	v19 =	vld [tilespmem:s12+$0x60];
	v9 =	vmul.f32 $8.000000000e+00, v9  }
0x73: {  	s31 =	simm.s32 $0x16680;
	v11 =	vld [tilespmem:s12+$0x70];
	v13 =	vmul.f32 $8.000000000e+00, v13  }
0x74: {  	v8 =	vld [tilespmem:s12+$0x40];
	[tilespmem:s31+$0x0] =	vst v9  }
0x75: {  	s28 =	simm.s32 $0x3;
	v9 =	vshll.u32 v12, $0x6;
	[tilespmem:s31+$0xFFFFFF80] =	vst v13;
	v12 =	vld.idx.msk [tilespmem:v15+s11+$0x0], $0xffff  }
0x76: {  	s8 =	simm.s32 $0x2;
	v9 =	vand.u32 $0x40, v9;
	v13 =	vld.idx.msk [tilespmem:v18+s11+$0x0], $0xffff;
	v18 =	vor.u32 s28, v10  }
0x77: {  	v15 =	vor.u32 v2, v9;
	v9 =	vor.u32 s8, v10  }
0x78: {  	v20 =	vor.u32 s14, v15  }
0x79: {  	v21 =	vor.u32 s9, v15  }
0x7a: {  	v12 =	vmul.f32 $8.000000000e+00, v12  }
0x7b: {  	v18 =	vld.idx.msk [tilespmem:v18+s11+$0x0], $0xffff;
	v13 =	vmul.f32 $8.000000000e+00, v13  }
0x7c: {  	v9 =	vld.idx.msk [tilespmem:v9+s11+$0x0], $0xffff;
	[tilespmem:s31+$0x10] =	vst v12  }
0x7d: {  	v12 =	vshll.u32 v16, $0x6;
	[tilespmem:s31+$0xFFFFFF90] =	vst v13;
	v16 =	vld.idx.msk [tilespmem:v20+s11+$0x0], $0xffff  }
0x7e: {  	v12 =	vand.u32 $0x40, v12;
	v20 =	vld.idx.msk [tilespmem:v21+s11+$0x0], $0xffff;
	v21 =	vor.u32 s28, v14  }
0x7f: {  	v13 =	vor.u32 v3, v12;
	v12 =	vor.u32 s8, v14  }
0x80: {  	v18 =	vmul.f32 $8.000000000e+00, v18;
	v22 =	vor.u32 s14, v13  }
0x81: {  	s3 =	simm.s32 $0x16780;
	v23 =	vor.u32 s9, v13;
	v9 =	vmul.f32 $8.000000000e+00, v9  }
0x82: {  	[tilespmem:s3+$0x0] =	vst v18;
	v16 =	vmul.f32 $8.000000000e+00, v16  }
0x83: {  	s29 =	simm.s32 $0x5;
	[tilespmem:s3+$0xFFFFFF80] =	vst v9;
	v9 =	vld.idx.msk [tilespmem:v21+s11+$0x0], $0xffff;
	v18 =	vmul.f32 $8.000000000e+00, v20  }
0x84: {  	s7 =	simm.s32 $0x4;
	v20 =	vld.idx.msk [tilespmem:v12+s11+$0x0], $0xffff;
	[tilespmem:s31+$0x20] =	vst v16;
	v16 =	vor.u32 s29, v10  }
0x85: {  	v8 =	vshll.u32 v8, $0x6;
	v21 =	vor.u32 s7, v10;
	[tilespmem:s31+$0xFFFFFFA0] =	vst v18;
	v18 =	vld.idx.msk [tilespmem:v22+s11+$0x0], $0xffff  }
0x86: {  	v8 =	vand.u32 $0x40, v8;
	v22 =	vld.idx.msk [tilespmem:v23+s11+$0x0], $0xffff;
	v23 =	vor.u32 s28, v15  }
0x87: {  	v12 =	vor.u32 v4, v8;
	v8 =	vor.u32 s8, v15  }
0x88: {  	v24 =	vor.u32 s14, v12;
	v9 =	vmul.f32 $8.000000000e+00, v9  }
0x89: {  	v25 =	vor.u32 s9, v12;
	v20 =	vmul.f32 $8.000000000e+00, v20;
	v16 =	vld.idx.msk [tilespmem:v16+s11+$0x0], $0xffff  }
0x8a: {  	v21 =	vld.idx.msk [tilespmem:v21+s11+$0x0], $0xffff;
	[tilespmem:s3+$0x10] =	vst v9;
	v9 =	vmul.f32 $8.000000000e+00, v18  }
0x8b: {  	[tilespmem:s3+$0xFFFFFF90] =	vst v20;
	v18 =	vld.idx.msk [tilespmem:v23+s11+$0x0], $0xffff;
	v20 =	vmul.f32 $8.000000000e+00, v22  }
0x8c: {  	v22 =	vld.idx.msk [tilespmem:v8+s11+$0x0], $0xffff;
	[tilespmem:s31+$0x30] =	vst v9;
	v9 =	vor.u32 s29, v14  }
0x8d: {  	v8 =	vshll.u32 v17, $0x6;
	[tilespmem:s31+$0xFFFFFFB0] =	vst v20;
	v20 =	vor.u32 s7, v14;
	v17 =	vld.idx.msk [tilespmem:v24+s11+$0x0], $0xffff  }
0x8e: {  	v8 =	vand.u32 $0x40, v8;
	v23 =	vld.idx.msk [tilespmem:v25+s11+$0x0], $0xffff;
	v24 =	vor.u32 s28, v13;
	v16 =	vmul.f32 $8.000000000e+00, v16  }
0x8f: {  	s5 =	simm.s32 $0x16880;
	v21 =	vmul.f32 $8.000000000e+00, v21;
	v8 =	vor.u32 v5, v8;
	v25 =	vor.u32 s8, v13  }
0x90: {  	[tilespmem:s5+$0x0] =	vst v16;
	v16 =	vmul.f32 $8.000000000e+00, v18;
	v18 =	vor.u32 s14, v8  }
0x91: {  	s30 =	simm.s32 $0x6;
	[tilespmem:s5+$0xFFFFFF80] =	vst v21;
	v21 =	vmul.f32 $8.000000000e+00, v22;
	v22 =	vor.u32 s9, v8;
	v9 =	vld.idx.msk [tilespmem:v9+s11+$0x0], $0xffff  }
0x92: {  	s1 =	simm.s32 $0x7;
	v26 =	vor.u32 s30, v10;
	v20 =	vld.idx.msk [tilespmem:v20+s11+$0x0], $0xffff;
	[tilespmem:s3+$0x20] =	vst v16;
	v16 =	vmul.f32 $8.000000000e+00, v17  }
0x93: {  	s16 =	simm.s32 $0x8;
	v17 =	vor.u32 s1, v10;
	[tilespmem:s3+$0xFFFFFFA0] =	vst v21;
	v23 =	vmul.f32 $8.000000000e+00, v23;
	v21 =	vld.idx.msk [tilespmem:v24+s11+$0x0], $0xffff  }
0x94: {  	v28 =	vor.u32 s16, v10;
	v24 =	vld.idx.msk [tilespmem:v25+s11+$0x0], $0xffff;
	[tilespmem:s31+$0x40] =	vst v16  }
0x95: {  	v19 =	vshll.u32 v19, $0x6;
	v16 =	vor.u32 s29, v15;
	[tilespmem:s31+$0xFFFFFFC0] =	vst v23;
	v18 =	vld.idx.msk [tilespmem:v18+s11+$0x0], $0xffff  }
0x96: {  	v19 =	vand.u32 $0x40, v19;
	v23 =	vor.u32 s7, v15;
	v22 =	vld.idx.msk [tilespmem:v22+s11+$0x0], $0xffff  }
0x97: {  	v27 =	vor.u32 s28, v12;
	v25 =	vmul.f32 $8.000000000e+00, v9;
	v9 =	vor.u32 v6, v19;
	v19 =	vld.idx.msk [tilespmem:v26+s11+$0x0], $0xffff  }
0x98: {  	v20 =	vmul.f32 $8.000000000e+00, v20;
	v26 =	vor.u32 s8, v12;
	v17 =	vld.idx.msk [tilespmem:v17+s11+$0x0], $0xffff  }
0x99: {  	v28 =	vld.idx.msk [tilespmem:v28+s11+$0x0], $0xffff;
	[tilespmem:s5+$0x10] =	vst v25;
	v21 =	vmul.f32 $8.000000000e+00, v21;
	v25 =	vor.u32 s14, v9  }
0x9a: {  	[tilespmem:s5+$0xFFFFFF90] =	vst v20;
	v20 =	vmul.f32 $8.000000000e+00, v24;
	v24 =	vor.u32 s9, v9;
	v16 =	vld.idx.msk [tilespmem:v16+s11+$0x0], $0xffff  }
0x9b: {  	v23 =	vld.idx.msk [tilespmem:v23+s11+$0x0], $0xffff;
	[tilespmem:s3+$0x30] =	vst v21;
	v18 =	vmul.f32 $8.000000000e+00, v18;
	v21 =	vor.u32 s1, v14  }
0x9c: {  	[tilespmem:s3+$0xFFFFFFB0] =	vst v20;
	v22 =	vmul.f32 $8.000000000e+00, v22;
	v20 =	vld.idx.msk [tilespmem:v27+s11+$0x0], $0xffff;
	v27 =	vor.u32 s30, v14  }
0x9d: {  	v26 =	vld.idx.msk [tilespmem:v26+s11+$0x0], $0xffff;
	[tilespmem:s31+$0x50] =	vst v18;
	v17 =	vmul.f32 $8.000000000e+00, v17;
	v18 =	vor.u32 s29, v13  }
0x9e: {  	s0 =	simm.s32 $0x16980;
	v11 =	vshll.u32 v11, $0x6;
	v19 =	vmul.f32 $8.000000000e+00, v19;
	[tilespmem:s31+$0xFFFFFFD0] =	vst v22;
	v22 =	vld.idx.msk [tilespmem:v25+s11+$0x0], $0xffff;
	v25 =	vor.u32 s7, v13  }
0x9f: {  	v11 =	vand.u32 $0x40, v11;
	v24 =	vld.idx.msk [tilespmem:v24+s11+$0x0], $0xffff;
	[tilespmem:s0+$0x0] =	vst v17;
	v16 =	vmul.f32 $8.000000000e+00, v16;
	v17 =	vor.u32 s28, v8  }
0xa0: {  	v11 =	vor.u32 v7, v11;
	[tilespmem:s0+$0xFFFFFF80] =	vst v19;
	v19 =	vld.idx.msk [tilespmem:v21+s11+$0x0], $0xffff;
	v21 =	vmul.f32 $8.000000000e+00, v23;
	v23 =	vor.u32 s8, v8  }
0xa1: {  	s21 =	simm.s32 $0x9;
	v27 =	vld.idx.msk [tilespmem:v27+s11+$0x0], $0xffff;
	[tilespmem:s5+$0x20] =	vst v16;
	v16 =	vmul.f32 $8.000000000e+00, v20;
	v20 =	vor.u32 s14, v11  }
0xa2: {  	v29 =	vor.u32 s21, v10;
	[tilespmem:s5+$0xFFFFFFA0] =	vst v21;
	v18 =	vld.idx.msk [tilespmem:v18+s11+$0x0], $0xffff;
	v21 =	vmul.f32 $8.000000000e+00, v26  }
0xa3: {  	v25 =	vld.idx.msk [tilespmem:v25+s11+$0x0], $0xffff;
	[tilespmem:s3+$0x40] =	vst v16;
	v16 =	vor.u32 s9, v11;
	v22 =	vmul.f32 $8.000000000e+00, v22  }
0xa4: {  	v26 =	vor.u32 s1, v15;
	[tilespmem:s3+$0xFFFFFFC0] =	vst v21;
	v17 =	vld.idx.msk [tilespmem:v17+s11+$0x0], $0xffff  }
0xa5: {  	v21 =	vmul.f32 $8.000000000e+00, v24;
	v24 =	vor.u32 s30, v15;
	v23 =	vld.idx.msk [tilespmem:v23+s11+$0x0], $0xffff;
	[tilespmem:s31+$0x60] =	vst v22  }
0xa6: {  	v19 =	vmul.f32 $8.000000000e+00, v19;
	v22 =	vor.u32 s29, v12;
	v20 =	vld.idx.msk [tilespmem:v20+s11+$0x0], $0xffff  }
0xa7: {  	[tilespmem:s31+$0xFFFFFFE0] =	vst v21;
	v21 =	vld.idx.msk [tilespmem:v29+s11+$0x0], $0xffff;
	v27 =	vmul.f32 $8.000000000e+00, v27;
	v29 =	vor.u32 s7, v12  }
0xa8: {  	s25 =	simm.s32 $0xA;
	[tilespmem:s0+$0x10] =	vst v19;
	v18 =	vmul.f32 $8.000000000e+00, v18;
	v19 =	vor.u32 s28, v9;
	v16 =	vld.idx.msk [tilespmem:v16+s11+$0x0], $0xffff  }
0xa9: {  	v30 =	vor.u32 s25, v10;
	[tilespmem:s0+$0xFFFFFF90] =	vst v27;
	v26 =	vld.idx.msk [tilespmem:v26+s11+$0x0], $0xffff;
	v25 =	vmul.f32 $8.000000000e+00, v25  }
0xaa: {  	v27 =	vor.u32 s8, v9;
	v31 =	vld.idx.msk [tilespmem:v24+s11+$0x0], $0xffff;
	[tilespmem:s5+$0x30] =	vst v18;
	v17 =	vmul.f32 $8.000000000e+00, v17  }
0xab: {  	v34 =	vor.u32 s16, v14;
	v28 =	vmul.f32 $8.000000000e+00, v28;
	[tilespmem:s5+$0xFFFFFFB0] =	vst v25;
	v33 =	vld.idx.msk [tilespmem:v22+s11+$0x0], $0xffff  }
0xac: {  	s23 =	simm.s32 $0x16A80;
	v32 =	vor.u32 s21, v14;
	v18 =	vmul.f32 $8.000000000e+00, v23;
	v22 =	vld.idx.msk [tilespmem:v29+s11+$0x0], $0xffff;
	[tilespmem:s3+$0x50] =	vst v17  }
0xad: {  	[tilespmem:s23+$0xFFFFFF80] =	vst v28;
	v25 =	vor.u32 s1, v13;
	v17 =	vmul.f32 $8.000000000e+00, v20;
	v23 =	vld.idx.msk [tilespmem:v19+s11+$0x0], $0xffff  }
0xae: {  	v24 =	vor.u32 s30, v13;
	v20 =	vmul.f32 $8.000000000e+00, v21;
	[tilespmem:s3+$0xFFFFFFD0] =	vst v18;
	v18 =	vld.idx.msk [tilespmem:v30+s11+$0x0], $0xffff  }
0xaf: {  	v21 =	vor.u32 s29, v8;
	v19 =	vld.idx.msk [tilespmem:v27+s11+$0x0], $0xffff;
	[tilespmem:s31+$0x70] =	vst v17;
	v17 =	vmul.f32 $8.000000000e+00, v26  }
0xb0: {  	[tilespmem:s23+$0x0] =	vst v20;
	v20 =	vor.u32 s7, v8;
	v27 =	vld.idx.msk [tilespmem:v34+s11+$0x0], $0xffff;
	v28 =	vmul.f32 $8.000000000e+00, v31  }
0xb1: {  	s18 =	simm.s32 $0xC;
	s14 =	sshll.u32 s10, $0x2;
	s9 =	simm.s32 $0xB;
	v16 =	vmul.f32 $8.000000000e+00, v16;
	v26 =	vld.idx.msk [tilespmem:v32+s11+$0x0], $0xffff;
	[tilespmem:s0+$0x20] =	vst v17;
	v29 =	vmul.f32 $8.000000000e+00, v33;
	v17 =	vor.u32 s28, v11  }
.LBB2_3:
0xb2: {  	p1 =	slt.u32 s18, $0x3E;
	v30 =	vor.u32 s9, v10;
	[tilespmem:s0+$0xFFFFFFA0] =	vst v28;
	v25 =	vld.idx.msk [tilespmem:v25+s11+$0x0], $0xffff;
	v22 =	vmul.f32 $8.000000000e+00, v22;
	s28 =	smov.u32 s1;
	s1 =	smov.u32 s21  }
0xb3: {  	v28 =	vor.u32 s8, v11;
	v23 =	vmul.f32 $8.000000000e+00, v23;
	s21 =	smov.u32 s9;
	s8 =	smov.u32 s7;
	s7 =	smov.u32 s30;
	v24 =	vld.idx.msk [tilespmem:v24+s11+$0x0], $0xffff;
	[tilespmem:s5+$0x40] =	vst v29  }
0xb4: {  	s30 =	smov.u32 s16;
	s16 =	smov.u32 s25;
	s25 =	smov.u32 s18;
	v29 =	vor.u32 s1, v15;
	v19 =	vmul.f32 $8.000000000e+00, v19;
	[tilespmem:s5+$0xFFFFFFC0] =	vst v22;
	v21 =	vld.idx.msk [tilespmem:v21+s11+$0x0], $0xffff  }
0xb5: {  	v22 =	vor.u32 s30, v15;
	v20 =	vld.idx.msk [tilespmem:v20+s11+$0x0], $0xffff;
	[tilespmem:s3+$0x60] =	vst v23  }
0xb6: {  	v23 =	vmul.f32 $8.000000000e+00, v26;
	v26 =	vor.u32 s28, v12;
	[tilespmem:s3+$0xFFFFFFE0] =	vst v19;
	v17 =	vld.idx.msk [tilespmem:v17+s11+$0x0], $0xffff  }
0xb7: {  	v27 =	vmul.f32 $8.000000000e+00, v27;
	v19 =	vld.idx.msk [tilespmem:v30+s11+$0x0], $0xffff;
	v30 =	vor.u32 s7, v12;
	[tilespmem:s31+$0xFFFFFFF0] =	vst v16;
	s31 =	smov.u32 s3;
	s3 =	smov.u32 s5;
	s5 =	smov.u32 s0  }
0xb8: {  	v16 =	vmul.f32 $8.000000000e+00, v25;
	s0 =	smov.u32 s23;
	[tilespmem:s23+$0x10] =	vst v23;
	v23 =	vor.u32 s29, v9;
	v28 =	vld.idx.msk [tilespmem:v28+s11+$0x0], $0xffff  }
0xb9: {  	v24 =	vmul.f32 $8.000000000e+00, v24;
	[tilespmem:s23+$0xFFFFFF90] =	vst v27;
	v27 =	vld.idx.msk [tilespmem:v29+s11+$0x0], $0xffff;
	v29 =	vor.u32 s8, v9  }
0xba: {  	v31 =	vor.u32 s18, v10;
	v32 =	vld.idx.msk [tilespmem:v22+s11+$0x0], $0xffff;
	[tilespmem:s5+$0x30] =	vst v16;
	v16 =	vmul.f32 $8.000000000e+00, v21  }
0xbb: {  	v33 =	vor.u32 s21, v14;
	v20 =	vmul.f32 $8.000000000e+00, v20;
	[tilespmem:s5+$0xFFFFFFB0] =	vst v24;
	v34 =	vld.idx.msk [tilespmem:v26+s11+$0x0], $0xffff  }
0xbc: {  	v35 =	vor.u32 s16, v14;
	v17 =	vmul.f32 $8.000000000e+00, v17;
	v22 =	vld.idx.msk [tilespmem:v30+s11+$0x0], $0xffff;
	[tilespmem:s3+$0x50] =	vst v16  }
.Ltmp2:
0xbd: {  	v25 =	vor.u32 s1, v13;
	v21 =	vmul.f32 $8.000000000e+00, v19;
	[tilespmem:s3+$0xFFFFFFD0] =	vst v20;
	v23 =	vld.idx.msk [tilespmem:v23+s11+$0x0], $0xffff;
	(pc) =	sbr.rel @p1 .LBB2_3-.Ltmp2, $4  }
0xbe: {  	s23 =	sadd.s32 $0x100, s23;
	v24 =	vor.u32 s30, v13;
	v20 =	vmul.f32 $8.000000000e+00, v18;
	v16 =	vmul.f32 $8.000000000e+00, v28;
	v19 =	vld.idx.msk [tilespmem:v29+s11+$0x0], $0xffff;
	[tilespmem:s31+$0x70] =	vst v17  }
0xbf: {  	v17 =	vmul.f32 $8.000000000e+00, v27;
	v18 =	vld.idx.msk [tilespmem:v31+s11+$0x0], $0xffff;
	[tilespmem:s23+$0x0] =	vst v21;
	v21 =	vor.u32 s28, v8  }
0xc0: {  	v28 =	vmul.f32 $8.000000000e+00, v32;
	[tilespmem:s23+$0xFFFFFF80] =	vst v20;
	v26 =	vld.idx.msk [tilespmem:v33+s11+$0x0], $0xffff;
	v20 =	vor.u32 s7, v8  }
0xc1: {  	s18 =	sadd.s32 $0x2, s18;
	s9 =	sadd.s32 $0x1, s25;
	v29 =	vmul.f32 $8.000000000e+00, v34;
	v27 =	vld.idx.msk [tilespmem:v35+s11+$0x0], $0xffff;
	[tilespmem:s0+$0x20] =	vst v17;
	v17 =	vor.u32 s29, v11;
	s29 =	smov.u32 s28  }
0xc2: {  	v10 =	vor.u32 s9, v10;
	_ =	sdelay $0x4  }
0xc3: {  	v10 =	vld.idx.msk [tilespmem:v10+s11+$0x0], $0xffff;
	_ =	sdelay $0x2  }
0xc4: {  	v30 =	vor.u32 s9, v14  }
0xc5: {  	v14 =	vor.u32 s25, v14  }
0xc6: {  	v10 =	vmul.f32 $8.000000000e+00, v10  }
0xc7: {  	s18 =	sadd.s32 $0x100, s23;
	v18 =	vmul.f32 $8.000000000e+00, v18  }
0xc8: {  	[tilespmem:s18+$0x0] =	vst v10  }
0xc9: {  	[tilespmem:s18+$0xFFFFFF80] =	vst v18;
	v10 =	vld.idx.msk [tilespmem:v30+s11+$0x0], $0xffff  }
0xca: {  	v18 =	vor.u32 s21, v15;
	v14 =	vld.idx.msk [tilespmem:v14+s11+$0x0], $0xffff  }
0xcb: {  	v30 =	vor.u32 s16, v15  }
0xcc: {  	v31 =	vor.u32 s9, v15;
	v26 =	vmul.f32 $8.000000000e+00, v26  }
0xcd: {  	v27 =	vmul.f32 $8.000000000e+00, v27;
	v15 =	vor.u32 s25, v15  }
0xce: {  	[tilespmem:s23+$0x10] =	vst v26;
	v10 =	vmul.f32 $8.000000000e+00, v10  }
0xcf: {  	[tilespmem:s23+$0xFFFFFF90] =	vst v27;
	v18 =	vld.idx.msk [tilespmem:v18+s11+$0x0], $0xffff;
	v14 =	vmul.f32 $8.000000000e+00, v14  }
0xd0: {  	v26 =	vld.idx.msk [tilespmem:v30+s11+$0x0], $0xffff;
	[tilespmem:s18+$0x10] =	vst v10  }
0xd1: {  	[tilespmem:s18+$0xFFFFFF90] =	vst v14;
	v10 =	vld.idx.msk [tilespmem:v31+s11+$0x0], $0xffff  }
0xd2: {  	[tilespmem:s0+$0xFFFFFFA0] =	vst v28;
	v14 =	vmul.f32 $8.000000000e+00, v22;
	v22 =	vor.u32 s21, v13;
	v15 =	vld.idx.msk [tilespmem:v15+s11+$0x0], $0xffff  }
0xd3: {  	v23 =	vmul.f32 $8.000000000e+00, v23;
	[tilespmem:s5+$0x40] =	vst v29;
	v27 =	vor.u32 s16, v13  }
0xd4: {  	[tilespmem:s5+$0xFFFFFFC0] =	vst v14;
	v14 =	vmul.f32 $8.000000000e+00, v18;
	v18 =	vor.u32 s9, v13  }
0xd5: {  	v25 =	vld.idx.msk [tilespmem:v25+s11+$0x0], $0xffff;
	[tilespmem:s3+$0x60] =	vst v23;
	v13 =	vor.u32 s25, v13;
	v23 =	vmul.f32 $8.000000000e+00, v26  }
0xd6: {  	v24 =	vld.idx.msk [tilespmem:v24+s11+$0x0], $0xffff;
	[tilespmem:s23+$0x20] =	vst v14;
	v10 =	vmul.f32 $8.000000000e+00, v10  }
0xd7: {  	v14 =	vld.idx.msk [tilespmem:v22+s11+$0x0], $0xffff;
	v15 =	vmul.f32 $8.000000000e+00, v15;
	[tilespmem:s23+$0xFFFFFFA0] =	vst v23  }
0xd8: {  	v19 =	vmul.f32 $8.000000000e+00, v19;
	v22 =	vor.u32 s1, v12;
	v23 =	vld.idx.msk [tilespmem:v27+s11+$0x0], $0xffff;
	[tilespmem:s18+$0x20] =	vst v10  }
0xd9: {  	[tilespmem:s18+$0xFFFFFFA0] =	vst v15;
	v10 =	vor.u32 s30, v12;
	v15 =	vld.idx.msk [tilespmem:v18+s11+$0x0], $0xffff  }
0xda: {  	[tilespmem:s3+$0xFFFFFFE0] =	vst v19;
	v19 =	vor.u32 s21, v12;
	v13 =	vld.idx.msk [tilespmem:v13+s11+$0x0], $0xffff;
	v18 =	vmul.f32 $8.000000000e+00, v25  }
0xdb: {  	[tilespmem:s31+$0xFFFFFFF0] =	vst v16;
	v21 =	vld.idx.msk [tilespmem:v21+s11+$0x0], $0xffff;
	v16 =	vmul.f32 $8.000000000e+00, v24;
	v24 =	vor.u32 s16, v12  }
0xdc: {  	v20 =	vld.idx.msk [tilespmem:v20+s11+$0x0], $0xffff;
	v14 =	vmul.f32 $8.000000000e+00, v14;
	[tilespmem:s0+$0x30] =	vst v18;
	v18 =	vor.u32 s9, v12  }
0xdd: {  	[tilespmem:s0+$0xFFFFFFB0] =	vst v16;
	v12 =	vor.u32 s25, v12;
	v16 =	vld.idx.msk [tilespmem:v22+s11+$0x0], $0xffff;
	v22 =	vmul.f32 $8.000000000e+00, v23  }
0xde: {  	[tilespmem:s23+$0x30] =	vst v14;
	v10 =	vld.idx.msk [tilespmem:v10+s11+$0x0], $0xffff;
	v14 =	vmul.f32 $8.000000000e+00, v15  }
0xdf: {  	v19 =	vld.idx.msk [tilespmem:v19+s11+$0x0], $0xffff;
	v13 =	vmul.f32 $8.000000000e+00, v13;
	v15 =	vor.u32 s29, v9;
	[tilespmem:s23+$0xFFFFFFB0] =	vst v22  }
0xe0: {  	v21 =	vmul.f32 $8.000000000e+00, v21;
	v22 =	vor.u32 s1, v8;
	v23 =	vld.idx.msk [tilespmem:v24+s11+$0x0], $0xffff;
	[tilespmem:s18+$0x30] =	vst v14  }
0xe1: {  	[tilespmem:s18+$0xFFFFFFB0] =	vst v13;
	v14 =	vmul.f32 $8.000000000e+00, v20;
	v20 =	vor.u32 s30, v8;
	v13 =	vld.idx.msk [tilespmem:v18+s11+$0x0], $0xffff  }
0xe2: {  	[tilespmem:s5+$0x50] =	vst v21;
	v12 =	vld.idx.msk [tilespmem:v12+s11+$0x0], $0xffff;
	v16 =	vmul.f32 $8.000000000e+00, v16;
	v18 =	vor.u32 s21, v8  }
0xe3: {  	v17 =	vld.idx.msk [tilespmem:v17+s11+$0x0], $0xffff;
	[tilespmem:s5+$0xFFFFFFD0] =	vst v14;
	v10 =	vmul.f32 $8.000000000e+00, v10;
	v14 =	vor.u32 s16, v8  }
0xe4: {  	v15 =	vld.idx.msk [tilespmem:v15+s11+$0x0], $0xffff;
	[tilespmem:s0+$0x40] =	vst v16;
	v16 =	vmul.f32 $8.000000000e+00, v19;
	v19 =	vor.u32 s9, v8  }
0xe5: {  	v8 =	vor.u32 s25, v8;
	[tilespmem:s0+$0xFFFFFFC0] =	vst v10;
	v10 =	vld.idx.msk [tilespmem:v22+s11+$0x0], $0xffff;
	v21 =	vmul.f32 $8.000000000e+00, v23  }
0xe6: {  	v22 =	vor.u32 s7, v9;
	v20 =	vld.idx.msk [tilespmem:v20+s11+$0x0], $0xffff;
	[tilespmem:s23+$0x40] =	vst v16;
	v13 =	vmul.f32 $8.000000000e+00, v13  }
0xe7: {  	v16 =	vor.u32 s8, v11;
	v12 =	vmul.f32 $8.000000000e+00, v12;
	[tilespmem:s23+$0xFFFFFFC0] =	vst v21;
	v18 =	vld.idx.msk [tilespmem:v18+s11+$0x0], $0xffff  }
0xe8: {  	v17 =	vmul.f32 $8.000000000e+00, v17;
	v21 =	vor.u32 s1, v9;
	v14 =	vld.idx.msk [tilespmem:v14+s11+$0x0], $0xffff;
	[tilespmem:s18+$0x40] =	vst v13  }
0xe9: {  	[tilespmem:s18+$0xFFFFFFC0] =	vst v12;
	v13 =	vmul.f32 $8.000000000e+00, v15;
	v15 =	vor.u32 s30, v9;
	v12 =	vld.idx.msk [tilespmem:v19+s11+$0x0], $0xffff  }
0xea: {  	[tilespmem:s3+$0x70] =	vst v17;
	v17 =	vor.u32 s21, v9;
	v8 =	vld.idx.msk [tilespmem:v8+s11+$0x0], $0xffff;
	v10 =	vmul.f32 $8.000000000e+00, v10  }
0xeb: {  	v19 =	vld.idx.msk [tilespmem:v22+s11+$0x0], $0xffff;
	[tilespmem:s5+$0x60] =	vst v13;
	v13 =	vmul.f32 $8.000000000e+00, v20;
	v20 =	vor.u32 s16, v9  }
0xec: {  	v16 =	vld.idx.msk [tilespmem:v16+s11+$0x0], $0xffff;
	[tilespmem:s0+$0x50] =	vst v10;
	v10 =	vmul.f32 $8.000000000e+00, v18;
	v18 =	vor.u32 s9, v9  }
0xed: {  	v9 =	vor.u32 s25, v9;
	[tilespmem:s0+$0xFFFFFFD0] =	vst v13;
	v13 =	vld.idx.msk [tilespmem:v21+s11+$0x0], $0xffff;
	v14 =	vmul.f32 $8.000000000e+00, v14  }
0xee: {  	v21 =	vor.u32 s29, v11;
	v15 =	vld.idx.msk [tilespmem:v15+s11+$0x0], $0xffff;
	[tilespmem:s23+$0x50] =	vst v10;
	v10 =	vmul.f32 $8.000000000e+00, v12  }
0xef: {  	v8 =	vmul.f32 $8.000000000e+00, v8;
	v12 =	vor.u32 s7, v11;
	[tilespmem:s23+$0xFFFFFFD0] =	vst v14;
	v14 =	vld.idx.msk [tilespmem:v17+s11+$0x0], $0xffff  }
0xf0: {  	v17 =	vmul.f32 $8.000000000e+00, v19;
	v19 =	vor.u32 s1, v11;
	v20 =	vld.idx.msk [tilespmem:v20+s11+$0x0], $0xffff;
	[tilespmem:s18+$0x50] =	vst v10  }
0xf1: {  	[tilespmem:s18+$0xFFFFFFD0] =	vst v8;
	v10 =	vmul.f32 $8.000000000e+00, v16;
	v16 =	vor.u32 s30, v11;
	v8 =	vld.idx.msk [tilespmem:v18+s11+$0x0], $0xffff  }
0xf2: {  	[tilespmem:s5+$0xFFFFFFE0] =	vst v17;
	v17 =	vor.u32 s21, v11;
	v9 =	vld.idx.msk [tilespmem:v9+s11+$0x0], $0xffff;
	v13 =	vmul.f32 $8.000000000e+00, v13  }
0xf3: {  	v18 =	vld.idx.msk [tilespmem:v21+s11+$0x0], $0xffff;
	[tilespmem:s3+$0xFFFFFFF0] =	vst v10;
	v10 =	vmul.f32 $8.000000000e+00, v15;
	v15 =	vor.u32 s16, v11  }
0xf4: {  	v12 =	vld.idx.msk [tilespmem:v12+s11+$0x0], $0xffff;
	[tilespmem:s0+$0x60] =	vst v13;
	v13 =	vmul.f32 $8.000000000e+00, v14;
	v14 =	vor.u32 s9, v11  }
0xf5: {  	v11 =	vor.u32 s25, v11;
	[tilespmem:s0+$0xFFFFFFE0] =	vst v10;
	v10 =	vld.idx.msk [tilespmem:v19+s11+$0x0], $0xffff;
	v19 =	vmul.f32 $8.000000000e+00, v20  }
0xf6: {  	v16 =	vld.idx.msk [tilespmem:v16+s11+$0x0], $0xffff;
	[tilespmem:s23+$0x60] =	vst v13;
	v8 =	vmul.f32 $8.000000000e+00, v8  }
0xf7: {  	v9 =	vmul.f32 $8.000000000e+00, v9;
	[tilespmem:s23+$0xFFFFFFE0] =	vst v19;
	v13 =	vld.idx.msk [tilespmem:v17+s11+$0x0], $0xffff  }
0xf8: {  	v17 =	vmul.f32 $8.000000000e+00, v18;
	v15 =	vld.idx.msk [tilespmem:v15+s11+$0x0], $0xffff;
	[tilespmem:s18+$0x60] =	vst v8  }
0xf9: {  	[tilespmem:s18+$0xFFFFFFE0] =	vst v9;
	v8 =	vmul.f32 $8.000000000e+00, v12;
	v9 =	vld.idx.msk [tilespmem:v14+s11+$0x0], $0xffff  }
0xfa: {  	[tilespmem:s5+$0x70] =	vst v17;
	v11 =	vld.idx.msk [tilespmem:v11+s11+$0x0], $0xffff;
	v10 =	vmul.f32 $8.000000000e+00, v10  }
0xfb: {  	[tilespmem:s5+$0xFFFFFFF0] =	vst v8;
	v8 =	vmul.f32 $8.000000000e+00, v16  }
0xfc: {  	[tilespmem:s0+$0x70] =	vst v10;
	v10 =	vmul.f32 $8.000000000e+00, v13  }
0xfd: {  	[tilespmem:s0+$0xFFFFFFF0] =	vst v8;
	v8 =	vmul.f32 $8.000000000e+00, v15  }
0xfe: {  	s5 =	sshll.u32 s10, $0x14;
	[tilespmem:s23+$0x70] =	vst v10;
	v9 =	vmul.f32 $8.000000000e+00, v9  }
0xff: {  	s0 =	sor.u32 s6, s5;
	[tilespmem:s23+$0xFFFFFFF0] =	vst v8;
	v8 =	vmul.f32 $8.000000000e+00, v11  }
0x100: {  	s0 =	sshrl.u32 s0, $0x3;
	[tilespmem:s18+$0x70] =	vst v9  }
0x101: {  	p1 =	seq.s32 s10, $0x31;
	s7 =	simm.s32 $0x16600;
	s0 =	sadd.s32 s2, s0;
	[tilespmem:s18+$0xFFFFFFF0] =	vst v8  }
0x102: {  	[hbm4b:s0+s19] =	stream.strided.scatter [tilespmem:s7], [sflag:$0x5], $0x2000, s20, s19, $0x38;
	[tilespmem:$0x1E600] =	vst v63  }
0x103: {  	v8 =	vld @!p1 [tilespmem:s12+$0x200];
	_ =	sdelay $0x4  }
0x104: {  	v8 =	vshrl.u32 @!p1 v8, $0x1  }
0x105: {  	[tilespmem:$0x6400] =	vst @!p1 v8  }
0x106: {  	v8 =	vld @!p1 [tilespmem:s12+$0x210];
	_ =	sdelay $0x4  }
0x107: {  	v8 =	vshrl.u32 @!p1 v8, $0x1  }
0x108: {  	[tilespmem:$0x6410] =	vst @!p1 v8  }
0x109: {  	v8 =	vld @!p1 [tilespmem:s12+$0x220];
	_ =	sdelay $0x4  }
0x10a: {  	v8 =	vshrl.u32 @!p1 v8, $0x1  }
0x10b: {  	[tilespmem:$0x6420] =	vst @!p1 v8  }
0x10c: {  	v8 =	vld @!p1 [tilespmem:s12+$0x230];
	_ =	sdelay $0x4  }
0x10d: {  	v8 =	vshrl.u32 @!p1 v8, $0x1  }
0x10e: {  	[tilespmem:$0x6430] =	vst @!p1 v8  }
0x10f: {  	v8 =	vld @!p1 [tilespmem:s12+$0x240];
	_ =	sdelay $0x4  }
0x110: {  	v8 =	vshrl.u32 @!p1 v8, $0x1  }
0x111: {  	[tilespmem:$0x6440] =	vst @!p1 v8  }
0x112: {  	v8 =	vld @!p1 [tilespmem:s12+$0x250];
	_ =	sdelay $0x4  }
0x113: {  	v8 =	vshrl.u32 @!p1 v8, $0x1  }
0x114: {  	[tilespmem:$0x6450] =	vst @!p1 v8  }
0x115: {  	v8 =	vld @!p1 [tilespmem:s12+$0x260];
	_ =	sdelay $0x4  }
0x116: {  	v8 =	vshrl.u32 @!p1 v8, $0x1  }
0x117: {  	[tilespmem:$0x6460] =	vst @!p1 v8  }
0x118: {  	v8 =	vld @!p1 [tilespmem:s12+$0x270];
	_ =	sdelay $0x4  }
0x119: {  	s8 =	simm.s32 $0x2;
	v8 =	vshrl.u32 @!p1 v8, $0x1  }
0x11a: {  	s1 =	simm.s32 @!p1 $0x6400;
	s3 =	simm.s32 @!p1 $0x6600;
	s0 =	simm.s32 @!p1 $0x80;
	[tilespmem:$0x6470] =	vst @!p1 v8  }
0x11b: {  	[tilespmem:s3], [sflag:$0x1] =	stream.indirect.gather @!p1 [hbm4b:s4+s0], $0x80, s1, s0, $0xb8;
	[tilespmem:$0x1E600] =	vst v63  }
0x11c: {  	_ =	swait.ge [sflag:s8], $0x4000  }
0x11d: {  	[sflag:s8] =	ssyncset.done $0x0  }
0x11e: {  	s0 =	simm.s32 @!p0 $0x6;
	[sflag:s8] =	ssyncadd.s32 $0xFFFFC000  }
0x11f: {  	s3 =	sor.u32 $0x1, s14;
	_ =	swait.ge @!p0 [sflag:s0], $0x2000  }
0x120: {  	s9 =	sshll.u32 s3, $0x7;
	[sflag:s0] =	ssyncset.done @!p0 $0x0  }
0x121: {  	s16 =	sand.u32 $0x3FFFFF80, s9;
	[sflag:s0] =	ssyncadd.s32 @!p0 $0xFFFFE000  }
0x122: {  	v8 =	vld [tilespmem:s16+$0x0];
	_ =	sdelay $0x4  }
0x123: {  	v8 =	vshll.u32 v8, $0x6  }
0x124: {  	v8 =	vand.u32 $0x40, v8  }
0x125: {  	s18 =	simm.s32 $0x1;
	v10 =	vor.u32 v0, v8  }
0x126: {  	s9 =	simm.s32 $0x0;
	v8 =	vld [tilespmem:s16+$0x10];
	v9 =	vor.u32 s18, v10  }
0x127: {  	v11 =	vor.u32 s9, v10;
	_ =	sdelay $0x3  }
0x128: {  	v8 =	vshll.u32 v8, $0x6;
	v9 =	vld.idx.msk [tilespmem:v9+s13+$0x0], $0xffff  }
0x129: {  	v8 =	vand.u32 $0x40, v8;
	v13 =	vld.idx.msk [tilespmem:v11+s13+$0x0], $0xffff  }
0x12a: {  	v12 =	vld [tilespmem:s16+$0x20];
	v14 =	vor.u32 v1, v8  }
0x12b: {  	v16 =	vld [tilespmem:s16+$0x30];
	v15 =	vor.u32 s18, v14  }
0x12c: {  	v17 =	vld [tilespmem:s16+$0x50];
	v18 =	vor.u32 s9, v14  }
0x12d: {  	v19 =	vld [tilespmem:s16+$0x60];
	v9 =	vmul.f32 $8.000000000e+00, v9  }
0x12e: {  	s1 =	simm.s32 $0x18680;
	v11 =	vld [tilespmem:s16+$0x70];
	v13 =	vmul.f32 $8.000000000e+00, v13  }
0x12f: {  	v8 =	vld [tilespmem:s16+$0x40];
	[tilespmem:s1+$0x0] =	vst v9  }
0x130: {  	s22 =	simm.s32 $0x3;
	v9 =	vshll.u32 v12, $0x6;
	[tilespmem:s1+$0xFFFFFF80] =	vst v13;
	v12 =	vld.idx.msk [tilespmem:v15+s13+$0x0], $0xffff  }
0x131: {  	s29 =	simm.s32 $0x2;
	v9 =	vand.u32 $0x40, v9;
	v13 =	vld.idx.msk [tilespmem:v18+s13+$0x0], $0xffff;
	v18 =	vor.u32 s22, v10  }
0x132: {  	v15 =	vor.u32 v2, v9;
	v9 =	vor.u32 s29, v10  }
0x133: {  	v20 =	vor.u32 s18, v15  }
0x134: {  	v21 =	vor.u32 s9, v15  }
0x135: {  	v12 =	vmul.f32 $8.000000000e+00, v12  }
0x136: {  	v18 =	vld.idx.msk [tilespmem:v18+s13+$0x0], $0xffff;
	v13 =	vmul.f32 $8.000000000e+00, v13  }
0x137: {  	v9 =	vld.idx.msk [tilespmem:v9+s13+$0x0], $0xffff;
	[tilespmem:s1+$0x10] =	vst v12  }
0x138: {  	v12 =	vshll.u32 v16, $0x6;
	[tilespmem:s1+$0xFFFFFF90] =	vst v13;
	v16 =	vld.idx.msk [tilespmem:v20+s13+$0x0], $0xffff  }
0x139: {  	v12 =	vand.u32 $0x40, v12;
	v20 =	vld.idx.msk [tilespmem:v21+s13+$0x0], $0xffff;
	v21 =	vor.u32 s22, v14  }
0x13a: {  	v13 =	vor.u32 v3, v12;
	v12 =	vor.u32 s29, v14  }
0x13b: {  	v18 =	vmul.f32 $8.000000000e+00, v18;
	v22 =	vor.u32 s18, v13  }
0x13c: {  	s5 =	simm.s32 $0x18780;
	v23 =	vor.u32 s9, v13;
	v9 =	vmul.f32 $8.000000000e+00, v9  }
0x13d: {  	[tilespmem:s5+$0x0] =	vst v18;
	v16 =	vmul.f32 $8.000000000e+00, v16  }
0x13e: {  	s30 =	simm.s32 $0x5;
	[tilespmem:s5+$0xFFFFFF80] =	vst v9;
	v9 =	vld.idx.msk [tilespmem:v21+s13+$0x0], $0xffff;
	v18 =	vmul.f32 $8.000000000e+00, v20  }
0x13f: {  	s8 =	simm.s32 $0x4;
	v20 =	vld.idx.msk [tilespmem:v12+s13+$0x0], $0xffff;
	[tilespmem:s1+$0x20] =	vst v16;
	v16 =	vor.u32 s30, v10  }
0x140: {  	v8 =	vshll.u32 v8, $0x6;
	v21 =	vor.u32 s8, v10;
	[tilespmem:s1+$0xFFFFFFA0] =	vst v18;
	v18 =	vld.idx.msk [tilespmem:v22+s13+$0x0], $0xffff  }
0x141: {  	v8 =	vand.u32 $0x40, v8;
	v22 =	vld.idx.msk [tilespmem:v23+s13+$0x0], $0xffff;
	v23 =	vor.u32 s22, v15  }
0x142: {  	v12 =	vor.u32 v4, v8;
	v8 =	vor.u32 s29, v15  }
0x143: {  	v24 =	vor.u32 s18, v12;
	v9 =	vmul.f32 $8.000000000e+00, v9  }
0x144: {  	v25 =	vor.u32 s9, v12;
	v20 =	vmul.f32 $8.000000000e+00, v20;
	v16 =	vld.idx.msk [tilespmem:v16+s13+$0x0], $0xffff  }
0x145: {  	v21 =	vld.idx.msk [tilespmem:v21+s13+$0x0], $0xffff;
	[tilespmem:s5+$0x10] =	vst v9;
	v9 =	vmul.f32 $8.000000000e+00, v18  }
0x146: {  	[tilespmem:s5+$0xFFFFFF90] =	vst v20;
	v18 =	vld.idx.msk [tilespmem:v23+s13+$0x0], $0xffff;
	v20 =	vmul.f32 $8.000000000e+00, v22  }
0x147: {  	v22 =	vld.idx.msk [tilespmem:v8+s13+$0x0], $0xffff;
	[tilespmem:s1+$0x30] =	vst v9;
	v9 =	vor.u32 s30, v14  }
0x148: {  	v8 =	vshll.u32 v17, $0x6;
	[tilespmem:s1+$0xFFFFFFB0] =	vst v20;
	v20 =	vor.u32 s8, v14;
	v17 =	vld.idx.msk [tilespmem:v24+s13+$0x0], $0xffff  }
0x149: {  	v8 =	vand.u32 $0x40, v8;
	v23 =	vld.idx.msk [tilespmem:v25+s13+$0x0], $0xffff;
	v24 =	vor.u32 s22, v13;
	v16 =	vmul.f32 $8.000000000e+00, v16  }
0x14a: {  	s7 =	simm.s32 $0x18880;
	v21 =	vmul.f32 $8.000000000e+00, v21;
	v8 =	vor.u32 v5, v8;
	v25 =	vor.u32 s29, v13  }
0x14b: {  	[tilespmem:s7+$0x0] =	vst v16;
	v16 =	vmul.f32 $8.000000000e+00, v18;
	v18 =	vor.u32 s18, v8  }
0x14c: {  	s31 =	simm.s32 $0x6;
	[tilespmem:s7+$0xFFFFFF80] =	vst v21;
	v21 =	vmul.f32 $8.000000000e+00, v22;
	v22 =	vor.u32 s9, v8;
	v9 =	vld.idx.msk [tilespmem:v9+s13+$0x0], $0xffff  }
0x14d: {  	s0 =	simm.s32 $0x7;
	v26 =	vor.u32 s31, v10;
	v20 =	vld.idx.msk [tilespmem:v20+s13+$0x0], $0xffff;
	[tilespmem:s5+$0x20] =	vst v16;
	v16 =	vmul.f32 $8.000000000e+00, v17  }
0x14e: {  	s21 =	simm.s32 $0x8;
	v17 =	vor.u32 s0, v10;
	[tilespmem:s5+$0xFFFFFFA0] =	vst v21;
	v23 =	vmul.f32 $8.000000000e+00, v23;
	v21 =	vld.idx.msk [tilespmem:v24+s13+$0x0], $0xffff  }
0x14f: {  	v28 =	vor.u32 s21, v10;
	v24 =	vld.idx.msk [tilespmem:v25+s13+$0x0], $0xffff;
	[tilespmem:s1+$0x40] =	vst v16  }
0x150: {  	v19 =	vshll.u32 v19, $0x6;
	v16 =	vor.u32 s30, v15;
	[tilespmem:s1+$0xFFFFFFC0] =	vst v23;
	v18 =	vld.idx.msk [tilespmem:v18+s13+$0x0], $0xffff  }
0x151: {  	v19 =	vand.u32 $0x40, v19;
	v23 =	vor.u32 s8, v15;
	v22 =	vld.idx.msk [tilespmem:v22+s13+$0x0], $0xffff  }
0x152: {  	v27 =	vor.u32 s22, v12;
	v25 =	vmul.f32 $8.000000000e+00, v9;
	v9 =	vor.u32 v6, v19;
	v19 =	vld.idx.msk [tilespmem:v26+s13+$0x0], $0xffff  }
0x153: {  	v20 =	vmul.f32 $8.000000000e+00, v20;
	v26 =	vor.u32 s29, v12;
	v17 =	vld.idx.msk [tilespmem:v17+s13+$0x0], $0xffff  }
0x154: {  	v28 =	vld.idx.msk [tilespmem:v28+s13+$0x0], $0xffff;
	[tilespmem:s7+$0x10] =	vst v25;
	v21 =	vmul.f32 $8.000000000e+00, v21;
	v25 =	vor.u32 s18, v9  }
0x155: {  	[tilespmem:s7+$0xFFFFFF90] =	vst v20;
	v20 =	vmul.f32 $8.000000000e+00, v24;
	v24 =	vor.u32 s9, v9;
	v16 =	vld.idx.msk [tilespmem:v16+s13+$0x0], $0xffff  }
0x156: {  	v23 =	vld.idx.msk [tilespmem:v23+s13+$0x0], $0xffff;
	[tilespmem:s5+$0x30] =	vst v21;
	v18 =	vmul.f32 $8.000000000e+00, v18;
	v21 =	vor.u32 s0, v14  }
0x157: {  	[tilespmem:s5+$0xFFFFFFB0] =	vst v20;
	v22 =	vmul.f32 $8.000000000e+00, v22;
	v20 =	vld.idx.msk [tilespmem:v27+s13+$0x0], $0xffff;
	v27 =	vor.u32 s31, v14  }
0x158: {  	v26 =	vld.idx.msk [tilespmem:v26+s13+$0x0], $0xffff;
	[tilespmem:s1+$0x50] =	vst v18;
	v17 =	vmul.f32 $8.000000000e+00, v17;
	v18 =	vor.u32 s30, v13  }
0x159: {  	s16 =	simm.s32 $0x18980;
	v11 =	vshll.u32 v11, $0x6;
	v19 =	vmul.f32 $8.000000000e+00, v19;
	[tilespmem:s1+$0xFFFFFFD0] =	vst v22;
	v22 =	vld.idx.msk [tilespmem:v25+s13+$0x0], $0xffff;
	v25 =	vor.u32 s8, v13  }
0x15a: {  	v11 =	vand.u32 $0x40, v11;
	v24 =	vld.idx.msk [tilespmem:v24+s13+$0x0], $0xffff;
	[tilespmem:s16+$0x0] =	vst v17;
	v16 =	vmul.f32 $8.000000000e+00, v16;
	v17 =	vor.u32 s22, v8  }
0x15b: {  	v11 =	vor.u32 v7, v11;
	[tilespmem:s16+$0xFFFFFF80] =	vst v19;
	v19 =	vld.idx.msk [tilespmem:v21+s13+$0x0], $0xffff;
	v21 =	vmul.f32 $8.000000000e+00, v23;
	v23 =	vor.u32 s29, v8  }
0x15c: {  	s23 =	simm.s32 $0x9;
	v27 =	vld.idx.msk [tilespmem:v27+s13+$0x0], $0xffff;
	[tilespmem:s7+$0x20] =	vst v16;
	v16 =	vmul.f32 $8.000000000e+00, v20;
	v20 =	vor.u32 s18, v11  }
0x15d: {  	v29 =	vor.u32 s23, v10;
	[tilespmem:s7+$0xFFFFFFA0] =	vst v21;
	v18 =	vld.idx.msk [tilespmem:v18+s13+$0x0], $0xffff;
	v21 =	vmul.f32 $8.000000000e+00, v26  }
0x15e: {  	v25 =	vld.idx.msk [tilespmem:v25+s13+$0x0], $0xffff;
	[tilespmem:s5+$0x40] =	vst v16;
	v16 =	vor.u32 s9, v11;
	v22 =	vmul.f32 $8.000000000e+00, v22  }
0x15f: {  	v26 =	vor.u32 s0, v15;
	[tilespmem:s5+$0xFFFFFFC0] =	vst v21;
	v17 =	vld.idx.msk [tilespmem:v17+s13+$0x0], $0xffff  }
0x160: {  	v21 =	vmul.f32 $8.000000000e+00, v24;
	v24 =	vor.u32 s31, v15;
	v23 =	vld.idx.msk [tilespmem:v23+s13+$0x0], $0xffff;
	[tilespmem:s1+$0x60] =	vst v22  }
0x161: {  	v19 =	vmul.f32 $8.000000000e+00, v19;
	v22 =	vor.u32 s30, v12;
	v20 =	vld.idx.msk [tilespmem:v20+s13+$0x0], $0xffff  }
0x162: {  	[tilespmem:s1+$0xFFFFFFE0] =	vst v21;
	v21 =	vld.idx.msk [tilespmem:v29+s13+$0x0], $0xffff;
	v27 =	vmul.f32 $8.000000000e+00, v27;
	v29 =	vor.u32 s8, v12  }
0x163: {  	s28 =	simm.s32 $0xA;
	[tilespmem:s16+$0x10] =	vst v19;
	v18 =	vmul.f32 $8.000000000e+00, v18;
	v19 =	vor.u32 s22, v9;
	v16 =	vld.idx.msk [tilespmem:v16+s13+$0x0], $0xffff  }
0x164: {  	v30 =	vor.u32 s28, v10;
	[tilespmem:s16+$0xFFFFFF90] =	vst v27;
	v26 =	vld.idx.msk [tilespmem:v26+s13+$0x0], $0xffff;
	v25 =	vmul.f32 $8.000000000e+00, v25  }
0x165: {  	v27 =	vor.u32 s29, v9;
	v31 =	vld.idx.msk [tilespmem:v24+s13+$0x0], $0xffff;
	[tilespmem:s7+$0x30] =	vst v18;
	v17 =	vmul.f32 $8.000000000e+00, v17  }
0x166: {  	v34 =	vor.u32 s21, v14;
	v28 =	vmul.f32 $8.000000000e+00, v28;
	[tilespmem:s7+$0xFFFFFFB0] =	vst v25;
	v33 =	vld.idx.msk [tilespmem:v22+s13+$0x0], $0xffff  }
0x167: {  	s25 =	simm.s32 $0x18A80;
	v32 =	vor.u32 s23, v14;
	v18 =	vmul.f32 $8.000000000e+00, v23;
	v22 =	vld.idx.msk [tilespmem:v29+s13+$0x0], $0xffff;
	[tilespmem:s5+$0x50] =	vst v17  }
0x168: {  	[tilespmem:s25+$0xFFFFFF80] =	vst v28;
	v25 =	vor.u32 s0, v13;
	v17 =	vmul.f32 $8.000000000e+00, v20;
	v23 =	vld.idx.msk [tilespmem:v19+s13+$0x0], $0xffff  }
0x169: {  	v24 =	vor.u32 s31, v13;
	v20 =	vmul.f32 $8.000000000e+00, v21;
	[tilespmem:s5+$0xFFFFFFD0] =	vst v18;
	v18 =	vld.idx.msk [tilespmem:v30+s13+$0x0], $0xffff  }
0x16a: {  	v21 =	vor.u32 s30, v8;
	v19 =	vld.idx.msk [tilespmem:v27+s13+$0x0], $0xffff;
	[tilespmem:s1+$0x70] =	vst v17;
	v29 =	vmul.f32 $8.000000000e+00, v26  }
0x16b: {  	[tilespmem:s25+$0x0] =	vst v20;
	v20 =	vor.u32 s8, v8;
	v27 =	vld.idx.msk [tilespmem:v34+s13+$0x0], $0xffff;
	v28 =	vmul.f32 $8.000000000e+00, v31  }
0x16c: {  	s18 =	simm.s32 $0xB;
	s9 =	simm.s32 $0xC;
	v17 =	vmul.f32 $8.000000000e+00, v16;
	v16 =	vor.u32 s22, v11;
	v26 =	vld.idx.msk [tilespmem:v32+s13+$0x0], $0xffff;
	[tilespmem:s16+$0x20] =	vst v29;
	v29 =	vmul.f32 $8.000000000e+00, v33  }
.LBB2_5:
0x16d: {  	p2 =	slt.u32 s9, $0x3E;
	v30 =	vor.u32 s18, v10;
	[tilespmem:s16+$0xFFFFFFA0] =	vst v28;
	v25 =	vld.idx.msk [tilespmem:v25+s13+$0x0], $0xffff;
	v22 =	vmul.f32 $8.000000000e+00, v22;
	s22 =	smov.u32 s0;
	s0 =	smov.u32 s23  }
0x16e: {  	v28 =	vor.u32 s29, v11;
	v23 =	vmul.f32 $8.000000000e+00, v23;
	s23 =	smov.u32 s18;
	s29 =	smov.u32 s8;
	s8 =	smov.u32 s31;
	v24 =	vld.idx.msk [tilespmem:v24+s13+$0x0], $0xffff;
	[tilespmem:s7+$0x40] =	vst v29  }
0x16f: {  	s31 =	smov.u32 s21;
	s21 =	smov.u32 s28;
	s28 =	smov.u32 s9;
	v29 =	vor.u32 s0, v15;
	v19 =	vmul.f32 $8.000000000e+00, v19;
	[tilespmem:s7+$0xFFFFFFC0] =	vst v22;
	v21 =	vld.idx.msk [tilespmem:v21+s13+$0x0], $0xffff  }
0x170: {  	v22 =	vor.u32 s31, v15;
	v20 =	vld.idx.msk [tilespmem:v20+s13+$0x0], $0xffff;
	[tilespmem:s5+$0x60] =	vst v23  }
0x171: {  	v23 =	vmul.f32 $8.000000000e+00, v26;
	v26 =	vor.u32 s22, v12;
	[tilespmem:s5+$0xFFFFFFE0] =	vst v19;
	v16 =	vld.idx.msk [tilespmem:v16+s13+$0x0], $0xffff  }
0x172: {  	v27 =	vmul.f32 $8.000000000e+00, v27;
	v19 =	vld.idx.msk [tilespmem:v30+s13+$0x0], $0xffff;
	v30 =	vor.u32 s8, v12;
	[tilespmem:s1+$0xFFFFFFF0] =	vst v17;
	s1 =	smov.u32 s5;
	s5 =	smov.u32 s7;
	s7 =	smov.u32 s16  }
0x173: {  	v17 =	vmul.f32 $8.000000000e+00, v25;
	s16 =	smov.u32 s25;
	[tilespmem:s25+$0x10] =	vst v23;
	v23 =	vor.u32 s30, v9;
	v28 =	vld.idx.msk [tilespmem:v28+s13+$0x0], $0xffff  }
0x174: {  	v24 =	vmul.f32 $8.000000000e+00, v24;
	[tilespmem:s25+$0xFFFFFF90] =	vst v27;
	v27 =	vld.idx.msk [tilespmem:v29+s13+$0x0], $0xffff;
	v29 =	vor.u32 s29, v9  }
0x175: {  	v31 =	vor.u32 s9, v10;
	v32 =	vld.idx.msk [tilespmem:v22+s13+$0x0], $0xffff;
	[tilespmem:s7+$0x30] =	vst v17;
	v17 =	vmul.f32 $8.000000000e+00, v21  }
0x176: {  	v33 =	vor.u32 s23, v14;
	v20 =	vmul.f32 $8.000000000e+00, v20;
	[tilespmem:s7+$0xFFFFFFB0] =	vst v24;
	v34 =	vld.idx.msk [tilespmem:v26+s13+$0x0], $0xffff  }
0x177: {  	v35 =	vor.u32 s21, v14;
	v16 =	vmul.f32 $8.000000000e+00, v16;
	v22 =	vld.idx.msk [tilespmem:v30+s13+$0x0], $0xffff;
	[tilespmem:s5+$0x50] =	vst v17  }
.Ltmp3:
0x178: {  	v25 =	vor.u32 s0, v13;
	v21 =	vmul.f32 $8.000000000e+00, v19;
	[tilespmem:s5+$0xFFFFFFD0] =	vst v20;
	v23 =	vld.idx.msk [tilespmem:v23+s13+$0x0], $0xffff;
	(pc) =	sbr.rel @p2 .LBB2_5-.Ltmp3, $4  }
0x179: {  	s25 =	sadd.s32 $0x100, s25;
	v24 =	vor.u32 s31, v13;
	v20 =	vmul.f32 $8.000000000e+00, v18;
	v17 =	vmul.f32 $8.000000000e+00, v28;
	v19 =	vld.idx.msk [tilespmem:v29+s13+$0x0], $0xffff;
	[tilespmem:s1+$0x70] =	vst v16  }
0x17a: {  	v16 =	vmul.f32 $8.000000000e+00, v27;
	v18 =	vld.idx.msk [tilespmem:v31+s13+$0x0], $0xffff;
	[tilespmem:s25+$0x0] =	vst v21;
	v21 =	vor.u32 s22, v8  }
0x17b: {  	v28 =	vmul.f32 $8.000000000e+00, v32;
	[tilespmem:s25+$0xFFFFFF80] =	vst v20;
	v26 =	vld.idx.msk [tilespmem:v33+s13+$0x0], $0xffff;
	v20 =	vor.u32 s8, v8  }
0x17c: {  	s9 =	sadd.s32 $0x2, s9;
	s18 =	sadd.s32 $0x1, s28;
	v29 =	vmul.f32 $8.000000000e+00, v34;
	v27 =	vld.idx.msk [tilespmem:v35+s13+$0x0], $0xffff;
	[tilespmem:s16+$0x20] =	vst v16;
	v16 =	vor.u32 s30, v11;
	s30 =	smov.u32 s22  }
0x17d: {  	v10 =	vor.u32 s18, v10;
	_ =	sdelay $0x4  }
0x17e: {  	v10 =	vld.idx.msk [tilespmem:v10+s13+$0x0], $0xffff;
	_ =	sdelay $0x2  }
0x17f: {  	v30 =	vor.u32 s18, v14  }
0x180: {  	v14 =	vor.u32 s28, v14  }
0x181: {  	v10 =	vmul.f32 $8.000000000e+00, v10  }
0x182: {  	s9 =	sadd.s32 $0x100, s25;
	v18 =	vmul.f32 $8.000000000e+00, v18  }
0x183: {  	[tilespmem:s9+$0x0] =	vst v10  }
0x184: {  	[tilespmem:s9+$0xFFFFFF80] =	vst v18;
	v10 =	vld.idx.msk [tilespmem:v30+s13+$0x0], $0xffff  }
0x185: {  	v18 =	vor.u32 s23, v15;
	v14 =	vld.idx.msk [tilespmem:v14+s13+$0x0], $0xffff  }
0x186: {  	v30 =	vor.u32 s21, v15  }
0x187: {  	v31 =	vor.u32 s18, v15;
	v26 =	vmul.f32 $8.000000000e+00, v26  }
0x188: {  	v27 =	vmul.f32 $8.000000000e+00, v27;
	v15 =	vor.u32 s28, v15  }
0x189: {  	[tilespmem:s25+$0x10] =	vst v26;
	v10 =	vmul.f32 $8.000000000e+00, v10  }
0x18a: {  	[tilespmem:s25+$0xFFFFFF90] =	vst v27;
	v18 =	vld.idx.msk [tilespmem:v18+s13+$0x0], $0xffff;
	v14 =	vmul.f32 $8.000000000e+00, v14  }
0x18b: {  	v26 =	vld.idx.msk [tilespmem:v30+s13+$0x0], $0xffff;
	[tilespmem:s9+$0x10] =	vst v10  }
0x18c: {  	[tilespmem:s9+$0xFFFFFF90] =	vst v14;
	v10 =	vld.idx.msk [tilespmem:v31+s13+$0x0], $0xffff  }
0x18d: {  	[tilespmem:s16+$0xFFFFFFA0] =	vst v28;
	v14 =	vmul.f32 $8.000000000e+00, v22;
	v22 =	vor.u32 s23, v13;
	v15 =	vld.idx.msk [tilespmem:v15+s13+$0x0], $0xffff  }
0x18e: {  	v23 =	vmul.f32 $8.000000000e+00, v23;
	[tilespmem:s7+$0x40] =	vst v29;
	v27 =	vor.u32 s21, v13  }
0x18f: {  	[tilespmem:s7+$0xFFFFFFC0] =	vst v14;
	v14 =	vmul.f32 $8.000000000e+00, v18;
	v18 =	vor.u32 s18, v13  }
0x190: {  	v25 =	vld.idx.msk [tilespmem:v25+s13+$0x0], $0xffff;
	[tilespmem:s5+$0x60] =	vst v23;
	v13 =	vor.u32 s28, v13;
	v23 =	vmul.f32 $8.000000000e+00, v26  }
0x191: {  	v24 =	vld.idx.msk [tilespmem:v24+s13+$0x0], $0xffff;
	[tilespmem:s25+$0x20] =	vst v14;
	v10 =	vmul.f32 $8.000000000e+00, v10  }
0x192: {  	v14 =	vld.idx.msk [tilespmem:v22+s13+$0x0], $0xffff;
	v15 =	vmul.f32 $8.000000000e+00, v15;
	[tilespmem:s25+$0xFFFFFFA0] =	vst v23  }
0x193: {  	v19 =	vmul.f32 $8.000000000e+00, v19;
	v22 =	vor.u32 s0, v12;
	v23 =	vld.idx.msk [tilespmem:v27+s13+$0x0], $0xffff;
	[tilespmem:s9+$0x20] =	vst v10  }
0x194: {  	[tilespmem:s9+$0xFFFFFFA0] =	vst v15;
	v10 =	vor.u32 s31, v12;
	v15 =	vld.idx.msk [tilespmem:v18+s13+$0x0], $0xffff  }
0x195: {  	[tilespmem:s5+$0xFFFFFFE0] =	vst v19;
	v19 =	vor.u32 s23, v12;
	v13 =	vld.idx.msk [tilespmem:v13+s13+$0x0], $0xffff;
	v18 =	vmul.f32 $8.000000000e+00, v25  }
0x196: {  	[tilespmem:s1+$0xFFFFFFF0] =	vst v17;
	v21 =	vld.idx.msk [tilespmem:v21+s13+$0x0], $0xffff;
	v17 =	vmul.f32 $8.000000000e+00, v24;
	v24 =	vor.u32 s21, v12  }
0x197: {  	v20 =	vld.idx.msk [tilespmem:v20+s13+$0x0], $0xffff;
	v14 =	vmul.f32 $8.000000000e+00, v14;
	[tilespmem:s16+$0x30] =	vst v18;
	v18 =	vor.u32 s18, v12  }
0x198: {  	[tilespmem:s16+$0xFFFFFFB0] =	vst v17;
	v12 =	vor.u32 s28, v12;
	v17 =	vld.idx.msk [tilespmem:v22+s13+$0x0], $0xffff;
	v22 =	vmul.f32 $8.000000000e+00, v23  }
0x199: {  	[tilespmem:s25+$0x30] =	vst v14;
	v10 =	vld.idx.msk [tilespmem:v10+s13+$0x0], $0xffff;
	v14 =	vmul.f32 $8.000000000e+00, v15  }
0x19a: {  	v19 =	vld.idx.msk [tilespmem:v19+s13+$0x0], $0xffff;
	v13 =	vmul.f32 $8.000000000e+00, v13;
	v15 =	vor.u32 s30, v9;
	[tilespmem:s25+$0xFFFFFFB0] =	vst v22  }
0x19b: {  	v21 =	vmul.f32 $8.000000000e+00, v21;
	v22 =	vor.u32 s0, v8;
	v23 =	vld.idx.msk [tilespmem:v24+s13+$0x0], $0xffff;
	[tilespmem:s9+$0x30] =	vst v14  }
0x19c: {  	[tilespmem:s9+$0xFFFFFFB0] =	vst v13;
	v14 =	vmul.f32 $8.000000000e+00, v20;
	v20 =	vor.u32 s31, v8;
	v13 =	vld.idx.msk [tilespmem:v18+s13+$0x0], $0xffff  }
0x19d: {  	[tilespmem:s7+$0x50] =	vst v21;
	v12 =	vld.idx.msk [tilespmem:v12+s13+$0x0], $0xffff;
	v17 =	vmul.f32 $8.000000000e+00, v17;
	v18 =	vor.u32 s23, v8  }
0x19e: {  	v16 =	vld.idx.msk [tilespmem:v16+s13+$0x0], $0xffff;
	[tilespmem:s7+$0xFFFFFFD0] =	vst v14;
	v10 =	vmul.f32 $8.000000000e+00, v10;
	v14 =	vor.u32 s21, v8  }
0x19f: {  	v15 =	vld.idx.msk [tilespmem:v15+s13+$0x0], $0xffff;
	[tilespmem:s16+$0x40] =	vst v17;
	v17 =	vmul.f32 $8.000000000e+00, v19;
	v19 =	vor.u32 s18, v8  }
0x1a0: {  	v8 =	vor.u32 s28, v8;
	[tilespmem:s16+$0xFFFFFFC0] =	vst v10;
	v10 =	vld.idx.msk [tilespmem:v22+s13+$0x0], $0xffff;
	v21 =	vmul.f32 $8.000000000e+00, v23  }
0x1a1: {  	v22 =	vor.u32 s8, v9;
	v20 =	vld.idx.msk [tilespmem:v20+s13+$0x0], $0xffff;
	[tilespmem:s25+$0x40] =	vst v17;
	v13 =	vmul.f32 $8.000000000e+00, v13  }
0x1a2: {  	v17 =	vor.u32 s29, v11;
	v12 =	vmul.f32 $8.000000000e+00, v12;
	[tilespmem:s25+$0xFFFFFFC0] =	vst v21;
	v18 =	vld.idx.msk [tilespmem:v18+s13+$0x0], $0xffff  }
0x1a3: {  	v16 =	vmul.f32 $8.000000000e+00, v16;
	v21 =	vor.u32 s0, v9;
	v14 =	vld.idx.msk [tilespmem:v14+s13+$0x0], $0xffff;
	[tilespmem:s9+$0x40] =	vst v13  }
0x1a4: {  	[tilespmem:s9+$0xFFFFFFC0] =	vst v12;
	v13 =	vmul.f32 $8.000000000e+00, v15;
	v15 =	vor.u32 s31, v9;
	v12 =	vld.idx.msk [tilespmem:v19+s13+$0x0], $0xffff  }
0x1a5: {  	[tilespmem:s5+$0x70] =	vst v16;
	v16 =	vor.u32 s23, v9;
	v8 =	vld.idx.msk [tilespmem:v8+s13+$0x0], $0xffff;
	v10 =	vmul.f32 $8.000000000e+00, v10  }
0x1a6: {  	v19 =	vld.idx.msk [tilespmem:v22+s13+$0x0], $0xffff;
	[tilespmem:s7+$0x60] =	vst v13;
	v13 =	vmul.f32 $8.000000000e+00, v20;
	v20 =	vor.u32 s21, v9  }
0x1a7: {  	v17 =	vld.idx.msk [tilespmem:v17+s13+$0x0], $0xffff;
	[tilespmem:s16+$0x50] =	vst v10;
	v10 =	vmul.f32 $8.000000000e+00, v18;
	v18 =	vor.u32 s18, v9  }
0x1a8: {  	v9 =	vor.u32 s28, v9;
	[tilespmem:s16+$0xFFFFFFD0] =	vst v13;
	v13 =	vld.idx.msk [tilespmem:v21+s13+$0x0], $0xffff;
	v14 =	vmul.f32 $8.000000000e+00, v14  }
0x1a9: {  	v21 =	vor.u32 s30, v11;
	v15 =	vld.idx.msk [tilespmem:v15+s13+$0x0], $0xffff;
	[tilespmem:s25+$0x50] =	vst v10;
	v10 =	vmul.f32 $8.000000000e+00, v12  }
0x1aa: {  	v8 =	vmul.f32 $8.000000000e+00, v8;
	v12 =	vor.u32 s8, v11;
	[tilespmem:s25+$0xFFFFFFD0] =	vst v14;
	v14 =	vld.idx.msk [tilespmem:v16+s13+$0x0], $0xffff  }
0x1ab: {  	v16 =	vmul.f32 $8.000000000e+00, v19;
	v19 =	vor.u32 s0, v11;
	v20 =	vld.idx.msk [tilespmem:v20+s13+$0x0], $0xffff;
	[tilespmem:s9+$0x50] =	vst v10  }
0x1ac: {  	[tilespmem:s9+$0xFFFFFFD0] =	vst v8;
	v10 =	vmul.f32 $8.000000000e+00, v17;
	v17 =	vor.u32 s31, v11;
	v8 =	vld.idx.msk [tilespmem:v18+s13+$0x0], $0xffff  }
0x1ad: {  	[tilespmem:s7+$0xFFFFFFE0] =	vst v16;
	v16 =	vor.u32 s23, v11;
	v9 =	vld.idx.msk [tilespmem:v9+s13+$0x0], $0xffff;
	v13 =	vmul.f32 $8.000000000e+00, v13  }
0x1ae: {  	v18 =	vld.idx.msk [tilespmem:v21+s13+$0x0], $0xffff;
	[tilespmem:s5+$0xFFFFFFF0] =	vst v10;
	v10 =	vmul.f32 $8.000000000e+00, v15;
	v15 =	vor.u32 s21, v11  }
0x1af: {  	v12 =	vld.idx.msk [tilespmem:v12+s13+$0x0], $0xffff;
	[tilespmem:s16+$0x60] =	vst v13;
	v13 =	vmul.f32 $8.000000000e+00, v14;
	v14 =	vor.u32 s18, v11  }
0x1b0: {  	v11 =	vor.u32 s28, v11;
	[tilespmem:s16+$0xFFFFFFE0] =	vst v10;
	v10 =	vld.idx.msk [tilespmem:v19+s13+$0x0], $0xffff;
	v19 =	vmul.f32 $8.000000000e+00, v20  }
0x1b1: {  	v17 =	vld.idx.msk [tilespmem:v17+s13+$0x0], $0xffff;
	[tilespmem:s25+$0x60] =	vst v13;
	v8 =	vmul.f32 $8.000000000e+00, v8  }
0x1b2: {  	v9 =	vmul.f32 $8.000000000e+00, v9;
	[tilespmem:s25+$0xFFFFFFE0] =	vst v19;
	v13 =	vld.idx.msk [tilespmem:v16+s13+$0x0], $0xffff  }
0x1b3: {  	v16 =	vmul.f32 $8.000000000e+00, v18;
	v15 =	vld.idx.msk [tilespmem:v15+s13+$0x0], $0xffff;
	[tilespmem:s9+$0x60] =	vst v8  }
0x1b4: {  	[tilespmem:s9+$0xFFFFFFE0] =	vst v9;
	v8 =	vmul.f32 $8.000000000e+00, v12;
	v9 =	vld.idx.msk [tilespmem:v14+s13+$0x0], $0xffff  }
0x1b5: {  	[tilespmem:s7+$0x70] =	vst v16;
	v11 =	vld.idx.msk [tilespmem:v11+s13+$0x0], $0xffff;
	v10 =	vmul.f32 $8.000000000e+00, v10  }
0x1b6: {  	[tilespmem:s7+$0xFFFFFFF0] =	vst v8;
	v8 =	vmul.f32 $8.000000000e+00, v17  }
0x1b7: {  	[tilespmem:s16+$0x70] =	vst v10;
	v10 =	vmul.f32 $8.000000000e+00, v13  }
0x1b8: {  	[tilespmem:s16+$0xFFFFFFF0] =	vst v8;
	v8 =	vmul.f32 $8.000000000e+00, v15  }
0x1b9: {  	s7 =	sshll.u32 s3, $0x12;
	[tilespmem:s25+$0x70] =	vst v10;
	v9 =	vmul.f32 $8.000000000e+00, v9  }
0x1ba: {  	s0 =	sor.u32 s6, s7;
	[tilespmem:s25+$0xFFFFFFF0] =	vst v8;
	v8 =	vmul.f32 $8.000000000e+00, v11  }
0x1bb: {  	s0 =	sshrl.u32 s0, $0x3;
	[tilespmem:s9+$0x70] =	vst v9  }
0x1bc: {  	s8 =	simm.s32 $0x18600;
	s0 =	sadd.s32 s2, s0;
	[tilespmem:s9+$0xFFFFFFF0] =	vst v8  }
0x1bd: {  	[hbm4b:s0+s19] =	stream.strided.scatter [tilespmem:s8], [sflag:$0x6], $0x2000, s20, s19, $0x38;
	[tilespmem:$0x1E600] =	vst v63  }
0x1be: {  	v8 =	vld @!p1 [tilespmem:s12+$0x280];
	_ =	sdelay $0x4  }
0x1bf: {  	v8 =	vshrl.u32 @!p1 v8, $0x1  }
0x1c0: {  	[tilespmem:$0x6480] =	vst @!p1 v8  }
0x1c1: {  	v8 =	vld @!p1 [tilespmem:s12+$0x290];
	_ =	sdelay $0x4  }
0x1c2: {  	v8 =	vshrl.u32 @!p1 v8, $0x1  }
0x1c3: {  	[tilespmem:$0x6490] =	vst @!p1 v8  }
0x1c4: {  	v8 =	vld @!p1 [tilespmem:s12+$0x2A0];
	_ =	sdelay $0x4  }
0x1c5: {  	v8 =	vshrl.u32 @!p1 v8, $0x1  }
0x1c6: {  	[tilespmem:$0x64A0] =	vst @!p1 v8  }
0x1c7: {  	v8 =	vld @!p1 [tilespmem:s12+$0x2B0];
	_ =	sdelay $0x4  }
0x1c8: {  	v8 =	vshrl.u32 @!p1 v8, $0x1  }
0x1c9: {  	[tilespmem:$0x64B0] =	vst @!p1 v8  }
0x1ca: {  	v8 =	vld @!p1 [tilespmem:s12+$0x2C0];
	_ =	sdelay $0x4  }
0x1cb: {  	v8 =	vshrl.u32 @!p1 v8, $0x1  }
0x1cc: {  	[tilespmem:$0x64C0] =	vst @!p1 v8  }
0x1cd: {  	v8 =	vld @!p1 [tilespmem:s12+$0x2D0];
	_ =	sdelay $0x4  }
0x1ce: {  	v8 =	vshrl.u32 @!p1 v8, $0x1  }
0x1cf: {  	[tilespmem:$0x64D0] =	vst @!p1 v8  }
0x1d0: {  	v8 =	vld @!p1 [tilespmem:s12+$0x2E0];
	_ =	sdelay $0x4  }
0x1d1: {  	v8 =	vshrl.u32 @!p1 v8, $0x1  }
0x1d2: {  	[tilespmem:$0x64E0] =	vst @!p1 v8  }
0x1d3: {  	v8 =	vld @!p1 [tilespmem:s12+$0x2F0];
	_ =	sdelay $0x4  }
0x1d4: {  	v8 =	vshrl.u32 @!p1 v8, $0x1  }
0x1d5: {  	s1 =	simm.s32 @!p1 $0x6480;
	s3 =	simm.s32 @!p1 $0xA600;
	s0 =	simm.s32 @!p1 $0x80;
	[tilespmem:$0x64F0] =	vst @!p1 v8  }
0x1d6: {  	[tilespmem:s3], [sflag:$0x2] =	stream.indirect.gather @!p1 [hbm4b:s4+s0], $0x80, s1, s0, $0xb8;
	[tilespmem:$0x1E600] =	vst v63  }
0x1d7: {  	_ =	swait.ge [sflag:s24], $0x4000  }
0x1d8: {  	[sflag:s24] =	ssyncset.done $0x0  }
0x1d9: {  	s0 =	simm.s32 @!p0 $0x7;
	[sflag:s24] =	ssyncadd.s32 $0xFFFFC000  }
0x1da: {  	s3 =	sor.u32 $0x2, s14;
	_ =	swait.ge @!p0 [sflag:s0], $0x2000  }
0x1db: {  	s9 =	sshll.u32 s3, $0x7;
	[sflag:s0] =	ssyncset.done @!p0 $0x0  }
0x1dc: {  	s16 =	sand.u32 $0x3FFFFF80, s9;
	[sflag:s0] =	ssyncadd.s32 @!p0 $0xFFFFE000  }
0x1dd: {  	v8 =	vld [tilespmem:s16+$0x0];
	_ =	sdelay $0x4  }
0x1de: {  	v8 =	vshll.u32 v8, $0x6  }
0x1df: {  	v8 =	vand.u32 $0x40, v8  }
0x1e0: {  	s18 =	simm.s32 $0x1;
	v10 =	vor.u32 v0, v8  }
0x1e1: {  	s9 =	simm.s32 $0x0;
	v8 =	vld [tilespmem:s16+$0x10];
	v9 =	vor.u32 s18, v10  }
0x1e2: {  	v11 =	vor.u32 s9, v10;
	_ =	sdelay $0x3  }
0x1e3: {  	v8 =	vshll.u32 v8, $0x6;
	v9 =	vld.idx.msk [tilespmem:v9+s15+$0x0], $0xffff  }
0x1e4: {  	v8 =	vand.u32 $0x40, v8;
	v13 =	vld.idx.msk [tilespmem:v11+s15+$0x0], $0xffff  }
0x1e5: {  	v12 =	vld [tilespmem:s16+$0x20];
	v14 =	vor.u32 v1, v8  }
0x1e6: {  	v16 =	vld [tilespmem:s16+$0x30];
	v15 =	vor.u32 s18, v14  }
0x1e7: {  	v17 =	vld [tilespmem:s16+$0x50];
	v18 =	vor.u32 s9, v14  }
0x1e8: {  	v19 =	vld [tilespmem:s16+$0x60];
	v9 =	vmul.f32 $8.000000000e+00, v9  }
0x1e9: {  	s21 =	simm.s32 $0x1A680;
	v11 =	vld [tilespmem:s16+$0x70];
	v13 =	vmul.f32 $8.000000000e+00, v13  }
0x1ea: {  	v8 =	vld [tilespmem:s16+$0x40];
	[tilespmem:s21+$0x0] =	vst v9  }
0x1eb: {  	s22 =	simm.s32 $0x3;
	v9 =	vshll.u32 v12, $0x6;
	[tilespmem:s21+$0xFFFFFF80] =	vst v13;
	v12 =	vld.idx.msk [tilespmem:v15+s15+$0x0], $0xffff  }
0x1ec: {  	s29 =	simm.s32 $0x2;
	v9 =	vand.u32 $0x40, v9;
	v13 =	vld.idx.msk [tilespmem:v18+s15+$0x0], $0xffff;
	v18 =	vor.u32 s22, v10  }
0x1ed: {  	v15 =	vor.u32 v2, v9;
	v9 =	vor.u32 s29, v10  }
0x1ee: {  	v20 =	vor.u32 s18, v15  }
0x1ef: {  	v21 =	vor.u32 s9, v15  }
0x1f0: {  	v12 =	vmul.f32 $8.000000000e+00, v12  }
0x1f1: {  	v18 =	vld.idx.msk [tilespmem:v18+s15+$0x0], $0xffff;
	v13 =	vmul.f32 $8.000000000e+00, v13  }
0x1f2: {  	v9 =	vld.idx.msk [tilespmem:v9+s15+$0x0], $0xffff;
	[tilespmem:s21+$0x10] =	vst v12  }
0x1f3: {  	v12 =	vshll.u32 v16, $0x6;
	[tilespmem:s21+$0xFFFFFF90] =	vst v13;
	v16 =	vld.idx.msk [tilespmem:v20+s15+$0x0], $0xffff  }
0x1f4: {  	v12 =	vand.u32 $0x40, v12;
	v20 =	vld.idx.msk [tilespmem:v21+s15+$0x0], $0xffff;
	v21 =	vor.u32 s22, v14  }
0x1f5: {  	v13 =	vor.u32 v3, v12;
	v12 =	vor.u32 s29, v14  }
0x1f6: {  	v18 =	vmul.f32 $8.000000000e+00, v18;
	v22 =	vor.u32 s18, v13  }
0x1f7: {  	s5 =	simm.s32 $0x1A780;
	v23 =	vor.u32 s9, v13;
	v9 =	vmul.f32 $8.000000000e+00, v9  }
0x1f8: {  	[tilespmem:s5+$0x0] =	vst v18;
	v16 =	vmul.f32 $8.000000000e+00, v16  }
0x1f9: {  	s30 =	simm.s32 $0x5;
	[tilespmem:s5+$0xFFFFFF80] =	vst v9;
	v9 =	vld.idx.msk [tilespmem:v21+s15+$0x0], $0xffff;
	v18 =	vmul.f32 $8.000000000e+00, v20  }
0x1fa: {  	s8 =	simm.s32 $0x4;
	v20 =	vld.idx.msk [tilespmem:v12+s15+$0x0], $0xffff;
	[tilespmem:s21+$0x20] =	vst v16;
	v16 =	vor.u32 s30, v10  }
0x1fb: {  	v8 =	vshll.u32 v8, $0x6;
	v21 =	vor.u32 s8, v10;
	[tilespmem:s21+$0xFFFFFFA0] =	vst v18;
	v18 =	vld.idx.msk [tilespmem:v22+s15+$0x0], $0xffff  }
0x1fc: {  	v8 =	vand.u32 $0x40, v8;
	v22 =	vld.idx.msk [tilespmem:v23+s15+$0x0], $0xffff;
	v23 =	vor.u32 s22, v15  }
0x1fd: {  	v12 =	vor.u32 v4, v8;
	v8 =	vor.u32 s29, v15  }
0x1fe: {  	v24 =	vor.u32 s18, v12;
	v9 =	vmul.f32 $8.000000000e+00, v9  }
0x1ff: {  	v25 =	vor.u32 s9, v12;
	v20 =	vmul.f32 $8.000000000e+00, v20;
	v16 =	vld.idx.msk [tilespmem:v16+s15+$0x0], $0xffff  }
0x200: {  	v21 =	vld.idx.msk [tilespmem:v21+s15+$0x0], $0xffff;
	[tilespmem:s5+$0x10] =	vst v9;
	v9 =	vmul.f32 $8.000000000e+00, v18  }
0x201: {  	[tilespmem:s5+$0xFFFFFF90] =	vst v20;
	v18 =	vld.idx.msk [tilespmem:v23+s15+$0x0], $0xffff;
	v20 =	vmul.f32 $8.000000000e+00, v22  }
0x202: {  	v22 =	vld.idx.msk [tilespmem:v8+s15+$0x0], $0xffff;
	[tilespmem:s21+$0x30] =	vst v9;
	v9 =	vor.u32 s30, v14  }
0x203: {  	v8 =	vshll.u32 v17, $0x6;
	[tilespmem:s21+$0xFFFFFFB0] =	vst v20;
	v20 =	vor.u32 s8, v14;
	v17 =	vld.idx.msk [tilespmem:v24+s15+$0x0], $0xffff  }
0x204: {  	v8 =	vand.u32 $0x40, v8;
	v23 =	vld.idx.msk [tilespmem:v25+s15+$0x0], $0xffff;
	v24 =	vor.u32 s22, v13;
	v16 =	vmul.f32 $8.000000000e+00, v16  }
0x205: {  	s7 =	simm.s32 $0x1A880;
	v21 =	vmul.f32 $8.000000000e+00, v21;
	v8 =	vor.u32 v5, v8;
	v25 =	vor.u32 s29, v13  }
0x206: {  	[tilespmem:s7+$0x0] =	vst v16;
	v16 =	vmul.f32 $8.000000000e+00, v18;
	v18 =	vor.u32 s18, v8  }
0x207: {  	s31 =	simm.s32 $0x6;
	[tilespmem:s7+$0xFFFFFF80] =	vst v21;
	v21 =	vmul.f32 $8.000000000e+00, v22;
	v22 =	vor.u32 s9, v8;
	v9 =	vld.idx.msk [tilespmem:v9+s15+$0x0], $0xffff  }
0x208: {  	s0 =	simm.s32 $0x7;
	v26 =	vor.u32 s31, v10;
	v20 =	vld.idx.msk [tilespmem:v20+s15+$0x0], $0xffff;
	[tilespmem:s5+$0x20] =	vst v16;
	v16 =	vmul.f32 $8.000000000e+00, v17  }
0x209: {  	s16 =	simm.s32 $0x8;
	v17 =	vor.u32 s0, v10;
	[tilespmem:s5+$0xFFFFFFA0] =	vst v21;
	v23 =	vmul.f32 $8.000000000e+00, v23;
	v21 =	vld.idx.msk [tilespmem:v24+s15+$0x0], $0xffff  }
0x20a: {  	v28 =	vor.u32 s16, v10;
	v24 =	vld.idx.msk [tilespmem:v25+s15+$0x0], $0xffff;
	[tilespmem:s21+$0x40] =	vst v16  }
0x20b: {  	v19 =	vshll.u32 v19, $0x6;
	v16 =	vor.u32 s30, v15;
	[tilespmem:s21+$0xFFFFFFC0] =	vst v23;
	v18 =	vld.idx.msk [tilespmem:v18+s15+$0x0], $0xffff  }
0x20c: {  	v19 =	vand.u32 $0x40, v19;
	v23 =	vor.u32 s8, v15;
	v22 =	vld.idx.msk [tilespmem:v22+s15+$0x0], $0xffff  }
0x20d: {  	v27 =	vor.u32 s22, v12;
	v25 =	vmul.f32 $8.000000000e+00, v9;
	v9 =	vor.u32 v6, v19;
	v19 =	vld.idx.msk [tilespmem:v26+s15+$0x0], $0xffff  }
0x20e: {  	v20 =	vmul.f32 $8.000000000e+00, v20;
	v26 =	vor.u32 s29, v12;
	v17 =	vld.idx.msk [tilespmem:v17+s15+$0x0], $0xffff  }
0x20f: {  	v28 =	vld.idx.msk [tilespmem:v28+s15+$0x0], $0xffff;
	[tilespmem:s7+$0x10] =	vst v25;
	v21 =	vmul.f32 $8.000000000e+00, v21;
	v25 =	vor.u32 s18, v9  }
0x210: {  	[tilespmem:s7+$0xFFFFFF90] =	vst v20;
	v20 =	vmul.f32 $8.000000000e+00, v24;
	v24 =	vor.u32 s9, v9;
	v16 =	vld.idx.msk [tilespmem:v16+s15+$0x0], $0xffff  }
0x211: {  	v23 =	vld.idx.msk [tilespmem:v23+s15+$0x0], $0xffff;
	[tilespmem:s5+$0x30] =	vst v21;
	v18 =	vmul.f32 $8.000000000e+00, v18;
	v21 =	vor.u32 s0, v14  }
0x212: {  	[tilespmem:s5+$0xFFFFFFB0] =	vst v20;
	v22 =	vmul.f32 $8.000000000e+00, v22;
	v20 =	vld.idx.msk [tilespmem:v27+s15+$0x0], $0xffff;
	v27 =	vor.u32 s31, v14  }
0x213: {  	v26 =	vld.idx.msk [tilespmem:v26+s15+$0x0], $0xffff;
	[tilespmem:s21+$0x50] =	vst v18;
	v17 =	vmul.f32 $8.000000000e+00, v17;
	v18 =	vor.u32 s30, v13  }
0x214: {  	s1 =	simm.s32 $0x1A980;
	v11 =	vshll.u32 v11, $0x6;
	v19 =	vmul.f32 $8.000000000e+00, v19;
	[tilespmem:s21+$0xFFFFFFD0] =	vst v22;
	v22 =	vld.idx.msk [tilespmem:v25+s15+$0x0], $0xffff;
	v25 =	vor.u32 s8, v13  }
0x215: {  	v11 =	vand.u32 $0x40, v11;
	v24 =	vld.idx.msk [tilespmem:v24+s15+$0x0], $0xffff;
	[tilespmem:s1+$0x0] =	vst v17;
	v16 =	vmul.f32 $8.000000000e+00, v16;
	v17 =	vor.u32 s22, v8  }
0x216: {  	v11 =	vor.u32 v7, v11;
	[tilespmem:s1+$0xFFFFFF80] =	vst v19;
	v19 =	vld.idx.msk [tilespmem:v21+s15+$0x0], $0xffff;
	v21 =	vmul.f32 $8.000000000e+00, v23;
	v23 =	vor.u32 s29, v8  }
0x217: {  	s23 =	simm.s32 $0x9;
	v27 =	vld.idx.msk [tilespmem:v27+s15+$0x0], $0xffff;
	[tilespmem:s7+$0x20] =	vst v16;
	v16 =	vmul.f32 $8.000000000e+00, v20;
	v20 =	vor.u32 s18, v11  }
0x218: {  	v29 =	vor.u32 s23, v10;
	[tilespmem:s7+$0xFFFFFFA0] =	vst v21;
	v18 =	vld.idx.msk [tilespmem:v18+s15+$0x0], $0xffff;
	v21 =	vmul.f32 $8.000000000e+00, v26  }
0x219: {  	v25 =	vld.idx.msk [tilespmem:v25+s15+$0x0], $0xffff;
	[tilespmem:s5+$0x40] =	vst v16;
	v16 =	vor.u32 s9, v11;
	v22 =	vmul.f32 $8.000000000e+00, v22  }
0x21a: {  	v26 =	vor.u32 s0, v15;
	[tilespmem:s5+$0xFFFFFFC0] =	vst v21;
	v17 =	vld.idx.msk [tilespmem:v17+s15+$0x0], $0xffff  }
0x21b: {  	v21 =	vmul.f32 $8.000000000e+00, v24;
	v24 =	vor.u32 s31, v15;
	v23 =	vld.idx.msk [tilespmem:v23+s15+$0x0], $0xffff;
	[tilespmem:s21+$0x60] =	vst v22  }
0x21c: {  	v19 =	vmul.f32 $8.000000000e+00, v19;
	v22 =	vor.u32 s30, v12;
	v20 =	vld.idx.msk [tilespmem:v20+s15+$0x0], $0xffff  }
0x21d: {  	[tilespmem:s21+$0xFFFFFFE0] =	vst v21;
	v21 =	vld.idx.msk [tilespmem:v29+s15+$0x0], $0xffff;
	v27 =	vmul.f32 $8.000000000e+00, v27;
	v29 =	vor.u32 s8, v12  }
0x21e: {  	[tilespmem:s1+$0x10] =	vst v19;
	v18 =	vmul.f32 $8.000000000e+00, v18;
	v19 =	vor.u32 s22, v9;
	v16 =	vld.idx.msk [tilespmem:v16+s15+$0x0], $0xffff  }
0x21f: {  	s28 =	simm.s32 $0xA;
	[tilespmem:s1+$0xFFFFFF90] =	vst v27;
	v26 =	vld.idx.msk [tilespmem:v26+s15+$0x0], $0xffff;
	v25 =	vmul.f32 $8.000000000e+00, v25;
	v27 =	vor.u32 s29, v9  }
0x220: {  	v30 =	vor.u32 s28, v10;
	v31 =	vld.idx.msk [tilespmem:v24+s15+$0x0], $0xffff;
	[tilespmem:s7+$0x30] =	vst v18;
	v17 =	vmul.f32 $8.000000000e+00, v17  }
0x221: {  	v34 =	vor.u32 s16, v14;
	[tilespmem:s7+$0xFFFFFFB0] =	vst v25;
	v33 =	vld.idx.msk [tilespmem:v22+s15+$0x0], $0xffff;
	v18 =	vmul.f32 $8.000000000e+00, v23  }
0x222: {  	v32 =	vor.u32 s23, v14;
	v28 =	vmul.f32 $8.000000000e+00, v28;
	v22 =	vld.idx.msk [tilespmem:v29+s15+$0x0], $0xffff;
	[tilespmem:s5+$0x50] =	vst v17  }
0x223: {  	s25 =	simm.s32 $0x1AA80;
	v25 =	vor.u32 s0, v13;
	v17 =	vmul.f32 $8.000000000e+00, v20;
	[tilespmem:s5+$0xFFFFFFD0] =	vst v18;
	v19 =	vld.idx.msk [tilespmem:v19+s15+$0x0], $0xffff  }
0x224: {  	[tilespmem:s25+$0xFFFFFF80] =	vst v28;
	v24 =	vor.u32 s31, v13;
	v20 =	vmul.f32 $8.000000000e+00, v21;
	v18 =	vld.idx.msk [tilespmem:v27+s15+$0x0], $0xffff  }
0x225: {  	v21 =	vor.u32 s30, v8;
	[tilespmem:s21+$0x70] =	vst v17;
	v17 =	vld.idx.msk [tilespmem:v30+s15+$0x0], $0xffff;
	v29 =	vmul.f32 $8.000000000e+00, v26  }
0x226: {  	[tilespmem:s25+$0x0] =	vst v20;
	v20 =	vor.u32 s8, v8;
	v27 =	vld.idx.msk [tilespmem:v34+s15+$0x0], $0xffff;
	v28 =	vmul.f32 $8.000000000e+00, v31  }
0x227: {  	s18 =	simm.s32 $0xB;
	s9 =	simm.s32 $0xC;
	v23 =	vmul.f32 $8.000000000e+00, v16;
	v16 =	vor.u32 s22, v11;
	v26 =	vld.idx.msk [tilespmem:v32+s15+$0x0], $0xffff;
	[tilespmem:s1+$0x20] =	vst v29;
	v29 =	vmul.f32 $8.000000000e+00, v33  }
.LBB2_7:
0x228: {  	p2 =	slt.u32 s9, $0x3E;
	v30 =	vor.u32 s18, v10;
	[tilespmem:s1+$0xFFFFFFA0] =	vst v28;
	v25 =	vld.idx.msk [tilespmem:v25+s15+$0x0], $0xffff;
	v22 =	vmul.f32 $8.000000000e+00, v22;
	s22 =	smov.u32 s0;
	s0 =	smov.u32 s23  }
0x229: {  	v28 =	vor.u32 s29, v11;
	v19 =	vmul.f32 $8.000000000e+00, v19;
	s23 =	smov.u32 s18;
	s29 =	smov.u32 s8;
	s8 =	smov.u32 s31;
	v24 =	vld.idx.msk [tilespmem:v24+s15+$0x0], $0xffff;
	[tilespmem:s7+$0x40] =	vst v29  }
0x22a: {  	s31 =	smov.u32 s16;
	s16 =	smov.u32 s28;
	s28 =	smov.u32 s9;
	v29 =	vor.u32 s0, v15;
	v18 =	vmul.f32 $8.000000000e+00, v18;
	[tilespmem:s7+$0xFFFFFFC0] =	vst v22;
	v21 =	vld.idx.msk [tilespmem:v21+s15+$0x0], $0xffff  }
0x22b: {  	v22 =	vor.u32 s31, v15;
	v20 =	vld.idx.msk [tilespmem:v20+s15+$0x0], $0xffff;
	[tilespmem:s5+$0x60] =	vst v19  }
0x22c: {  	v19 =	vmul.f32 $8.000000000e+00, v26;
	v26 =	vor.u32 s22, v12;
	[tilespmem:s5+$0xFFFFFFE0] =	vst v18;
	v16 =	vld.idx.msk [tilespmem:v16+s15+$0x0], $0xffff  }
0x22d: {  	v27 =	vmul.f32 $8.000000000e+00, v27;
	v18 =	vld.idx.msk [tilespmem:v30+s15+$0x0], $0xffff;
	v30 =	vor.u32 s8, v12;
	[tilespmem:s21+$0xFFFFFFF0] =	vst v23;
	s21 =	smov.u32 s5;
	s5 =	smov.u32 s7;
	s7 =	smov.u32 s1  }
0x22e: {  	v23 =	vor.u32 s30, v9;
	s1 =	smov.u32 s25;
	[tilespmem:s25+$0x10] =	vst v19;
	v19 =	vmul.f32 $8.000000000e+00, v25;
	v28 =	vld.idx.msk [tilespmem:v28+s15+$0x0], $0xffff  }
0x22f: {  	v24 =	vmul.f32 $8.000000000e+00, v24;
	[tilespmem:s25+$0xFFFFFF90] =	vst v27;
	v27 =	vld.idx.msk [tilespmem:v29+s15+$0x0], $0xffff;
	v29 =	vor.u32 s29, v9  }
0x230: {  	v31 =	vor.u32 s9, v10;
	v32 =	vld.idx.msk [tilespmem:v22+s15+$0x0], $0xffff;
	[tilespmem:s7+$0x30] =	vst v19;
	v19 =	vmul.f32 $8.000000000e+00, v21  }
0x231: {  	v33 =	vor.u32 s23, v14;
	v20 =	vmul.f32 $8.000000000e+00, v20;
	[tilespmem:s7+$0xFFFFFFB0] =	vst v24;
	v34 =	vld.idx.msk [tilespmem:v26+s15+$0x0], $0xffff  }
0x232: {  	v35 =	vor.u32 s16, v14;
	v16 =	vmul.f32 $8.000000000e+00, v16;
	v22 =	vld.idx.msk [tilespmem:v30+s15+$0x0], $0xffff;
	[tilespmem:s5+$0x50] =	vst v19  }
.Ltmp4:
0x233: {  	v25 =	vor.u32 s0, v13;
	v21 =	vmul.f32 $8.000000000e+00, v18;
	[tilespmem:s5+$0xFFFFFFD0] =	vst v20;
	v19 =	vld.idx.msk [tilespmem:v23+s15+$0x0], $0xffff;
	(pc) =	sbr.rel @p2 .LBB2_7-.Ltmp4, $4  }
0x234: {  	s25 =	sadd.s32 $0x100, s25;
	v24 =	vor.u32 s31, v13;
	v20 =	vmul.f32 $8.000000000e+00, v17;
	v23 =	vmul.f32 $8.000000000e+00, v28;
	v18 =	vld.idx.msk [tilespmem:v29+s15+$0x0], $0xffff;
	[tilespmem:s21+$0x70] =	vst v16  }
0x235: {  	v16 =	vmul.f32 $8.000000000e+00, v27;
	v17 =	vld.idx.msk [tilespmem:v31+s15+$0x0], $0xffff;
	[tilespmem:s25+$0x0] =	vst v21;
	v21 =	vor.u32 s22, v8  }
0x236: {  	v28 =	vmul.f32 $8.000000000e+00, v32;
	[tilespmem:s25+$0xFFFFFF80] =	vst v20;
	v26 =	vld.idx.msk [tilespmem:v33+s15+$0x0], $0xffff;
	v20 =	vor.u32 s8, v8  }
0x237: {  	s9 =	sadd.s32 $0x2, s9;
	s18 =	sadd.s32 $0x1, s28;
	v29 =	vmul.f32 $8.000000000e+00, v34;
	v27 =	vld.idx.msk [tilespmem:v35+s15+$0x0], $0xffff;
	[tilespmem:s1+$0x20] =	vst v16;
	v16 =	vor.u32 s30, v11;
	s30 =	smov.u32 s22  }
0x238: {  	v10 =	vor.u32 s18, v10;
	_ =	sdelay $0x4  }
0x239: {  	v10 =	vld.idx.msk [tilespmem:v10+s15+$0x0], $0xffff;
	_ =	sdelay $0x2  }
0x23a: {  	v30 =	vor.u32 s18, v14  }
0x23b: {  	v14 =	vor.u32 s28, v14  }
0x23c: {  	v10 =	vmul.f32 $8.000000000e+00, v10  }
0x23d: {  	s9 =	sadd.s32 $0x100, s25;
	v17 =	vmul.f32 $8.000000000e+00, v17  }
0x23e: {  	[tilespmem:s9+$0x0] =	vst v10  }
0x23f: {  	[tilespmem:s9+$0xFFFFFF80] =	vst v17;
	v10 =	vld.idx.msk [tilespmem:v30+s15+$0x0], $0xffff  }
0x240: {  	v17 =	vor.u32 s23, v15;
	v14 =	vld.idx.msk [tilespmem:v14+s15+$0x0], $0xffff  }
0x241: {  	v30 =	vor.u32 s16, v15  }
0x242: {  	v31 =	vor.u32 s18, v15;
	v26 =	vmul.f32 $8.000000000e+00, v26  }
0x243: {  	v27 =	vmul.f32 $8.000000000e+00, v27;
	v15 =	vor.u32 s28, v15  }
0x244: {  	[tilespmem:s25+$0x10] =	vst v26;
	v10 =	vmul.f32 $8.000000000e+00, v10  }
0x245: {  	[tilespmem:s25+$0xFFFFFF90] =	vst v27;
	v17 =	vld.idx.msk [tilespmem:v17+s15+$0x0], $0xffff;
	v14 =	vmul.f32 $8.000000000e+00, v14  }
0x246: {  	v26 =	vld.idx.msk [tilespmem:v30+s15+$0x0], $0xffff;
	[tilespmem:s9+$0x10] =	vst v10  }
0x247: {  	[tilespmem:s9+$0xFFFFFF90] =	vst v14;
	v10 =	vld.idx.msk [tilespmem:v31+s15+$0x0], $0xffff  }
0x248: {  	[tilespmem:s21+$0xFFFFFFF0] =	vst v23;
	v14 =	vor.u32 s23, v13;
	v15 =	vld.idx.msk [tilespmem:v15+s15+$0x0], $0xffff  }
0x249: {  	[tilespmem:s1+$0xFFFFFFA0] =	vst v28;
	v22 =	vmul.f32 $8.000000000e+00, v22;
	v23 =	vor.u32 s16, v13  }
0x24a: {  	[tilespmem:s7+$0x40] =	vst v29;
	v27 =	vor.u32 s18, v13;
	v17 =	vmul.f32 $8.000000000e+00, v17  }
0x24b: {  	v25 =	vld.idx.msk [tilespmem:v25+s15+$0x0], $0xffff;
	[tilespmem:s7+$0xFFFFFFC0] =	vst v22;
	v13 =	vor.u32 s28, v13;
	v22 =	vmul.f32 $8.000000000e+00, v26  }
0x24c: {  	v24 =	vld.idx.msk [tilespmem:v24+s15+$0x0], $0xffff;
	[tilespmem:s25+$0x20] =	vst v17;
	v10 =	vmul.f32 $8.000000000e+00, v10  }
0x24d: {  	v14 =	vld.idx.msk [tilespmem:v14+s15+$0x0], $0xffff;
	v15 =	vmul.f32 $8.000000000e+00, v15;
	[tilespmem:s25+$0xFFFFFFA0] =	vst v22  }
0x24e: {  	v17 =	vmul.f32 $8.000000000e+00, v19;
	v19 =	vor.u32 s0, v12;
	v22 =	vld.idx.msk [tilespmem:v23+s15+$0x0], $0xffff;
	[tilespmem:s9+$0x20] =	vst v10  }
0x24f: {  	[tilespmem:s9+$0xFFFFFFA0] =	vst v15;
	v10 =	vmul.f32 $8.000000000e+00, v18;
	v18 =	vor.u32 s31, v12;
	v15 =	vld.idx.msk [tilespmem:v27+s15+$0x0], $0xffff  }
0x250: {  	[tilespmem:s5+$0x60] =	vst v17;
	v17 =	vmul.f32 $8.000000000e+00, v25;
	v23 =	vor.u32 s23, v12;
	v13 =	vld.idx.msk [tilespmem:v13+s15+$0x0], $0xffff  }
0x251: {  	v21 =	vld.idx.msk [tilespmem:v21+s15+$0x0], $0xffff;
	[tilespmem:s5+$0xFFFFFFE0] =	vst v10;
	v10 =	vmul.f32 $8.000000000e+00, v24;
	v24 =	vor.u32 s16, v12  }
0x252: {  	v20 =	vld.idx.msk [tilespmem:v20+s15+$0x0], $0xffff;
	[tilespmem:s1+$0x30] =	vst v17;
	v17 =	vor.u32 s18, v12;
	v14 =	vmul.f32 $8.000000000e+00, v14  }
0x253: {  	v12 =	vor.u32 s28, v12;
	[tilespmem:s1+$0xFFFFFFB0] =	vst v10;
	v10 =	vld.idx.msk [tilespmem:v19+s15+$0x0], $0xffff;
	v19 =	vmul.f32 $8.000000000e+00, v22  }
0x254: {  	[tilespmem:s25+$0x30] =	vst v14;
	v18 =	vld.idx.msk [tilespmem:v18+s15+$0x0], $0xffff;
	v14 =	vmul.f32 $8.000000000e+00, v15  }
0x255: {  	v13 =	vmul.f32 $8.000000000e+00, v13;
	v15 =	vor.u32 s30, v9;
	[tilespmem:s25+$0xFFFFFFB0] =	vst v19;
	v19 =	vld.idx.msk [tilespmem:v23+s15+$0x0], $0xffff  }
0x256: {  	v21 =	vmul.f32 $8.000000000e+00, v21;
	v22 =	vor.u32 s0, v8;
	v23 =	vld.idx.msk [tilespmem:v24+s15+$0x0], $0xffff;
	[tilespmem:s9+$0x30] =	vst v14  }
0x257: {  	[tilespmem:s9+$0xFFFFFFB0] =	vst v13;
	v14 =	vmul.f32 $8.000000000e+00, v20;
	v20 =	vor.u32 s31, v8;
	v13 =	vld.idx.msk [tilespmem:v17+s15+$0x0], $0xffff  }
0x258: {  	[tilespmem:s7+$0x50] =	vst v21;
	v12 =	vld.idx.msk [tilespmem:v12+s15+$0x0], $0xffff;
	v10 =	vmul.f32 $8.000000000e+00, v10;
	v17 =	vor.u32 s23, v8  }
0x259: {  	v16 =	vld.idx.msk [tilespmem:v16+s15+$0x0], $0xffff;
	[tilespmem:s7+$0xFFFFFFD0] =	vst v14;
	v14 =	vmul.f32 $8.000000000e+00, v18;
	v18 =	vor.u32 s16, v8  }
0x25a: {  	v15 =	vld.idx.msk [tilespmem:v15+s15+$0x0], $0xffff;
	[tilespmem:s1+$0x40] =	vst v10;
	v10 =	vmul.f32 $8.000000000e+00, v19;
	v19 =	vor.u32 s18, v8  }
0x25b: {  	v8 =	vor.u32 s28, v8;
	[tilespmem:s1+$0xFFFFFFC0] =	vst v14;
	v14 =	vld.idx.msk [tilespmem:v22+s15+$0x0], $0xffff;
	v21 =	vmul.f32 $8.000000000e+00, v23  }
0x25c: {  	v22 =	vor.u32 s8, v9;
	v20 =	vld.idx.msk [tilespmem:v20+s15+$0x0], $0xffff;
	[tilespmem:s25+$0x40] =	vst v10;
	v10 =	vmul.f32 $8.000000000e+00, v13  }
0x25d: {  	v12 =	vmul.f32 $8.000000000e+00, v12;
	v13 =	vor.u32 s29, v11;
	[tilespmem:s25+$0xFFFFFFC0] =	vst v21;
	v17 =	vld.idx.msk [tilespmem:v17+s15+$0x0], $0xffff  }
0x25e: {  	v16 =	vmul.f32 $8.000000000e+00, v16;
	v21 =	vor.u32 s0, v9;
	v18 =	vld.idx.msk [tilespmem:v18+s15+$0x0], $0xffff;
	[tilespmem:s9+$0x40] =	vst v10  }
0x25f: {  	[tilespmem:s9+$0xFFFFFFC0] =	vst v12;
	v10 =	vmul.f32 $8.000000000e+00, v15;
	v15 =	vor.u32 s31, v9;
	v12 =	vld.idx.msk [tilespmem:v19+s15+$0x0], $0xffff  }
0x260: {  	[tilespmem:s5+$0x70] =	vst v16;
	v16 =	vor.u32 s23, v9;
	v8 =	vld.idx.msk [tilespmem:v8+s15+$0x0], $0xffff;
	v14 =	vmul.f32 $8.000000000e+00, v14  }
0x261: {  	v19 =	vld.idx.msk [tilespmem:v22+s15+$0x0], $0xffff;
	[tilespmem:s7+$0x60] =	vst v10;
	v10 =	vmul.f32 $8.000000000e+00, v20;
	v20 =	vor.u32 s16, v9  }
0x262: {  	v13 =	vld.idx.msk [tilespmem:v13+s15+$0x0], $0xffff;
	[tilespmem:s1+$0x50] =	vst v14;
	v14 =	vmul.f32 $8.000000000e+00, v17;
	v17 =	vor.u32 s18, v9  }
0x263: {  	v9 =	vor.u32 s28, v9;
	[tilespmem:s1+$0xFFFFFFD0] =	vst v10;
	v10 =	vld.idx.msk [tilespmem:v21+s15+$0x0], $0xffff;
	v18 =	vmul.f32 $8.000000000e+00, v18  }
0x264: {  	v21 =	vor.u32 s30, v11;
	v15 =	vld.idx.msk [tilespmem:v15+s15+$0x0], $0xffff;
	[tilespmem:s25+$0x50] =	vst v14;
	v12 =	vmul.f32 $8.000000000e+00, v12  }
0x265: {  	v14 =	vor.u32 s8, v11;
	v8 =	vmul.f32 $8.000000000e+00, v8;
	[tilespmem:s25+$0xFFFFFFD0] =	vst v18;
	v16 =	vld.idx.msk [tilespmem:v16+s15+$0x0], $0xffff  }
0x266: {  	v18 =	vmul.f32 $8.000000000e+00, v19;
	v19 =	vor.u32 s0, v11;
	v20 =	vld.idx.msk [tilespmem:v20+s15+$0x0], $0xffff;
	[tilespmem:s9+$0x50] =	vst v12  }
0x267: {  	[tilespmem:s9+$0xFFFFFFD0] =	vst v8;
	v12 =	vmul.f32 $8.000000000e+00, v13;
	v13 =	vor.u32 s31, v11;
	v8 =	vld.idx.msk [tilespmem:v17+s15+$0x0], $0xffff  }
0x268: {  	[tilespmem:s7+$0xFFFFFFE0] =	vst v18;
	v9 =	vld.idx.msk [tilespmem:v9+s15+$0x0], $0xffff;
	v10 =	vmul.f32 $8.000000000e+00, v10;
	v17 =	vor.u32 s23, v11  }
0x269: {  	v18 =	vld.idx.msk [tilespmem:v21+s15+$0x0], $0xffff;
	[tilespmem:s5+$0xFFFFFFF0] =	vst v12;
	v12 =	vmul.f32 $8.000000000e+00, v15;
	v15 =	vor.u32 s16, v11  }
0x26a: {  	v14 =	vld.idx.msk [tilespmem:v14+s15+$0x0], $0xffff;
	[tilespmem:s1+$0x60] =	vst v10;
	v10 =	vmul.f32 $8.000000000e+00, v16;
	v16 =	vor.u32 s18, v11  }
0x26b: {  	v11 =	vor.u32 s28, v11;
	[tilespmem:s1+$0xFFFFFFE0] =	vst v12;
	v12 =	vld.idx.msk [tilespmem:v19+s15+$0x0], $0xffff;
	v19 =	vmul.f32 $8.000000000e+00, v20  }
0x26c: {  	v13 =	vld.idx.msk [tilespmem:v13+s15+$0x0], $0xffff;
	[tilespmem:s25+$0x60] =	vst v10;
	v8 =	vmul.f32 $8.000000000e+00, v8  }
0x26d: {  	v9 =	vmul.f32 $8.000000000e+00, v9;
	[tilespmem:s25+$0xFFFFFFE0] =	vst v19;
	v10 =	vld.idx.msk [tilespmem:v17+s15+$0x0], $0xffff  }
0x26e: {  	v17 =	vmul.f32 $8.000000000e+00, v18;
	v15 =	vld.idx.msk [tilespmem:v15+s15+$0x0], $0xffff;
	[tilespmem:s9+$0x60] =	vst v8  }
0x26f: {  	[tilespmem:s9+$0xFFFFFFE0] =	vst v9;
	v8 =	vmul.f32 $8.000000000e+00, v14;
	v9 =	vld.idx.msk [tilespmem:v16+s15+$0x0], $0xffff  }
0x270: {  	[tilespmem:s7+$0x70] =	vst v17;
	v11 =	vld.idx.msk [tilespmem:v11+s15+$0x0], $0xffff;
	v12 =	vmul.f32 $8.000000000e+00, v12  }
0x271: {  	[tilespmem:s7+$0xFFFFFFF0] =	vst v8;
	v8 =	vmul.f32 $8.000000000e+00, v13  }
0x272: {  	[tilespmem:s1+$0x70] =	vst v12;
	v10 =	vmul.f32 $8.000000000e+00, v10  }
0x273: {  	[tilespmem:s1+$0xFFFFFFF0] =	vst v8;
	v8 =	vmul.f32 $8.000000000e+00, v15  }
0x274: {  	s8 =	sshll.u32 s3, $0x12;
	[tilespmem:s25+$0x70] =	vst v10;
	v9 =	vmul.f32 $8.000000000e+00, v9  }
0x275: {  	s0 =	sor.u32 s6, s8;
	[tilespmem:s25+$0xFFFFFFF0] =	vst v8;
	v8 =	vmul.f32 $8.000000000e+00, v11  }
0x276: {  	s0 =	sshrl.u32 s0, $0x3;
	[tilespmem:s9+$0x70] =	vst v9  }
0x277: {  	s0 =	sadd.s32 s2, s0;
	[tilespmem:s9+$0xFFFFFFF0] =	vst v8;
	s9 =	simm.s32 $0x1A600  }
0x278: {  	[hbm4b:s0+s19] =	stream.strided.scatter [tilespmem:s9], [sflag:$0x7], $0x2000, s20, s19, $0x38;
	[tilespmem:$0x1E600] =	vst v63  }
0x279: {  	v8 =	vld @!p1 [tilespmem:s12+$0x300];
	_ =	sdelay $0x4  }
0x27a: {  	v8 =	vshrl.u32 @!p1 v8, $0x1  }
0x27b: {  	[tilespmem:$0x6500] =	vst @!p1 v8  }
0x27c: {  	v8 =	vld @!p1 [tilespmem:s12+$0x310];
	_ =	sdelay $0x4  }
0x27d: {  	v8 =	vshrl.u32 @!p1 v8, $0x1  }
0x27e: {  	[tilespmem:$0x6510] =	vst @!p1 v8  }
0x27f: {  	v8 =	vld @!p1 [tilespmem:s12+$0x320];
	_ =	sdelay $0x4  }
0x280: {  	v8 =	vshrl.u32 @!p1 v8, $0x1  }
0x281: {  	[tilespmem:$0x6520] =	vst @!p1 v8  }
0x282: {  	v8 =	vld @!p1 [tilespmem:s12+$0x330];
	_ =	sdelay $0x4  }
0x283: {  	v8 =	vshrl.u32 @!p1 v8, $0x1  }
0x284: {  	[tilespmem:$0x6530] =	vst @!p1 v8  }
0x285: {  	v8 =	vld @!p1 [tilespmem:s12+$0x340];
	_ =	sdelay $0x4  }
0x286: {  	v8 =	vshrl.u32 @!p1 v8, $0x1  }
0x287: {  	[tilespmem:$0x6540] =	vst @!p1 v8  }
0x288: {  	v8 =	vld @!p1 [tilespmem:s12+$0x350];
	_ =	sdelay $0x4  }
0x289: {  	v8 =	vshrl.u32 @!p1 v8, $0x1  }
0x28a: {  	[tilespmem:$0x6550] =	vst @!p1 v8  }
0x28b: {  	v8 =	vld @!p1 [tilespmem:s12+$0x360];
	_ =	sdelay $0x4  }
0x28c: {  	v8 =	vshrl.u32 @!p1 v8, $0x1  }
0x28d: {  	[tilespmem:$0x6560] =	vst @!p1 v8  }
0x28e: {  	v8 =	vld @!p1 [tilespmem:s12+$0x370];
	_ =	sdelay $0x4  }
0x28f: {  	v8 =	vshrl.u32 @!p1 v8, $0x1  }
0x290: {  	s3 =	simm.s32 @!p1 $0xE600;
	s1 =	simm.s32 @!p1 $0x6500;
	s0 =	simm.s32 @!p1 $0x80;
	[tilespmem:$0x6570] =	vst @!p1 v8  }
0x291: {  	[tilespmem:s3], [sflag:$0x3] =	stream.indirect.gather @!p1 [hbm4b:s4+s0], $0x80, s1, s0, $0xb8;
	[tilespmem:$0x1E600] =	vst v63  }
0x292: {  	_ =	swait.ge [sflag:s26], $0x4000  }
0x293: {  	[sflag:s26] =	ssyncset.done $0x0  }
0x294: {  	s0 =	simm.s32 @!p0 $0x8;
	[sflag:s26] =	ssyncadd.s32 $0xFFFFC000  }
0x295: {  	s3 =	sor.u32 $0x3, s14;
	_ =	swait.ge @!p0 [sflag:s0], $0x2000  }
0x296: {  	s14 =	sshll.u32 s3, $0x7;
	[sflag:s0] =	ssyncset.done @!p0 $0x0  }
0x297: {  	s16 =	sand.u32 $0x3FFFFF80, s14;
	[sflag:s0] =	ssyncadd.s32 @!p0 $0xFFFFE000  }
0x298: {  	v8 =	vld [tilespmem:s16+$0x0];
	_ =	sdelay $0x4  }
0x299: {  	v8 =	vshll.u32 v8, $0x6  }
0x29a: {  	v8 =	vand.u32 $0x40, v8  }
0x29b: {  	s18 =	simm.s32 $0x1;
	v10 =	vor.u32 v0, v8  }
0x29c: {  	s22 =	simm.s32 $0x0;
	v8 =	vld [tilespmem:s16+$0x10];
	v9 =	vor.u32 s18, v10  }
0x29d: {  	v11 =	vor.u32 s22, v10;
	_ =	sdelay $0x3  }
0x29e: {  	v8 =	vshll.u32 v8, $0x6;
	v9 =	vld.idx.msk [tilespmem:v9+s17+$0x0], $0xffff  }
0x29f: {  	v8 =	vand.u32 $0x40, v8;
	v13 =	vld.idx.msk [tilespmem:v11+s17+$0x0], $0xffff  }
0x2a0: {  	v12 =	vld [tilespmem:s16+$0x20];
	v14 =	vor.u32 v1, v8  }
0x2a1: {  	v16 =	vld [tilespmem:s16+$0x30];
	v15 =	vor.u32 s18, v14  }
0x2a2: {  	v17 =	vld [tilespmem:s16+$0x50];
	v18 =	vor.u32 s22, v14  }
0x2a3: {  	v19 =	vld [tilespmem:s16+$0x60];
	v9 =	vmul.f32 $8.000000000e+00, v9  }
0x2a4: {  	s21 =	simm.s32 $0x1C680;
	v11 =	vld [tilespmem:s16+$0x70];
	v13 =	vmul.f32 $8.000000000e+00, v13  }
0x2a5: {  	v8 =	vld [tilespmem:s16+$0x40];
	[tilespmem:s21+$0x0] =	vst v9  }
0x2a6: {  	s31 =	simm.s32 $0x3;
	v9 =	vshll.u32 v12, $0x6;
	[tilespmem:s21+$0xFFFFFF80] =	vst v13;
	v12 =	vld.idx.msk [tilespmem:v15+s17+$0x0], $0xffff  }
0x2a7: {  	s14 =	simm.s32 $0x2;
	v9 =	vand.u32 $0x40, v9;
	v13 =	vld.idx.msk [tilespmem:v18+s17+$0x0], $0xffff;
	v18 =	vor.u32 s31, v10  }
0x2a8: {  	v15 =	vor.u32 v2, v9;
	v9 =	vor.u32 s14, v10  }
0x2a9: {  	v20 =	vor.u32 s18, v15  }
0x2aa: {  	v21 =	vor.u32 s22, v15  }
0x2ab: {  	v12 =	vmul.f32 $8.000000000e+00, v12  }
0x2ac: {  	v18 =	vld.idx.msk [tilespmem:v18+s17+$0x0], $0xffff;
	v13 =	vmul.f32 $8.000000000e+00, v13  }
0x2ad: {  	v9 =	vld.idx.msk [tilespmem:v9+s17+$0x0], $0xffff;
	[tilespmem:s21+$0x10] =	vst v12  }
0x2ae: {  	v12 =	vshll.u32 v16, $0x6;
	[tilespmem:s21+$0xFFFFFF90] =	vst v13;
	v16 =	vld.idx.msk [tilespmem:v20+s17+$0x0], $0xffff  }
0x2af: {  	v12 =	vand.u32 $0x40, v12;
	v20 =	vld.idx.msk [tilespmem:v21+s17+$0x0], $0xffff;
	v21 =	vor.u32 s31, v14  }
0x2b0: {  	v13 =	vor.u32 v3, v12;
	v12 =	vor.u32 s14, v14  }
0x2b1: {  	v18 =	vmul.f32 $8.000000000e+00, v18;
	v22 =	vor.u32 s18, v13  }
0x2b2: {  	s5 =	simm.s32 $0x1C780;
	v23 =	vor.u32 s22, v13;
	v9 =	vmul.f32 $8.000000000e+00, v9  }
0x2b3: {  	[tilespmem:s5+$0x0] =	vst v18;
	v16 =	vmul.f32 $8.000000000e+00, v16  }
0x2b4: {  	s29 =	simm.s32 $0x5;
	[tilespmem:s5+$0xFFFFFF80] =	vst v9;
	v9 =	vld.idx.msk [tilespmem:v21+s17+$0x0], $0xffff;
	v18 =	vmul.f32 $8.000000000e+00, v20  }
0x2b5: {  	s8 =	simm.s32 $0x4;
	v20 =	vld.idx.msk [tilespmem:v12+s17+$0x0], $0xffff;
	[tilespmem:s21+$0x20] =	vst v16;
	v16 =	vor.u32 s29, v10  }
0x2b6: {  	v8 =	vshll.u32 v8, $0x6;
	v21 =	vor.u32 s8, v10;
	[tilespmem:s21+$0xFFFFFFA0] =	vst v18;
	v18 =	vld.idx.msk [tilespmem:v22+s17+$0x0], $0xffff  }
0x2b7: {  	v8 =	vand.u32 $0x40, v8;
	v22 =	vld.idx.msk [tilespmem:v23+s17+$0x0], $0xffff;
	v23 =	vor.u32 s31, v15  }
0x2b8: {  	v12 =	vor.u32 v4, v8;
	v8 =	vor.u32 s14, v15  }
0x2b9: {  	v24 =	vor.u32 s18, v12;
	v9 =	vmul.f32 $8.000000000e+00, v9  }
0x2ba: {  	v25 =	vor.u32 s22, v12;
	v20 =	vmul.f32 $8.000000000e+00, v20;
	v16 =	vld.idx.msk [tilespmem:v16+s17+$0x0], $0xffff  }
0x2bb: {  	v21 =	vld.idx.msk [tilespmem:v21+s17+$0x0], $0xffff;
	[tilespmem:s5+$0x10] =	vst v9;
	v9 =	vmul.f32 $8.000000000e+00, v18  }
0x2bc: {  	[tilespmem:s5+$0xFFFFFF90] =	vst v20;
	v18 =	vld.idx.msk [tilespmem:v23+s17+$0x0], $0xffff;
	v20 =	vmul.f32 $8.000000000e+00, v22  }
0x2bd: {  	v22 =	vld.idx.msk [tilespmem:v8+s17+$0x0], $0xffff;
	[tilespmem:s21+$0x30] =	vst v9;
	v9 =	vor.u32 s29, v14  }
0x2be: {  	v8 =	vshll.u32 v17, $0x6;
	[tilespmem:s21+$0xFFFFFFB0] =	vst v20;
	v20 =	vor.u32 s8, v14;
	v17 =	vld.idx.msk [tilespmem:v24+s17+$0x0], $0xffff  }
0x2bf: {  	v8 =	vand.u32 $0x40, v8;
	v23 =	vld.idx.msk [tilespmem:v25+s17+$0x0], $0xffff;
	v24 =	vor.u32 s31, v13;
	v16 =	vmul.f32 $8.000000000e+00, v16  }
0x2c0: {  	s7 =	simm.s32 $0x1C880;
	v21 =	vmul.f32 $8.000000000e+00, v21;
	v8 =	vor.u32 v5, v8;
	v25 =	vor.u32 s14, v13  }
0x2c1: {  	[tilespmem:s7+$0x0] =	vst v16;
	v16 =	vmul.f32 $8.000000000e+00, v18;
	v18 =	vor.u32 s18, v8  }
0x2c2: {  	s30 =	simm.s32 $0x6;
	[tilespmem:s7+$0xFFFFFF80] =	vst v21;
	v21 =	vmul.f32 $8.000000000e+00, v22;
	v22 =	vor.u32 s22, v8;
	v9 =	vld.idx.msk [tilespmem:v9+s17+$0x0], $0xffff  }
0x2c3: {  	s0 =	simm.s32 $0x7;
	v26 =	vor.u32 s30, v10;
	v20 =	vld.idx.msk [tilespmem:v20+s17+$0x0], $0xffff;
	[tilespmem:s5+$0x20] =	vst v16;
	v16 =	vmul.f32 $8.000000000e+00, v17  }
0x2c4: {  	s16 =	simm.s32 $0x8;
	v17 =	vor.u32 s0, v10;
	[tilespmem:s5+$0xFFFFFFA0] =	vst v21;
	v23 =	vmul.f32 $8.000000000e+00, v23;
	v21 =	vld.idx.msk [tilespmem:v24+s17+$0x0], $0xffff  }
0x2c5: {  	v28 =	vor.u32 s16, v10;
	v24 =	vld.idx.msk [tilespmem:v25+s17+$0x0], $0xffff;
	[tilespmem:s21+$0x40] =	vst v16  }
0x2c6: {  	v19 =	vshll.u32 v19, $0x6;
	v16 =	vor.u32 s29, v15;
	[tilespmem:s21+$0xFFFFFFC0] =	vst v23;
	v18 =	vld.idx.msk [tilespmem:v18+s17+$0x0], $0xffff  }
0x2c7: {  	v19 =	vand.u32 $0x40, v19;
	v23 =	vor.u32 s8, v15;
	v22 =	vld.idx.msk [tilespmem:v22+s17+$0x0], $0xffff  }
0x2c8: {  	v27 =	vor.u32 s31, v12;
	v25 =	vmul.f32 $8.000000000e+00, v9;
	v9 =	vor.u32 v6, v19;
	v19 =	vld.idx.msk [tilespmem:v26+s17+$0x0], $0xffff  }
0x2c9: {  	v20 =	vmul.f32 $8.000000000e+00, v20;
	v26 =	vor.u32 s14, v12;
	v17 =	vld.idx.msk [tilespmem:v17+s17+$0x0], $0xffff  }
0x2ca: {  	v28 =	vld.idx.msk [tilespmem:v28+s17+$0x0], $0xffff;
	[tilespmem:s7+$0x10] =	vst v25;
	v21 =	vmul.f32 $8.000000000e+00, v21;
	v25 =	vor.u32 s18, v9  }
0x2cb: {  	[tilespmem:s7+$0xFFFFFF90] =	vst v20;
	v20 =	vmul.f32 $8.000000000e+00, v24;
	v24 =	vor.u32 s22, v9;
	v16 =	vld.idx.msk [tilespmem:v16+s17+$0x0], $0xffff  }
0x2cc: {  	v23 =	vld.idx.msk [tilespmem:v23+s17+$0x0], $0xffff;
	[tilespmem:s5+$0x30] =	vst v21;
	v18 =	vmul.f32 $8.000000000e+00, v18;
	v21 =	vor.u32 s0, v14  }
0x2cd: {  	[tilespmem:s5+$0xFFFFFFB0] =	vst v20;
	v22 =	vmul.f32 $8.000000000e+00, v22;
	v20 =	vld.idx.msk [tilespmem:v27+s17+$0x0], $0xffff;
	v27 =	vor.u32 s30, v14  }
0x2ce: {  	v26 =	vld.idx.msk [tilespmem:v26+s17+$0x0], $0xffff;
	[tilespmem:s21+$0x50] =	vst v18;
	v17 =	vmul.f32 $8.000000000e+00, v17;
	v18 =	vor.u32 s29, v13  }
0x2cf: {  	s1 =	simm.s32 $0x1C980;
	v11 =	vshll.u32 v11, $0x6;
	v19 =	vmul.f32 $8.000000000e+00, v19;
	[tilespmem:s21+$0xFFFFFFD0] =	vst v22;
	v22 =	vld.idx.msk [tilespmem:v25+s17+$0x0], $0xffff;
	v25 =	vor.u32 s8, v13  }
0x2d0: {  	v11 =	vand.u32 $0x40, v11;
	v24 =	vld.idx.msk [tilespmem:v24+s17+$0x0], $0xffff;
	[tilespmem:s1+$0x0] =	vst v17;
	v16 =	vmul.f32 $8.000000000e+00, v16;
	v17 =	vor.u32 s31, v8  }
0x2d1: {  	v11 =	vor.u32 v7, v11;
	[tilespmem:s1+$0xFFFFFF80] =	vst v19;
	v19 =	vld.idx.msk [tilespmem:v21+s17+$0x0], $0xffff;
	v21 =	vmul.f32 $8.000000000e+00, v23;
	v23 =	vor.u32 s14, v8  }
0x2d2: {  	s23 =	simm.s32 $0x9;
	v27 =	vld.idx.msk [tilespmem:v27+s17+$0x0], $0xffff;
	[tilespmem:s7+$0x20] =	vst v16;
	v16 =	vmul.f32 $8.000000000e+00, v20;
	v20 =	vor.u32 s18, v11  }
0x2d3: {  	v29 =	vor.u32 s23, v10;
	[tilespmem:s7+$0xFFFFFFA0] =	vst v21;
	v18 =	vld.idx.msk [tilespmem:v18+s17+$0x0], $0xffff;
	v21 =	vmul.f32 $8.000000000e+00, v26  }
0x2d4: {  	v25 =	vld.idx.msk [tilespmem:v25+s17+$0x0], $0xffff;
	[tilespmem:s5+$0x40] =	vst v16;
	v16 =	vor.u32 s22, v11;
	v22 =	vmul.f32 $8.000000000e+00, v22  }
0x2d5: {  	v26 =	vor.u32 s0, v15;
	[tilespmem:s5+$0xFFFFFFC0] =	vst v21;
	v17 =	vld.idx.msk [tilespmem:v17+s17+$0x0], $0xffff  }
0x2d6: {  	v21 =	vmul.f32 $8.000000000e+00, v24;
	v24 =	vor.u32 s30, v15;
	v23 =	vld.idx.msk [tilespmem:v23+s17+$0x0], $0xffff;
	[tilespmem:s21+$0x60] =	vst v22  }
0x2d7: {  	v19 =	vmul.f32 $8.000000000e+00, v19;
	v22 =	vor.u32 s29, v12;
	v20 =	vld.idx.msk [tilespmem:v20+s17+$0x0], $0xffff  }
0x2d8: {  	[tilespmem:s21+$0xFFFFFFE0] =	vst v21;
	v21 =	vld.idx.msk [tilespmem:v29+s17+$0x0], $0xffff;
	v27 =	vmul.f32 $8.000000000e+00, v27;
	v29 =	vor.u32 s8, v12  }
0x2d9: {  	[tilespmem:s1+$0x10] =	vst v19;
	v18 =	vmul.f32 $8.000000000e+00, v18;
	v19 =	vor.u32 s31, v9;
	v16 =	vld.idx.msk [tilespmem:v16+s17+$0x0], $0xffff  }
0x2da: {  	s28 =	simm.s32 $0xA;
	[tilespmem:s1+$0xFFFFFF90] =	vst v27;
	v26 =	vld.idx.msk [tilespmem:v26+s17+$0x0], $0xffff;
	v25 =	vmul.f32 $8.000000000e+00, v25;
	v27 =	vor.u32 s14, v9  }
0x2db: {  	v30 =	vor.u32 s28, v10;
	v31 =	vld.idx.msk [tilespmem:v24+s17+$0x0], $0xffff;
	[tilespmem:s7+$0x30] =	vst v18;
	v17 =	vmul.f32 $8.000000000e+00, v17  }
0x2dc: {  	v34 =	vor.u32 s16, v14;
	[tilespmem:s7+$0xFFFFFFB0] =	vst v25;
	v33 =	vld.idx.msk [tilespmem:v22+s17+$0x0], $0xffff;
	v18 =	vmul.f32 $8.000000000e+00, v23  }
0x2dd: {  	v32 =	vor.u32 s23, v14;
	v28 =	vmul.f32 $8.000000000e+00, v28;
	v22 =	vld.idx.msk [tilespmem:v29+s17+$0x0], $0xffff;
	[tilespmem:s5+$0x50] =	vst v17  }
0x2de: {  	s25 =	simm.s32 $0x1CA80;
	v25 =	vor.u32 s0, v13;
	v17 =	vmul.f32 $8.000000000e+00, v20;
	[tilespmem:s5+$0xFFFFFFD0] =	vst v18;
	v19 =	vld.idx.msk [tilespmem:v19+s17+$0x0], $0xffff  }
0x2df: {  	[tilespmem:s25+$0xFFFFFF80] =	vst v28;
	v24 =	vor.u32 s30, v13;
	v20 =	vmul.f32 $8.000000000e+00, v21;
	v18 =	vld.idx.msk [tilespmem:v27+s17+$0x0], $0xffff  }
0x2e0: {  	v21 =	vor.u32 s29, v8;
	[tilespmem:s21+$0x70] =	vst v17;
	v17 =	vld.idx.msk [tilespmem:v30+s17+$0x0], $0xffff;
	v29 =	vmul.f32 $8.000000000e+00, v26  }
0x2e1: {  	[tilespmem:s25+$0x0] =	vst v20;
	v20 =	vor.u32 s8, v8;
	v27 =	vld.idx.msk [tilespmem:v34+s17+$0x0], $0xffff;
	v28 =	vmul.f32 $8.000000000e+00, v31  }
0x2e2: {  	s9 =	simm.s32 $0xC;
	s18 =	simm.s32 $0xB;
	v23 =	vmul.f32 $8.000000000e+00, v16;
	v16 =	vor.u32 s31, v11;
	v26 =	vld.idx.msk [tilespmem:v32+s17+$0x0], $0xffff;
	[tilespmem:s1+$0x20] =	vst v29;
	v29 =	vmul.f32 $8.000000000e+00, v33  }
.LBB2_9:
0x2e3: {  	p0 =	slt.u32 s9, $0x3E;
	v30 =	vor.u32 s18, v10;
	[tilespmem:s1+$0xFFFFFFA0] =	vst v28;
	v25 =	vld.idx.msk [tilespmem:v25+s17+$0x0], $0xffff;
	v22 =	vmul.f32 $8.000000000e+00, v22;
	s22 =	smov.u32 s0;
	s0 =	smov.u32 s23  }
0x2e4: {  	v28 =	vor.u32 s14, v11;
	v19 =	vmul.f32 $8.000000000e+00, v19;
	s23 =	smov.u32 s18;
	s14 =	smov.u32 s8;
	s8 =	smov.u32 s30;
	v24 =	vld.idx.msk [tilespmem:v24+s17+$0x0], $0xffff;
	[tilespmem:s7+$0x40] =	vst v29  }
0x2e5: {  	s30 =	smov.u32 s16;
	s16 =	smov.u32 s28;
	s28 =	smov.u32 s9;
	v29 =	vor.u32 s0, v15;
	v18 =	vmul.f32 $8.000000000e+00, v18;
	[tilespmem:s7+$0xFFFFFFC0] =	vst v22;
	v21 =	vld.idx.msk [tilespmem:v21+s17+$0x0], $0xffff  }
0x2e6: {  	v22 =	vor.u32 s30, v15;
	v20 =	vld.idx.msk [tilespmem:v20+s17+$0x0], $0xffff;
	[tilespmem:s5+$0x60] =	vst v19  }
0x2e7: {  	v19 =	vmul.f32 $8.000000000e+00, v26;
	v26 =	vor.u32 s22, v12;
	[tilespmem:s5+$0xFFFFFFE0] =	vst v18;
	v16 =	vld.idx.msk [tilespmem:v16+s17+$0x0], $0xffff  }
0x2e8: {  	v27 =	vmul.f32 $8.000000000e+00, v27;
	v18 =	vld.idx.msk [tilespmem:v30+s17+$0x0], $0xffff;
	v30 =	vor.u32 s8, v12;
	[tilespmem:s21+$0xFFFFFFF0] =	vst v23;
	s21 =	smov.u32 s5;
	s5 =	smov.u32 s7;
	s7 =	smov.u32 s1  }
0x2e9: {  	v23 =	vor.u32 s29, v9;
	s1 =	smov.u32 s25;
	[tilespmem:s25+$0x10] =	vst v19;
	v19 =	vmul.f32 $8.000000000e+00, v25;
	v28 =	vld.idx.msk [tilespmem:v28+s17+$0x0], $0xffff  }
0x2ea: {  	v24 =	vmul.f32 $8.000000000e+00, v24;
	[tilespmem:s25+$0xFFFFFF90] =	vst v27;
	v27 =	vld.idx.msk [tilespmem:v29+s17+$0x0], $0xffff;
	v29 =	vor.u32 s14, v9  }
0x2eb: {  	v31 =	vor.u32 s9, v10;
	v32 =	vld.idx.msk [tilespmem:v22+s17+$0x0], $0xffff;
	[tilespmem:s7+$0x30] =	vst v19;
	v19 =	vmul.f32 $8.000000000e+00, v21  }
0x2ec: {  	v33 =	vor.u32 s23, v14;
	v20 =	vmul.f32 $8.000000000e+00, v20;
	[tilespmem:s7+$0xFFFFFFB0] =	vst v24;
	v34 =	vld.idx.msk [tilespmem:v26+s17+$0x0], $0xffff  }
0x2ed: {  	v35 =	vor.u32 s16, v14;
	v16 =	vmul.f32 $8.000000000e+00, v16;
	v22 =	vld.idx.msk [tilespmem:v30+s17+$0x0], $0xffff;
	[tilespmem:s5+$0x50] =	vst v19  }
.Ltmp5:
0x2ee: {  	v25 =	vor.u32 s0, v13;
	v21 =	vmul.f32 $8.000000000e+00, v18;
	[tilespmem:s5+$0xFFFFFFD0] =	vst v20;
	v19 =	vld.idx.msk [tilespmem:v23+s17+$0x0], $0xffff;
	(pc) =	sbr.rel @p0 .LBB2_9-.Ltmp5, $4  }
0x2ef: {  	s25 =	sadd.s32 $0x100, s25;
	v24 =	vor.u32 s30, v13;
	v20 =	vmul.f32 $8.000000000e+00, v17;
	v23 =	vmul.f32 $8.000000000e+00, v28;
	v18 =	vld.idx.msk [tilespmem:v29+s17+$0x0], $0xffff;
	[tilespmem:s21+$0x70] =	vst v16  }
0x2f0: {  	v16 =	vmul.f32 $8.000000000e+00, v27;
	v17 =	vld.idx.msk [tilespmem:v31+s17+$0x0], $0xffff;
	[tilespmem:s25+$0x0] =	vst v21;
	v21 =	vor.u32 s22, v8  }
0x2f1: {  	v28 =	vmul.f32 $8.000000000e+00, v32;
	[tilespmem:s25+$0xFFFFFF80] =	vst v20;
	v26 =	vld.idx.msk [tilespmem:v33+s17+$0x0], $0xffff;
	v20 =	vor.u32 s8, v8  }
0x2f2: {  	s9 =	sadd.s32 $0x2, s9;
	s18 =	sadd.s32 $0x1, s28;
	v29 =	vmul.f32 $8.000000000e+00, v34;
	v27 =	vld.idx.msk [tilespmem:v35+s17+$0x0], $0xffff;
	[tilespmem:s1+$0x20] =	vst v16;
	v16 =	vor.u32 s29, v11;
	s29 =	smov.u32 s22  }
0x2f3: {  	v10 =	vor.u32 s18, v10;
	_ =	sdelay $0x4  }
0x2f4: {  	v10 =	vld.idx.msk [tilespmem:v10+s17+$0x0], $0xffff;
	_ =	sdelay $0x2  }
0x2f5: {  	v30 =	vor.u32 s18, v14  }
0x2f6: {  	v34 =	vor.u32 s28, v14  }
0x2f7: {  	v10 =	vmul.f32 $8.000000000e+00, v10  }
0x2f8: {  	s9 =	sadd.s32 $0x100, s25;
	v17 =	vmul.f32 $8.000000000e+00, v17  }
0x2f9: {  	v35 =	vor.u32 s23, v15;
	[tilespmem:s9+$0x0] =	vst v10  }
0x2fa: {  	[tilespmem:s9+$0xFFFFFF80] =	vst v17;
	v10 =	vld.idx.msk [tilespmem:v30+s17+$0x0], $0xffff  }
0x2fb: {  	v26 =	vmul.f32 $8.000000000e+00, v26;
	v14 =	vld.idx.msk [tilespmem:v34+s17+$0x0], $0xffff  }
0x2fc: {  	v36 =	vor.u32 s16, v15  }
0x2fd: {  	v31 =	vor.u32 s18, v15;
	[tilespmem:s25+$0x10] =	vst v26  }
0x2fe: {  	v37 =	vor.u32 s28, v15;
	v27 =	vmul.f32 $8.000000000e+00, v27;
	v17 =	vld.idx.msk [tilespmem:v35+s17+$0x0], $0xffff  }
0x2ff: {  	v10 =	vmul.f32 $8.000000000e+00, v10  }
0x300: {  	[tilespmem:s25+$0xFFFFFF90] =	vst v27;
	v14 =	vmul.f32 $8.000000000e+00, v14  }
0x301: {  	v39 =	vor.u32 s23, v13;
	v38 =	vld.idx.msk [tilespmem:v36+s17+$0x0], $0xffff;
	[tilespmem:s9+$0x10] =	vst v10  }
0x302: {  	[tilespmem:s9+$0xFFFFFF90] =	vst v14;
	v10 =	vld.idx.msk [tilespmem:v31+s17+$0x0], $0xffff  }
0x303: {  	[tilespmem:s21+$0xFFFFFFF0] =	vst v23;
	v17 =	vmul.f32 $8.000000000e+00, v17;
	v15 =	vld.idx.msk [tilespmem:v37+s17+$0x0], $0xffff  }
0x304: {  	[tilespmem:s1+$0xFFFFFFA0] =	vst v28;
	v40 =	vor.u32 s16, v13  }
0x305: {  	v22 =	vmul.f32 $8.000000000e+00, v22;
	v41 =	vor.u32 s18, v13;
	v24 =	vld.idx.msk [tilespmem:v24+s17+$0x0], $0xffff;
	[tilespmem:s25+$0x20] =	vst v17  }
0x306: {  	v43 =	vor.u32 s28, v13;
	[tilespmem:s7+$0x40] =	vst v29;
	v42 =	vmul.f32 $8.000000000e+00, v38;
	v14 =	vld.idx.msk [tilespmem:v39+s17+$0x0], $0xffff  }
0x307: {  	v25 =	vld.idx.msk [tilespmem:v25+s17+$0x0], $0xffff;
	[tilespmem:s7+$0xFFFFFFC0] =	vst v22;
	v10 =	vmul.f32 $8.000000000e+00, v10  }
0x308: {  	v47 =	vor.u32 s30, v12;
	v21 =	vld.idx.msk [tilespmem:v21+s17+$0x0], $0xffff;
	[tilespmem:s25+$0xFFFFFFA0] =	vst v42;
	v15 =	vmul.f32 $8.000000000e+00, v15  }
0x309: {  	v44 =	vmul.f32 $8.000000000e+00, v19;
	v50 =	vor.u32 s23, v12;
	v22 =	vld.idx.msk [tilespmem:v40+s17+$0x0], $0xffff;
	[tilespmem:s9+$0x20] =	vst v10  }
0x30a: {  	v45 =	vor.u32 s0, v12;
	v51 =	vmul.f32 $8.000000000e+00, v24;
	[tilespmem:s9+$0xFFFFFFA0] =	vst v15;
	v48 =	vld.idx.msk [tilespmem:v41+s17+$0x0], $0xffff  }
0x30b: {  	[tilespmem:s5+$0x60] =	vst v44;
	v14 =	vmul.f32 $8.000000000e+00, v14;
	v13 =	vld.idx.msk [tilespmem:v43+s17+$0x0], $0xffff  }
0x30c: {  	v52 =	vor.u32 s16, v12;
	v20 =	vld.idx.msk [tilespmem:v20+s17+$0x0], $0xffff;
	v49 =	vmul.f32 $8.000000000e+00, v25;
	[tilespmem:s1+$0xFFFFFFB0] =	vst v51  }
0x30d: {  	v53 =	vor.u32 s18, v12;
	v46 =	vmul.f32 $8.000000000e+00, v18;
	v18 =	vld.idx.msk [tilespmem:v47+s17+$0x0], $0xffff;
	[tilespmem:s25+$0x30] =	vst v14  }
0x30e: {  	v56 =	vor.u32 s28, v12;
	[tilespmem:s1+$0x30] =	vst v49;
	v55 =	vmul.f32 $8.000000000e+00, v22;
	v59 =	vld.idx.msk [tilespmem:v50+s17+$0x0], $0xffff  }
0x30f: {  	v32 =	vor.u32 s8, v9;
	[tilespmem:s5+$0xFFFFFFE0] =	vst v46;
	v54 =	vld.idx.msk [tilespmem:v45+s17+$0x0], $0xffff;
	v57 =	vmul.f32 $8.000000000e+00, v48  }
0x310: {  	v63 =	vor.u32 s30, v8;
	v16 =	vld.idx.msk [tilespmem:v16+s17+$0x0], $0xffff;
	[tilespmem:s25+$0xFFFFFFB0] =	vst v55;
	v13 =	vmul.f32 $8.000000000e+00, v13  }
0x311: {  	v25 =	vor.u32 s23, v8;
	v62 =	vmul.f32 $8.000000000e+00, v20;
	v61 =	vld.idx.msk [tilespmem:v52+s17+$0x0], $0xffff;
	[tilespmem:s9+$0x30] =	vst v57  }
0x312: {  	v60 =	vor.u32 s0, v8;
	v26 =	vmul.f32 $8.000000000e+00, v18;
	[tilespmem:s9+$0xFFFFFFB0] =	vst v13;
	v24 =	vld.idx.msk [tilespmem:v53+s17+$0x0], $0xffff  }
0x313: {  	v58 =	vor.u32 s29, v9;
	[tilespmem:s7+$0xFFFFFFD0] =	vst v62;
	v28 =	vmul.f32 $8.000000000e+00, v59;
	v12 =	vld.idx.msk [tilespmem:v56+s17+$0x0], $0xffff  }
0x314: {  	v27 =	vor.u32 s16, v8;
	v40 =	vld.idx.msk [tilespmem:v32+s17+$0x0], $0xffff;
	[tilespmem:s1+$0xFFFFFFC0] =	vst v26;
	v10 =	vmul.f32 $8.000000000e+00, v54  }
0x315: {  	v29 =	vor.u32 s18, v8;
	v21 =	vmul.f32 $8.000000000e+00, v21;
	v20 =	vld.idx.msk [tilespmem:v63+s17+$0x0], $0xffff;
	[tilespmem:s25+$0x40] =	vst v28  }
0x316: {  	v8 =	vor.u32 s28, v8;
	v31 =	vmul.f32 $8.000000000e+00, v61;
	[tilespmem:s1+$0x40] =	vst v10;
	v17 =	vld.idx.msk [tilespmem:v25+s17+$0x0], $0xffff  }
0x317: {  	[tilespmem:s7+$0x50] =	vst v21;
	v30 =	vld.idx.msk [tilespmem:v60+s17+$0x0], $0xffff;
	v33 =	vmul.f32 $8.000000000e+00, v24  }
0x318: {  	v37 =	vor.u32 s30, v9;
	v15 =	vld.idx.msk [tilespmem:v58+s17+$0x0], $0xffff;
	[tilespmem:s25+$0xFFFFFFC0] =	vst v31;
	v12 =	vmul.f32 $8.000000000e+00, v12  }
0x319: {  	v16 =	vmul.f32 $8.000000000e+00, v16;
	v39 =	vor.u32 s23, v9;
	v18 =	vld.idx.msk [tilespmem:v27+s17+$0x0], $0xffff;
	[tilespmem:s9+$0x40] =	vst v33  }
0x31a: {  	v35 =	vor.u32 s0, v9;
	v41 =	vmul.f32 $8.000000000e+00, v20;
	[tilespmem:s9+$0xFFFFFFC0] =	vst v12;
	v38 =	vld.idx.msk [tilespmem:v29+s17+$0x0], $0xffff  }
0x31b: {  	v34 =	vor.u32 s14, v11;
	[tilespmem:s5+$0x70] =	vst v16;
	v43 =	vmul.f32 $8.000000000e+00, v17;
	v8 =	vld.idx.msk [tilespmem:v8+s17+$0x0], $0xffff  }
0x31c: {  	v42 =	vor.u32 s16, v9;
	[tilespmem:s1+$0xFFFFFFD0] =	vst v41;
	v14 =	vmul.f32 $8.000000000e+00, v30  }
0x31d: {  	v44 =	vor.u32 s18, v9;
	v49 =	vmul.f32 $8.000000000e+00, v40;
	v36 =	vmul.f32 $8.000000000e+00, v15;
	v15 =	vld.idx.msk [tilespmem:v37+s17+$0x0], $0xffff;
	[tilespmem:s25+$0x50] =	vst v43  }
0x31e: {  	v46 =	vor.u32 s28, v9;
	v18 =	vmul.f32 $8.000000000e+00, v18;
	[tilespmem:s1+$0x50] =	vst v14;
	v16 =	vld.idx.msk [tilespmem:v39+s17+$0x0], $0xffff  }
0x31f: {  	v47 =	vor.u32 s29, v11;
	[tilespmem:s7+$0xFFFFFFE0] =	vst v49;
	v45 =	vld.idx.msk [tilespmem:v35+s17+$0x0], $0xffff;
	v12 =	vmul.f32 $8.000000000e+00, v38  }
0x320: {  	v13 =	vld.idx.msk [tilespmem:v34+s17+$0x0], $0xffff;
	v48 =	vor.u32 s8, v11;
	[tilespmem:s25+$0xFFFFFFD0] =	vst v18;
	v8 =	vmul.f32 $8.000000000e+00, v8  }
0x321: {  	v53 =	vor.u32 s23, v11;
	v20 =	vld.idx.msk [tilespmem:v42+s17+$0x0], $0xffff;
	[tilespmem:s9+$0x50] =	vst v12  }
0x322: {  	v52 =	vor.u32 s30, v11;
	v55 =	vmul.f32 $8.000000000e+00, v15;
	[tilespmem:s9+$0xFFFFFFD0] =	vst v8;
	v8 =	vld.idx.msk [tilespmem:v44+s17+$0x0], $0xffff  }
0x323: {  	v50 =	vor.u32 s0, v11;
	[tilespmem:s7+$0x60] =	vst v36;
	v57 =	vmul.f32 $8.000000000e+00, v16;
	v9 =	vld.idx.msk [tilespmem:v46+s17+$0x0], $0xffff  }
0x324: {  	v54 =	vld.idx.msk [tilespmem:v47+s17+$0x0], $0xffff;
	v56 =	vor.u32 s16, v11;
	[tilespmem:s1+$0xFFFFFFE0] =	vst v55;
	v10 =	vmul.f32 $8.000000000e+00, v45  }
0x325: {  	v58 =	vor.u32 s18, v11;
	v51 =	vmul.f32 $8.000000000e+00, v13;
	v14 =	vld.idx.msk [tilespmem:v48+s17+$0x0], $0xffff;
	[tilespmem:s25+$0x60] =	vst v57  }
0x326: {  	v61 =	vor.u32 s28, v11;
	v60 =	vmul.f32 $8.000000000e+00, v20;
	[tilespmem:s1+$0x60] =	vst v10;
	v10 =	vld.idx.msk [tilespmem:v53+s17+$0x0], $0xffff  }
0x327: {  	[tilespmem:s5+$0xFFFFFFF0] =	vst v51;
	v13 =	vld.idx.msk [tilespmem:v52+s17+$0x0], $0xffff;
	v8 =	vmul.f32 $8.000000000e+00, v8  }
0x328: {  	[tilespmem:s25+$0xFFFFFFE0] =	vst v60;
	v59 =	vld.idx.msk [tilespmem:v50+s17+$0x0], $0xffff;
	v9 =	vmul.f32 $8.000000000e+00, v9  }
0x329: {  	v62 =	vmul.f32 $8.000000000e+00, v54;
	v15 =	vld.idx.msk [tilespmem:v56+s17+$0x0], $0xffff;
	[tilespmem:s9+$0x60] =	vst v8  }
0x32a: {  	[tilespmem:s9+$0xFFFFFFE0] =	vst v9;
	v8 =	vmul.f32 $8.000000000e+00, v14;
	v63 =	vld.idx.msk [tilespmem:v58+s17+$0x0], $0xffff  }
0x32b: {  	[tilespmem:s7+$0x70] =	vst v62;
	v10 =	vmul.f32 $8.000000000e+00, v10;
	v11 =	vld.idx.msk [tilespmem:v61+s17+$0x0], $0xffff  }
0x32c: {  	[tilespmem:s7+$0xFFFFFFF0] =	vst v8;
	v8 =	vmul.f32 $8.000000000e+00, v13  }
0x32d: {  	v12 =	vmul.f32 $8.000000000e+00, v59;
	[tilespmem:s25+$0x70] =	vst v10  }
0x32e: {  	[tilespmem:s1+$0xFFFFFFF0] =	vst v8;
	v8 =	vmul.f32 $8.000000000e+00, v15  }
.Ltmp6:
0x32f: {  	s30 =	sshll.u32 s3, $0x12;
	[tilespmem:s1+$0x70] =	vst v12;
	v9 =	vmul.f32 $8.000000000e+00, v63;
	(pc) =	sbr.rel @p1 .LBB2_12-.Ltmp6, $4  }
0x330: {  	s0 =	sor.u32 s6, s30;
	[tilespmem:s25+$0xFFFFFFF0] =	vst v8;
	v8 =	vmul.f32 $8.000000000e+00, v11  }
0x331: {  	s0 =	sshrl.u32 s0, $0x3;
	[tilespmem:s9+$0x70] =	vst v9  }
0x332: {  	s31 =	simm.s32 $0x1C600;
	s0 =	sadd.s32 s2, s0;
	[tilespmem:s9+$0xFFFFFFF0] =	vst v8  }
0x333: {  	[hbm4b:s0+s19] =	stream.strided.scatter [tilespmem:s31], [sflag:$0x8], $0x2000, s20, s19, $0x38;
	[tilespmem:$0x1E600] =	vst v63  }
0x334: {  	v8 =	vld [tilespmem:s12+$0x380];
	_ =	sdelay $0x4  }
0x335: {  	v8 =	vshrl.u32 v8, $0x1  }
0x336: {  	[tilespmem:$0x6580] =	vst v8  }
0x337: {  	v8 =	vld [tilespmem:s12+$0x390];
	_ =	sdelay $0x4  }
0x338: {  	v8 =	vshrl.u32 v8, $0x1  }
0x339: {  	[tilespmem:$0x6590] =	vst v8  }
0x33a: {  	v8 =	vld [tilespmem:s12+$0x3A0];
	_ =	sdelay $0x4  }
0x33b: {  	v8 =	vshrl.u32 v8, $0x1  }
0x33c: {  	[tilespmem:$0x65A0] =	vst v8  }
0x33d: {  	v8 =	vld [tilespmem:s12+$0x3B0];
	_ =	sdelay $0x4  }
0x33e: {  	v8 =	vshrl.u32 v8, $0x1  }
0x33f: {  	[tilespmem:$0x65B0] =	vst v8  }
0x340: {  	v8 =	vld [tilespmem:s12+$0x3C0];
	_ =	sdelay $0x4  }
0x341: {  	v8 =	vshrl.u32 v8, $0x1  }
0x342: {  	[tilespmem:$0x65C0] =	vst v8  }
0x343: {  	v8 =	vld [tilespmem:s12+$0x3D0];
	_ =	sdelay $0x4  }
0x344: {  	v8 =	vshrl.u32 v8, $0x1  }
0x345: {  	[tilespmem:$0x65D0] =	vst v8  }
0x346: {  	v8 =	vld [tilespmem:s12+$0x3E0];
	_ =	sdelay $0x4  }
0x347: {  	v8 =	vshrl.u32 v8, $0x1  }
0x348: {  	[tilespmem:$0x65E0] =	vst v8  }
0x349: {  	v8 =	vld [tilespmem:s12+$0x3F0];
	_ =	sdelay $0x2  }
.Ltmp7:
0x34a: {  	_ = 	snop;
	(pc) =	sbr.rel .LBB2_2-.Ltmp7, $4  }
0x34b: {  	_ = 	snop  }
0x34c: {  	v8 =	vshrl.u32 v8, $0x1  }
0x34d: {  	s0 =	simm.s32 $0x80;
	s1 =	simm.s32 $0x6580;
	s10 =	sadd.s32 $0x1, s10;
	[tilespmem:$0x65F0] =	vst v8  }
0x34e: {  	[tilespmem:s17], [sflag:$0x4] =	stream.indirect.gather [hbm4b:s4+s0], $0x80, s1, s0, $0xb8;
	[tilespmem:$0x1E600] =	vst v63  }
.LBB2_13:
0x34f: {  	_ =	sfence.sel $0x180000  }
0x350: {  	[bflag:$0x0] =	sbarrier.arrive $0xFFFF  }
0x351: {  	_ =	strace $0x90000047  }
0x352: {  	s0 =	stileid.u32;
	[bflag:$0x2] =	sbarrier.arrive $0xFFFF  }
0x353: {  	p0 =	sne.s32 s0, $0x0;
	s0 =	rddreg [dreg:$0x2]  }
0x354: {  	s0 =	sadd.s32 @!p0 $0x100000, s0  }
0x355: {  	[sflag:s0] =	ssyncadd.tile.s32 @!p0 $0x1;
	_ =	shalt  }
.Lfunc_end2:
_tile_overlayer_lowered:
.L_overlay_start_2:
0x356: {  	(tag) =	ssettag $0x2  }
0x357: {  	s0 =	rddreg [dreg:$0x0];
	s2 =	stileid.u32  }
0x358: {  	s1 =	rddreg [dreg:$0x1];
	p0 =	sne.s32 s2, $0x0  }
0x359: {  	s3 =	rddreg [dreg:$0x2];
	[bflag:$0x3] =	sbarrier.arrive $0xFFFF;
	s2 =	simm.s32 @!p0 $0x1C09  }
0x35a: {  	[timem:s3], [sflag:s2] =	dma.local @!p0 [hbm:s0], s1  }
0x35b: {  	s0 =	simm.s32 @!p0 $0x9  }
0x35c: {  	_ =	swait.ge @!p0 [sflag:s0], s1  }
0x35d: {  	s1 =	ssub.s32 @!p0 $0x0, s1;
	[sflag:s0] =	ssyncset.done @!p0 $0x0  }
0x35e: {  	[sflag:s0] =	ssyncadd.s32 @!p0 s1  }
0x35f: {  	[bflag:$0x3] =	sbarrier.arrive $0xFFFF  }
0x360: {  	_ =	shalt  }

</sc_bundles>
